<compile_context>
chip_gen: v7x
topology: tpu7x:2x2x1
jax: 0.10.2.dev20260603
libtpu: 0.0.44.dev20260713+nightly
codegen_flags: <defaults>
</compile_context>

<pallas_src>
import functools

import numpy as np
import jax
import jax.numpy as jnp
from jax import lax
from jax.experimental import pallas as pl
from jax.experimental.pallas import tpu as pltpu
from jax.experimental.pallas import tpu_sc as plsc

N_LEVELS = 16
F_PER_LEVEL = 2
LOG2_T = 16
TABLE_SIZE = 1 << LOG2_T
BASE_RES_ = 16
FINEST_RES_ = 512
N_DFT = 4
MLP_OUT_ = 16
N_PTS = 131072
HIDDEN_ = 64

_GROWTH = np.exp((np.log(FINEST_RES_) - np.log(BASE_RES_)) / (N_LEVELS - 1))
_RES_LIST = [float(np.floor(BASE_RES_ * _GROWTH ** l)) for l in range(N_LEVELS)]
_P1 = int(np.int32(np.uint32(2654435761)))
_P2 = int(np.int32(np.uint32(805459861)))

NC = 2
NS = 16
NW = NC * NS
P_PER_W = N_PTS // NW
CHUNK = 16
N_CHUNKS = P_PER_W // CHUNK


def _sc_embed_body(xr_hbm, yr_hbm, zr_hbm, c1_hbm, c2_hbm, c3_hbm, res_hbm,
                   tab_hbm, out_hbm,
                   xb_v, yb_v, zb_v, c1b_v, c2b_v, c3b_v, res_v,
                   idx0_v, idx1_v, w0_v, w1_v, rows0_v, rows1_v, outc_v, sem):
    cid = lax.axis_index("c")
    sid = lax.axis_index("s")
    wid = sid * NC + cid
    wbase = wid * P_PER_W

    pltpu.sync_copy(xr_hbm.at[pl.ds(wbase, P_PER_W)], xb_v)
    pltpu.sync_copy(yr_hbm.at[pl.ds(wbase, P_PER_W)], yb_v)
    pltpu.sync_copy(zr_hbm.at[pl.ds(wbase, P_PER_W)], zb_v)
    pltpu.sync_copy(c1_hbm.at[pl.ds(wbase, P_PER_W)], c1b_v)
    pltpu.sync_copy(c2_hbm.at[pl.ds(wbase, P_PER_W)], c2b_v)
    pltpu.sync_copy(c3_hbm.at[pl.ds(wbase, P_PER_W)], c3b_v)
    pltpu.sync_copy(res_hbm, res_v)

    lanes = lax.iota(jnp.int32, 16)

    def phase_a(ci, idx_v, w_v):
        base = ci * CHUNK
        px = xb_v[pl.ds(base, CHUNK)]
        py = yb_v[pl.ds(base, CHUNK)]
        pz = zb_v[pl.ds(base, CHUNK)]

        def lvl_a(l, c2):
            lsplat = jnp.full((16,), l, jnp.int32)
            r = plsc.load_gather(res_v, [lsplat])
            xs = px * r
            ys = py * r
            zs = pz * r
            xi = xs.astype(jnp.int32)
            yi = ys.astype(jnp.int32)
            zi = zs.astype(jnp.int32)
            wx1 = xs - xi.astype(jnp.float32)
            wy1 = ys - yi.astype(jnp.float32)
            wz1 = zs - zi.astype(jnp.float32)
            wx0 = 1.0 - wx1
            wy0 = 1.0 - wy1
            wz0 = 1.0 - wz1
            hx = (xi, xi + 1)
            hy = (yi * _P1, yi * _P1 + _P1)
            hz = (zi * _P2, zi * _P2 + _P2)
            wyz = (wy0 * wz0, wy0 * wz1, wy1 * wz0, wy1 * wz1)
            wx = (wx0, wx1)
            lbase = l * TABLE_SIZE
            l128 = l * 128
            for o in range(8):
                i, j, k = (o >> 2) & 1, (o >> 1) & 1, o & 1
                h = ((hx[i] ^ hy[j] ^ hz[k]) & 0xFFFF) + lbase
                idx_v[pl.ds(l128 + o * 16, 16)] = h
                w_v[pl.ds(l128 + o * 16, 16)] = wx[i] * wyz[2 * j + k]
            return c2
        lax.fori_loop(0, N_LEVELS, lvl_a, 0, unroll=False)

    def fire(idx_v, rows_v):
        pltpu.async_copy(tab_hbm.at[idx_v], rows_v, sem)

    def drain(idx_v, rows_v):
        pltpu.make_async_copy(tab_hbm.at[idx_v], rows_v, sem).wait()

    fsplats = [jnp.full((16,), f, jnp.int32) for f in range(8)]

    def phase_b(ci, w_v, rows_v):
        base = ci * CHUNK
        cks = (None, c1b_v[pl.ds(base, CHUNK)], c2b_v[pl.ds(base, CHUNK)],
               c3b_v[pl.ds(base, CHUNK)])

        def lvl_b(l, c2):
            l128 = l * 128
            lb8 = l * 8
            acc = [jnp.zeros((16,), jnp.float32) for _ in range(8)]
            for o in range(8):
                rowv = lanes + (l128 + o * 16)
                wv = w_v[pl.ds(l128 + o * 16, 16)]
                for f in range(8):
                    v = plsc.load_gather(rows_v, [rowv, fsplats[f]])
                    acc[f] = acc[f] + wv * v
            for f in range(8):
                val = acc[f] if cks[f // 2] is None else acc[f] * cks[f // 2]
                plsc.store_scatter(outc_v, [lanes, jnp.full((16,), lb8 + f, jnp.int32)],
                                   val)
            return c2
        lax.fori_loop(0, N_LEVELS, lvl_b, 0, unroll=False)

        pltpu.sync_copy(outc_v, out_hbm.at[pl.ds(wbase + ci * CHUNK, CHUNK), :])

    phase_a(0, idx0_v, w0_v)
    fire(idx0_v, rows0_v)

    def body2(j, carry):
        ci = j * 2
        phase_a(ci + 1, idx1_v, w1_v)
        fire(idx1_v, rows1_v)
        drain(idx0_v, rows0_v)
        phase_b(ci, w0_v, rows0_v)

        @pl.when(j < N_CHUNKS // 2 - 1)
        def _():
            phase_a(ci + 2, idx0_v, w0_v)
            fire(idx0_v, rows0_v)

        drain(idx1_v, rows1_v)
        phase_b(ci + 1, w1_v, rows1_v)
        return carry

    lax.fori_loop(0, N_CHUNKS // 2, body2, 0, unroll=False)


@functools.cache
def _build_sc_embed():
    mesh = plsc.VectorSubcoreMesh(core_axis_name="c", subcore_axis_name="s")
    return pl.kernel(
        _sc_embed_body,
        out_type=jax.ShapeDtypeStruct((N_PTS, N_LEVELS * N_DFT * F_PER_LEVEL),
                                      jnp.float32),
        mesh=mesh,
        compiler_params=pltpu.CompilerParams(needs_layout_passes=False,
                                             use_tc_tiling_on_sc=False),
        scratch_types=[
            pltpu.VMEM((P_PER_W,), jnp.float32),
            pltpu.VMEM((P_PER_W,), jnp.float32),
            pltpu.VMEM((P_PER_W,), jnp.float32),
            pltpu.VMEM((P_PER_W,), jnp.float32),
            pltpu.VMEM((P_PER_W,), jnp.float32),
            pltpu.VMEM((P_PER_W,), jnp.float32),
            pltpu.VMEM((N_LEVELS,), jnp.float32),
            pltpu.VMEM((N_LEVELS * 8 * CHUNK,), jnp.int32),
            pltpu.VMEM((N_LEVELS * 8 * CHUNK,), jnp.int32),
            pltpu.VMEM((N_LEVELS * 8 * CHUNK,), jnp.float32),
            pltpu.VMEM((N_LEVELS * 8 * CHUNK,), jnp.float32),
            pltpu.VMEM((N_LEVELS * 8 * CHUNK, N_DFT * F_PER_LEVEL), jnp.float32),
            pltpu.VMEM((N_LEVELS * 8 * CHUNK, N_DFT * F_PER_LEVEL), jnp.float32),
            pltpu.VMEM((CHUNK, N_LEVELS * N_DFT * F_PER_LEVEL), jnp.float32),
            pltpu.SemaphoreType.DMA,
        ],
    )


_BT = 8192


def _basis_body(t_ref, c1_ref, c2_ref, c3_ref):
    t = t_ref[...]
    c1 = jnp.cos(np.float32(np.pi) * t)
    c2 = 2.0 * c1 * c1 - 1.0
    c3 = 2.0 * c2 * c1 - c1
    c1_ref[...] = c1
    c2_ref[...] = c2
    c3_ref[...] = c3


@functools.cache
def _build_basis():
    return pl.pallas_call(
        _basis_body,
        grid=(N_PTS // _BT,),
        in_specs=[pl.BlockSpec((_BT,), lambda i: (i,))],
        out_specs=[pl.BlockSpec((_BT,), lambda i: (i,))] * 3,
        out_shape=[jax.ShapeDtypeStruct((N_PTS,), jnp.float32)] * 3,
    )


def _mlp_body(g_ref, w1_ref, b1_ref, w2_ref, b2_ref, w3_ref, b3_ref, o_ref):
    g = g_ref[...]
    srow = lax.broadcasted_iota(jnp.int32, (128, 32), 0)
    scol = lax.broadcasted_iota(jnp.int32, (128, 32), 1)
    sel = (scol == (srow // 8) * 2 + srow % 2).astype(jnp.float32)
    h32 = jnp.dot(g, sel, preferred_element_type=jnp.float32)
    h = jnp.maximum(jnp.dot(h32, w1_ref[...], preferred_element_type=jnp.float32)
                    + b1_ref[...], 0.0)
    h = jnp.maximum(jnp.dot(h, w2_ref[...], preferred_element_type=jnp.float32)
                    + b2_ref[...], 0.0)
    o_ref[...] = (jnp.dot(h, w3_ref[...], preferred_element_type=jnp.float32)
                  + b3_ref[...])


_BN = 8192


@functools.cache
def _build_mlp():
    d_in = N_LEVELS * N_DFT * F_PER_LEVEL
    return pl.pallas_call(
        _mlp_body,
        grid=(N_PTS // _BN,),
        in_specs=[
            pl.BlockSpec((_BN, d_in), lambda i: (i, 0)),
            pl.BlockSpec((2 * N_LEVELS, HIDDEN_), lambda i: (0, 0)),
            pl.BlockSpec((1, HIDDEN_), lambda i: (0, 0)),
            pl.BlockSpec((HIDDEN_, HIDDEN_), lambda i: (0, 0)),
            pl.BlockSpec((1, HIDDEN_), lambda i: (0, 0)),
            pl.BlockSpec((HIDDEN_, MLP_OUT_), lambda i: (0, 0)),
            pl.BlockSpec((1, MLP_OUT_), lambda i: (0, 0)),
        ],
        out_specs=pl.BlockSpec((_BN, MLP_OUT_), lambda i: (i, 0)),
        out_shape=jax.ShapeDtypeStruct((N_PTS, MLP_OUT_), jnp.float32),
    )


def kernel(x, t, tables, W1, b1, W2, b2, W3, b3):
    tab_flat = tables.reshape(N_LEVELS * TABLE_SIZE, N_DFT * F_PER_LEVEL)
    res = jnp.asarray(_RES_LIST, jnp.float32)
    c1, c2, c3 = _build_basis()(t)
    feats = _build_sc_embed()(x[:, 0], x[:, 1], x[:, 2], c1, c2, c3, res, tab_flat)
    return _build_mlp()(feats, W1, b1[None], W2, b2[None], W3, b3[None])

# --- scband reference (transcript-rebuilt; emitter-appended) ---
"""Pipeline reference for scband-dct-ngp-with-mlp-26499948216374 (READ-ONLY COPY).

The authoritative reference and input builder live on the scoring server;
editing this copy changes nothing except your own understanding.
"""

import jax, jax.numpy as jnp
import numpy as np

N_LEVELS = 16
F_PER_LEVEL = 2
LOG2_T = 16
TABLE_SIZE = 1 << LOG2_T
BASE_RES = 16
FINEST_RES = 512
N_DFT = 4
MLP_OUT = 16
N = 131072
HIDDEN = 64


def _hash(coords):
    # coords: int32 [..., 3] -> spatial hash into table of size 2^LOG2_T
    p0 = jnp.uint32(1)
    p1 = jnp.uint32(2654435761)
    p2 = jnp.uint32(805459861)
    c = coords.astype(jnp.uint32)
    h = (c[..., 0] * p0) ^ (c[..., 1] * p1) ^ (c[..., 2] * p2)
    return (h & jnp.uint32(TABLE_SIZE - 1)).astype(jnp.int32)


def setup_inputs(seed: int = 0) -> dict:
    key = jax.random.key(seed)
    ks = jax.random.split(key, 10)
    x = jax.random.uniform(ks[0], (N, 3), dtype=jnp.float32)
    t = jax.random.uniform(ks[1], (N,), dtype=jnp.float32)
    tables = jax.random.uniform(ks[2], (N_LEVELS, TABLE_SIZE, N_DFT * F_PER_LEVEL),
                                minval=-1e-4, maxval=1e-4, dtype=jnp.float32)
    d_in = N_LEVELS * F_PER_LEVEL
    W1 = jax.random.normal(ks[3], (d_in, HIDDEN), dtype=jnp.float32) * 0.05
    b1 = jnp.zeros((HIDDEN,), dtype=jnp.float32)
    W2 = jax.random.normal(ks[4], (HIDDEN, HIDDEN), dtype=jnp.float32) * 0.05
    b2 = jnp.zeros((HIDDEN,), dtype=jnp.float32)
    W3 = jax.random.normal(ks[5], (HIDDEN, MLP_OUT), dtype=jnp.float32) * 0.05
    b3 = jnp.zeros((MLP_OUT,), dtype=jnp.float32)
    return {"x": x, "t": t, "tables": tables,
            "W1": W1, "b1": b1, "W2": W2, "b2": b2, "W3": W3, "b3": b3}


def reference(x, t, tables, W1, b1, W2, b2, W3, b3):
    growth = np.exp((np.log(FINEST_RES) - np.log(BASE_RES)) / (N_LEVELS - 1))
    offsets = jnp.array([[i, j, k] for i in (0, 1) for j in (0, 1) for k in (0, 1)],
                        dtype=jnp.int32)  # [8, 3]
    # DCT temporal basis: cos(pi * k * t), k = 0..N_DFT-1
    basis = jnp.cos(np.pi * t[:, None] * jnp.arange(N_DFT, dtype=jnp.float32)[None, :])  # [N, K]
    feats = []
    for l in range(N_LEVELS):
        res = float(np.floor(BASE_RES * growth ** l))
        xs = x * res
        x0 = jnp.floor(xs)
        w = xs - x0  # [N, 3] trilinear weights
        corners = x0.astype(jnp.int32)[:, None, :] + offsets[None, :, :]  # [N, 8, 3]
        idx = _hash(corners)  # [N, 8]
        f = jnp.take(tables[l], idx, axis=0)  # [N, 8, K*F]
        wx = jnp.where(offsets[None, :, 0] == 1, w[:, 0:1], 1.0 - w[:, 0:1])
        wy = jnp.where(offsets[None, :, 1] == 1, w[:, 1:2], 1.0 - w[:, 1:2])
        wz = jnp.where(offsets[None, :, 2] == 1, w[:, 2:3], 1.0 - w[:, 2:3])
        wgt = wx * wy * wz  # [N, 8]
        fl = jnp.sum(f * wgt[:, :, None], axis=1)  # [N, K*F]
        fl = fl.reshape(-1, N_DFT, F_PER_LEVEL)
        fl = jnp.sum(fl * basis[:, :, None], axis=1)  # [N, F]
        feats.append(fl)
    h = jnp.concatenate(feats, axis=-1)  # [N, L*F]
    h = jax.nn.relu(h @ W1 + b1)
    h = jax.nn.relu(h @ W2 + b2)
    return h @ W3 + b3

if __name__ == "__main__":
    import jax
    _d = setup_inputs()
    print(jax.jit(kernel)(*tuple(_d.values())))

</pallas_src>

<mosaic_0001>
#map = affine_map<(d0, d1) -> (0)>
#map1 = affine_map<(d0, d1) -> (0, 0)>
module attributes {stable_mosaic.version = 14 : i64} {
  func.func @_sc_embed_body(%arg0: i32, %arg1: i32, %arg2: memref<131072xf32, #tpu.memory_space<hbm>>, %arg3: memref<131072xf32, #tpu.memory_space<hbm>>, %arg4: memref<131072xf32, #tpu.memory_space<hbm>>, %arg5: memref<131072xf32, #tpu.memory_space<hbm>>, %arg6: memref<131072xf32, #tpu.memory_space<hbm>>, %arg7: memref<131072xf32, #tpu.memory_space<hbm>>, %arg8: memref<16xf32, #tpu.memory_space<hbm>>, %arg9: memref<1048576x8xf32, #tpu.memory_space<hbm>>, %arg10: memref<131072x128xf32, #tpu.memory_space<hbm>>, %arg11: memref<4096xf32, #tpu.memory_space<vmem>>, %arg12: memref<4096xf32, #tpu.memory_space<vmem>>, %arg13: memref<4096xf32, #tpu.memory_space<vmem>>, %arg14: memref<4096xf32, #tpu.memory_space<vmem>>, %arg15: memref<4096xf32, #tpu.memory_space<vmem>>, %arg16: memref<4096xf32, #tpu.memory_space<vmem>>, %arg17: memref<16xf32, #tpu.memory_space<vmem>>, %arg18: memref<2048xi32, #tpu.memory_space<vmem>>, %arg19: memref<2048xi32, #tpu.memory_space<vmem>>, %arg20: memref<2048xf32, #tpu.memory_space<vmem>>, %arg21: memref<2048xf32, #tpu.memory_space<vmem>>, %arg22: memref<2048x8xf32, #tpu.memory_space<vmem>>, %arg23: memref<2048x8xf32, #tpu.memory_space<vmem>>, %arg24: memref<16x128xf32, #tpu.memory_space<vmem>>, %arg25: memref<!tpu.dma_semaphore, #tpu.memory_space<semaphore_mem>>) attributes {dimension_semantics = [#tpu.dimension_semantics<core_parallel>, #tpu.dimension_semantics<subcore_parallel>], iteration_bounds = array<i64: 2, 16>, scalar_prefetch = 0 : i64, scratch_operands = 15 : i64, tpu.core_type = #tpu.core_type<sc_vector_subcore>, window_params = [{transform_indices = #map}, {transform_indices = #map}, {transform_indices = #map}, {transform_indices = #map}, {transform_indices = #map}, {transform_indices = #map}, {transform_indices = #map}, {transform_indices = #map1}, {transform_indices = #map1}]} {
    %mul3A = arith.constant 2 : i32
    %mul3A_0 = arith.muli %arg1, %mul3A : i32
    %add3A = arith.addi %mul3A_0, %arg0 : i32
    %mul3A_1 = arith.constant 4096 : i32
    %mul3A_2 = arith.muli %add3A, %mul3A_1 : i32
    "tpu.region"() ({
      %run_scoped3A = tpu.sem_alloc : memref<!tpu.dma_semaphore, #tpu.memory_space<semaphore_mem>>
      %dma_start3A_36 = tpu.memref_slice %arg2[%mul3A_2] : memref<131072xf32, #tpu.memory_space<hbm>> -> memref<4096xf32, #tpu.memory_space<hbm>>
      %dma_start3A_37 = tpu.memref_slice %arg2[%mul3A_2] : memref<131072xf32, #tpu.memory_space<hbm>> -> memref<4096xf32, #tpu.memory_space<hbm>>
      tpu.enqueue_dma source(%dma_start3A_37 : memref<4096xf32, #tpu.memory_space<hbm>>) target(%arg11 : memref<4096xf32, #tpu.memory_space<vmem>>) target_semaphore(%run_scoped3A : memref<!tpu.dma_semaphore, #tpu.memory_space<semaphore_mem>>)
      %dma_wait3A = tpu.memref_slice %arg2[%mul3A_2] : memref<131072xf32, #tpu.memory_space<hbm>> -> memref<4096xf32, #tpu.memory_space<hbm>>
      %dma_wait3A_38 = tpu.memref_slice %arg2[%mul3A_2] : memref<131072xf32, #tpu.memory_space<hbm>> -> memref<4096xf32, #tpu.memory_space<hbm>>
      tpu.wait_dma2 semaphore(%run_scoped3A : memref<!tpu.dma_semaphore, #tpu.memory_space<semaphore_mem>>) src(%dma_wait3A_38 : memref<4096xf32, #tpu.memory_space<hbm>>) dst(%arg11 : memref<4096xf32, #tpu.memory_space<vmem>>)
      tpu.yield
    }) : () -> ()
    "tpu.region"() ({
      %run_scoped3A = tpu.sem_alloc : memref<!tpu.dma_semaphore, #tpu.memory_space<semaphore_mem>>
      %dma_start3A_36 = tpu.memref_slice %arg3[%mul3A_2] : memref<131072xf32, #tpu.memory_space<hbm>> -> memref<4096xf32, #tpu.memory_space<hbm>>
      %dma_start3A_37 = tpu.memref_slice %arg3[%mul3A_2] : memref<131072xf32, #tpu.memory_space<hbm>> -> memref<4096xf32, #tpu.memory_space<hbm>>
      tpu.enqueue_dma source(%dma_start3A_37 : memref<4096xf32, #tpu.memory_space<hbm>>) target(%arg12 : memref<4096xf32, #tpu.memory_space<vmem>>) target_semaphore(%run_scoped3A : memref<!tpu.dma_semaphore, #tpu.memory_space<semaphore_mem>>)
      %dma_wait3A = tpu.memref_slice %arg3[%mul3A_2] : memref<131072xf32, #tpu.memory_space<hbm>> -> memref<4096xf32, #tpu.memory_space<hbm>>
      %dma_wait3A_38 = tpu.memref_slice %arg3[%mul3A_2] : memref<131072xf32, #tpu.memory_space<hbm>> -> memref<4096xf32, #tpu.memory_space<hbm>>
      tpu.wait_dma2 semaphore(%run_scoped3A : memref<!tpu.dma_semaphore, #tpu.memory_space<semaphore_mem>>) src(%dma_wait3A_38 : memref<4096xf32, #tpu.memory_space<hbm>>) dst(%arg12 : memref<4096xf32, #tpu.memory_space<vmem>>)
      tpu.yield
    }) : () -> ()
    "tpu.region"() ({
      %run_scoped3A = tpu.sem_alloc : memref<!tpu.dma_semaphore, #tpu.memory_space<semaphore_mem>>
      %dma_start3A_36 = tpu.memref_slice %arg4[%mul3A_2] : memref<131072xf32, #tpu.memory_space<hbm>> -> memref<4096xf32, #tpu.memory_space<hbm>>
      %dma_start3A_37 = tpu.memref_slice %arg4[%mul3A_2] : memref<131072xf32, #tpu.memory_space<hbm>> -> memref<4096xf32, #tpu.memory_space<hbm>>
      tpu.enqueue_dma source(%dma_start3A_37 : memref<4096xf32, #tpu.memory_space<hbm>>) target(%arg13 : memref<4096xf32, #tpu.memory_space<vmem>>) target_semaphore(%run_scoped3A : memref<!tpu.dma_semaphore, #tpu.memory_space<semaphore_mem>>)
      %dma_wait3A = tpu.memref_slice %arg4[%mul3A_2] : memref<131072xf32, #tpu.memory_space<hbm>> -> memref<4096xf32, #tpu.memory_space<hbm>>
      %dma_wait3A_38 = tpu.memref_slice %arg4[%mul3A_2] : memref<131072xf32, #tpu.memory_space<hbm>> -> memref<4096xf32, #tpu.memory_space<hbm>>
      tpu.wait_dma2 semaphore(%run_scoped3A : memref<!tpu.dma_semaphore, #tpu.memory_space<semaphore_mem>>) src(%dma_wait3A_38 : memref<4096xf32, #tpu.memory_space<hbm>>) dst(%arg13 : memref<4096xf32, #tpu.memory_space<vmem>>)
      tpu.yield
    }) : () -> ()
    "tpu.region"() ({
      %run_scoped3A = tpu.sem_alloc : memref<!tpu.dma_semaphore, #tpu.memory_space<semaphore_mem>>
      %dma_start3A_36 = tpu.memref_slice %arg5[%mul3A_2] : memref<131072xf32, #tpu.memory_space<hbm>> -> memref<4096xf32, #tpu.memory_space<hbm>>
      %dma_start3A_37 = tpu.memref_slice %arg5[%mul3A_2] : memref<131072xf32, #tpu.memory_space<hbm>> -> memref<4096xf32, #tpu.memory_space<hbm>>
      tpu.enqueue_dma source(%dma_start3A_37 : memref<4096xf32, #tpu.memory_space<hbm>>) target(%arg14 : memref<4096xf32, #tpu.memory_space<vmem>>) target_semaphore(%run_scoped3A : memref<!tpu.dma_semaphore, #tpu.memory_space<semaphore_mem>>)
      %dma_wait3A = tpu.memref_slice %arg5[%mul3A_2] : memref<131072xf32, #tpu.memory_space<hbm>> -> memref<4096xf32, #tpu.memory_space<hbm>>
      %dma_wait3A_38 = tpu.memref_slice %arg5[%mul3A_2] : memref<131072xf32, #tpu.memory_space<hbm>> -> memref<4096xf32, #tpu.memory_space<hbm>>
      tpu.wait_dma2 semaphore(%run_scoped3A : memref<!tpu.dma_semaphore, #tpu.memory_space<semaphore_mem>>) src(%dma_wait3A_38 : memref<4096xf32, #tpu.memory_space<hbm>>) dst(%arg14 : memref<4096xf32, #tpu.memory_space<vmem>>)
      tpu.yield
    }) : () -> ()
    "tpu.region"() ({
      %run_scoped3A = tpu.sem_alloc : memref<!tpu.dma_semaphore, #tpu.memory_space<semaphore_mem>>
      %dma_start3A_36 = tpu.memref_slice %arg6[%mul3A_2] : memref<131072xf32, #tpu.memory_space<hbm>> -> memref<4096xf32, #tpu.memory_space<hbm>>
      %dma_start3A_37 = tpu.memref_slice %arg6[%mul3A_2] : memref<131072xf32, #tpu.memory_space<hbm>> -> memref<4096xf32, #tpu.memory_space<hbm>>
      tpu.enqueue_dma source(%dma_start3A_37 : memref<4096xf32, #tpu.memory_space<hbm>>) target(%arg15 : memref<4096xf32, #tpu.memory_space<vmem>>) target_semaphore(%run_scoped3A : memref<!tpu.dma_semaphore, #tpu.memory_space<semaphore_mem>>)
      %dma_wait3A = tpu.memref_slice %arg6[%mul3A_2] : memref<131072xf32, #tpu.memory_space<hbm>> -> memref<4096xf32, #tpu.memory_space<hbm>>
      %dma_wait3A_38 = tpu.memref_slice %arg6[%mul3A_2] : memref<131072xf32, #tpu.memory_space<hbm>> -> memref<4096xf32, #tpu.memory_space<hbm>>
      tpu.wait_dma2 semaphore(%run_scoped3A : memref<!tpu.dma_semaphore, #tpu.memory_space<semaphore_mem>>) src(%dma_wait3A_38 : memref<4096xf32, #tpu.memory_space<hbm>>) dst(%arg15 : memref<4096xf32, #tpu.memory_space<vmem>>)
      tpu.yield
    }) : () -> ()
    "tpu.region"() ({
      %run_scoped3A = tpu.sem_alloc : memref<!tpu.dma_semaphore, #tpu.memory_space<semaphore_mem>>
      %dma_start3A_36 = tpu.memref_slice %arg7[%mul3A_2] : memref<131072xf32, #tpu.memory_space<hbm>> -> memref<4096xf32, #tpu.memory_space<hbm>>
      %dma_start3A_37 = tpu.memref_slice %arg7[%mul3A_2] : memref<131072xf32, #tpu.memory_space<hbm>> -> memref<4096xf32, #tpu.memory_space<hbm>>
      tpu.enqueue_dma source(%dma_start3A_37 : memref<4096xf32, #tpu.memory_space<hbm>>) target(%arg16 : memref<4096xf32, #tpu.memory_space<vmem>>) target_semaphore(%run_scoped3A : memref<!tpu.dma_semaphore, #tpu.memory_space<semaphore_mem>>)
      %dma_wait3A = tpu.memref_slice %arg7[%mul3A_2] : memref<131072xf32, #tpu.memory_space<hbm>> -> memref<4096xf32, #tpu.memory_space<hbm>>
      %dma_wait3A_38 = tpu.memref_slice %arg7[%mul3A_2] : memref<131072xf32, #tpu.memory_space<hbm>> -> memref<4096xf32, #tpu.memory_space<hbm>>
      tpu.wait_dma2 semaphore(%run_scoped3A : memref<!tpu.dma_semaphore, #tpu.memory_space<semaphore_mem>>) src(%dma_wait3A_38 : memref<4096xf32, #tpu.memory_space<hbm>>) dst(%arg16 : memref<4096xf32, #tpu.memory_space<vmem>>)
      tpu.yield
    }) : () -> ()
    "tpu.region"() ({
      %run_scoped3A = tpu.sem_alloc : memref<!tpu.dma_semaphore, #tpu.memory_space<semaphore_mem>>
      tpu.enqueue_dma source(%arg8 : memref<16xf32, #tpu.memory_space<hbm>>) target(%arg17 : memref<16xf32, #tpu.memory_space<vmem>>) target_semaphore(%run_scoped3A : memref<!tpu.dma_semaphore, #tpu.memory_space<semaphore_mem>>)
      tpu.wait_dma2 semaphore(%run_scoped3A : memref<!tpu.dma_semaphore, #tpu.memory_space<semaphore_mem>>) src(%arg8 : memref<16xf32, #tpu.memory_space<hbm>>) dst(%arg17 : memref<16xf32, #tpu.memory_space<vmem>>)
      tpu.yield
    }) : () -> ()
    %iota3A = tpu.iota {dimensions = array<i32: 0>} : vector<16xi32>
    %broadcast_in_dim3A = arith.constant 0 : i32
    %broadcast_in_dim3A_3 = vector.broadcast %broadcast_in_dim3A : i32 to vector<16xi32>
    %broadcast_in_dim3A_4 = arith.constant 1 : i32
    %broadcast_in_dim3A_5 = vector.broadcast %broadcast_in_dim3A_4 : i32 to vector<16xi32>
    %broadcast_in_dim3A_6 = arith.constant 2 : i32
    %broadcast_in_dim3A_7 = vector.broadcast %broadcast_in_dim3A_6 : i32 to vector<16xi32>
    %broadcast_in_dim3A_8 = arith.constant 3 : i32
    %broadcast_in_dim3A_9 = vector.broadcast %broadcast_in_dim3A_8 : i32 to vector<16xi32>
    %broadcast_in_dim3A_10 = arith.constant 4 : i32
    %broadcast_in_dim3A_11 = vector.broadcast %broadcast_in_dim3A_10 : i32 to vector<16xi32>
    %broadcast_in_dim3A_12 = arith.constant 5 : i32
    %broadcast_in_dim3A_13 = vector.broadcast %broadcast_in_dim3A_12 : i32 to vector<16xi32>
    %broadcast_in_dim3A_14 = arith.constant 6 : i32
    %broadcast_in_dim3A_15 = vector.broadcast %broadcast_in_dim3A_14 : i32 to vector<16xi32>
    %broadcast_in_dim3A_16 = arith.constant 7 : i32
    %broadcast_in_dim3A_17 = vector.broadcast %broadcast_in_dim3A_16 : i32 to vector<16xi32>
    %get3A = arith.constant 0 : index
    %get3A_18 = tpu.vector_load %arg11[%get3A] {strides = array<i32>} : memref<4096xf32, #tpu.memory_space<vmem>>, vector<16xf32>,
    %get3A_19 = arith.constant 0 : index
    %get3A_20 = tpu.vector_load %arg12[%get3A_19] {strides = array<i32>} : memref<4096xf32, #tpu.memory_space<vmem>>, vector<16xf32>,
    %get3A_21 = arith.constant 0 : index
    %get3A_22 = tpu.vector_load %arg13[%get3A_21] {strides = array<i32>} : memref<4096xf32, #tpu.memory_space<vmem>>, vector<16xf32>,
    %scan3A = arith.constant 0 : i32
    %scan3A_23 = arith.constant 0 : i32
    %scan3A_24 = arith.constant 16 : i32
    %scan3A_25 = arith.addi %scan3A_23, %scan3A_24 : i32
    %scan3A_26 = arith.constant 1 : i32
    scf.for %scan3A_36 = %scan3A_23 to %scan3A_25 step %scan3A_26  : i32 {
      %broadcast_in_dim3A_37 = vector.broadcast %scan3A_36 : i32 to vector<16xi32>
      %gather3A = tpu.vector_load_idx %arg17[%broadcast_in_dim3A_37] : memref<16xf32, #tpu.memory_space<vmem>>[vector<16xi32>], vector<16xf32>,
      %mul3A_38 = arith.mulf %get3A_18, %gather3A : vector<16xf32>
      %mul3A_39 = arith.mulf %get3A_20, %gather3A : vector<16xf32>
      %mul3A_40 = arith.mulf %get3A_22, %gather3A : vector<16xf32>
      %convert_element_type3A = arith.fptosi %mul3A_38 : vector<16xf32> to vector<16xi32>
      %convert_element_type3A_41 = arith.fptosi %mul3A_39 : vector<16xf32> to vector<16xi32>
      %convert_element_type3A_42 = arith.fptosi %mul3A_40 : vector<16xf32> to vector<16xi32>
      %convert_element_type3A_43 = arith.sitofp %convert_element_type3A : vector<16xi32> to vector<16xf32>
      %sub3A = arith.subf %mul3A_38, %convert_element_type3A_43 : vector<16xf32>
      %convert_element_type3A_44 = arith.sitofp %convert_element_type3A_41 : vector<16xi32> to vector<16xf32>
      %sub3A_45 = arith.subf %mul3A_39, %convert_element_type3A_44 : vector<16xf32>
      %convert_element_type3A_46 = arith.sitofp %convert_element_type3A_42 : vector<16xi32> to vector<16xf32>
      %sub3A_47 = arith.subf %mul3A_40, %convert_element_type3A_46 : vector<16xf32>
      %sub3A_48 = arith.constant 1.000000e+00 : f32
      %sub3A_49 = vector.broadcast %sub3A_48 : f32 to vector<16xf32>
      %sub3A_50 = arith.subf %sub3A_49, %sub3A : vector<16xf32>
      %sub3A_51 = arith.constant 1.000000e+00 : f32
      %sub3A_52 = vector.broadcast %sub3A_51 : f32 to vector<16xf32>
      %sub3A_53 = arith.subf %sub3A_52, %sub3A_45 : vector<16xf32>
      %sub3A_54 = arith.constant 1.000000e+00 : f32
      %sub3A_55 = vector.broadcast %sub3A_54 : f32 to vector<16xf32>
      %sub3A_56 = arith.subf %sub3A_55, %sub3A_47 : vector<16xf32>
      %add3A_57 = arith.constant 1 : i32
      %add3A_58 = vector.broadcast %add3A_57 : i32 to vector<16xi32>
      %add3A_59 = arith.addi %convert_element_type3A, %add3A_58 : vector<16xi32>
      %mul3A_60 = arith.constant -1640531535 : i32
      %mul3A_61 = vector.broadcast %mul3A_60 : i32 to vector<16xi32>
      %mul3A_62 = arith.muli %convert_element_type3A_41, %mul3A_61 : vector<16xi32>
      %mul3A_63 = arith.constant -1640531535 : i32
      %mul3A_64 = vector.broadcast %mul3A_63 : i32 to vector<16xi32>
      %mul3A_65 = arith.muli %convert_element_type3A_41, %mul3A_64 : vector<16xi32>
      %add3A_66 = arith.constant -1640531535 : i32
      %add3A_67 = vector.broadcast %add3A_66 : i32 to vector<16xi32>
      %add3A_68 = arith.addi %mul3A_65, %add3A_67 : vector<16xi32>
      %mul3A_69 = arith.constant 805459861 : i32
      %mul3A_70 = vector.broadcast %mul3A_69 : i32 to vector<16xi32>
      %mul3A_71 = arith.muli %convert_element_type3A_42, %mul3A_70 : vector<16xi32>
      %mul3A_72 = arith.constant 805459861 : i32
      %mul3A_73 = vector.broadcast %mul3A_72 : i32 to vector<16xi32>
      %mul3A_74 = arith.muli %convert_element_type3A_42, %mul3A_73 : vector<16xi32>
      %add3A_75 = arith.constant 805459861 : i32
      %add3A_76 = vector.broadcast %add3A_75 : i32 to vector<16xi32>
      %add3A_77 = arith.addi %mul3A_74, %add3A_76 : vector<16xi32>
      %mul3A_78 = arith.mulf %sub3A_53, %sub3A_56 : vector<16xf32>
      %mul3A_79 = arith.mulf %sub3A_53, %sub3A_47 : vector<16xf32>
      %mul3A_80 = arith.mulf %sub3A_45, %sub3A_56 : vector<16xf32>
      %mul3A_81 = arith.mulf %sub3A_45, %sub3A_47 : vector<16xf32>
      %mul3A_82 = arith.constant 65536 : i32
      %mul3A_83 = arith.muli %scan3A_36, %mul3A_82 : i32
      %mul3A_84 = arith.constant 128 : i32
      %mul3A_85 = arith.muli %scan3A_36, %mul3A_84 : i32
      %xor3A = arith.xori %convert_element_type3A, %mul3A_62 : vector<16xi32>
      %xor3A_86 = arith.xori %xor3A, %mul3A_71 : vector<16xi32>
      %and3A = arith.constant 65535 : i32
      %and3A_87 = vector.broadcast %and3A : i32 to vector<16xi32>
      %and3A_88 = arith.andi %xor3A_86, %and3A_87 : vector<16xi32>
      %add3A_89 = vector.broadcast %mul3A_83 : i32 to vector<16xi32>
      %add3A_90 = arith.addi %and3A_88, %add3A_89 : vector<16xi32>
      %add3A_91 = arith.constant 0 : i32
      %add3A_92 = arith.addi %mul3A_85, %add3A_91 : i32
      %swap3A = arith.index_cast %add3A_92 : i32 to index
      %swap3A_93 = tpu.vector_load %arg18[%swap3A] {strides = array<i32>} : memref<2048xi32, #tpu.memory_space<vmem>>, vector<16xi32>,
      tpu.vector_store %arg18[%swap3A], %add3A_90 {strides = array<i32>} : memref<2048xi32, #tpu.memory_space<vmem>>, vector<16xi32>,
      %mul3A_94 = arith.mulf %sub3A_50, %mul3A_78 : vector<16xf32>
      %add3A_95 = arith.constant 0 : i32
      %add3A_96 = arith.addi %mul3A_85, %add3A_95 : i32
      %swap3A_97 = arith.index_cast %add3A_96 : i32 to index
      %swap3A_98 = tpu.vector_load %arg20[%swap3A_97] {strides = array<i32>} : memref<2048xf32, #tpu.memory_space<vmem>>, vector<16xf32>,
      tpu.vector_store %arg20[%swap3A_97], %mul3A_94 {strides = array<i32>} : memref<2048xf32, #tpu.memory_space<vmem>>, vector<16xf32>,
      %xor3A_99 = arith.xori %convert_element_type3A, %mul3A_62 : vector<16xi32>
      %xor3A_100 = arith.xori %xor3A_99, %add3A_77 : vector<16xi32>
      %and3A_101 = arith.constant 65535 : i32
      %and3A_102 = vector.broadcast %and3A_101 : i32 to vector<16xi32>
      %and3A_103 = arith.andi %xor3A_100, %and3A_102 : vector<16xi32>
      %add3A_104 = vector.broadcast %mul3A_83 : i32 to vector<16xi32>
      %add3A_105 = arith.addi %and3A_103, %add3A_104 : vector<16xi32>
      %add3A_106 = arith.constant 16 : i32
      %add3A_107 = arith.addi %mul3A_85, %add3A_106 : i32
      %swap3A_108 = arith.index_cast %add3A_107 : i32 to index
      %swap3A_109 = tpu.vector_load %arg18[%swap3A_108] {strides = array<i32>} : memref<2048xi32, #tpu.memory_space<vmem>>, vector<16xi32>,
      tpu.vector_store %arg18[%swap3A_108], %add3A_105 {strides = array<i32>} : memref<2048xi32, #tpu.memory_space<vmem>>, vector<16xi32>,
      %mul3A_110 = arith.mulf %sub3A_50, %mul3A_79 : vector<16xf32>
      %add3A_111 = arith.constant 16 : i32
      %add3A_112 = arith.addi %mul3A_85, %add3A_111 : i32
      %swap3A_113 = arith.index_cast %add3A_112 : i32 to index
      %swap3A_114 = tpu.vector_load %arg20[%swap3A_113] {strides = array<i32>} : memref<2048xf32, #tpu.memory_space<vmem>>, vector<16xf32>,
      tpu.vector_store %arg20[%swap3A_113], %mul3A_110 {strides = array<i32>} : memref<2048xf32, #tpu.memory_space<vmem>>, vector<16xf32>,
      %xor3A_115 = arith.xori %convert_element_type3A, %add3A_68 : vector<16xi32>
      %xor3A_116 = arith.xori %xor3A_115, %mul3A_71 : vector<16xi32>
      %and3A_117 = arith.constant 65535 : i32
      %and3A_118 = vector.broadcast %and3A_117 : i32 to vector<16xi32>
      %and3A_119 = arith.andi %xor3A_116, %and3A_118 : vector<16xi32>
      %add3A_120 = vector.broadcast %mul3A_83 : i32 to vector<16xi32>
      %add3A_121 = arith.addi %and3A_119, %add3A_120 : vector<16xi32>
      %add3A_122 = arith.constant 32 : i32
      %add3A_123 = arith.addi %mul3A_85, %add3A_122 : i32
      %swap3A_124 = arith.index_cast %add3A_123 : i32 to index
      %swap3A_125 = tpu.vector_load %arg18[%swap3A_124] {strides = array<i32>} : memref<2048xi32, #tpu.memory_space<vmem>>, vector<16xi32>,
      tpu.vector_store %arg18[%swap3A_124], %add3A_121 {strides = array<i32>} : memref<2048xi32, #tpu.memory_space<vmem>>, vector<16xi32>,
      %mul3A_126 = arith.mulf %sub3A_50, %mul3A_80 : vector<16xf32>
      %add3A_127 = arith.constant 32 : i32
      %add3A_128 = arith.addi %mul3A_85, %add3A_127 : i32
      %swap3A_129 = arith.index_cast %add3A_128 : i32 to index
      %swap3A_130 = tpu.vector_load %arg20[%swap3A_129] {strides = array<i32>} : memref<2048xf32, #tpu.memory_space<vmem>>, vector<16xf32>,
      tpu.vector_store %arg20[%swap3A_129], %mul3A_126 {strides = array<i32>} : memref<2048xf32, #tpu.memory_space<vmem>>, vector<16xf32>,
      %xor3A_131 = arith.xori %convert_element_type3A, %add3A_68 : vector<16xi32>
      %xor3A_132 = arith.xori %xor3A_131, %add3A_77 : vector<16xi32>
      %and3A_133 = arith.constant 65535 : i32
      %and3A_134 = vector.broadcast %and3A_133 : i32 to vector<16xi32>
      %and3A_135 = arith.andi %xor3A_132, %and3A_134 : vector<16xi32>
      %add3A_136 = vector.broadcast %mul3A_83 : i32 to vector<16xi32>
      %add3A_137 = arith.addi %and3A_135, %add3A_136 : vector<16xi32>
      %add3A_138 = arith.constant 48 : i32
      %add3A_139 = arith.addi %mul3A_85, %add3A_138 : i32
      %swap3A_140 = arith.index_cast %add3A_139 : i32 to index
      %swap3A_141 = tpu.vector_load %arg18[%swap3A_140] {strides = array<i32>} : memref<2048xi32, #tpu.memory_space<vmem>>, vector<16xi32>,
      tpu.vector_store %arg18[%swap3A_140], %add3A_137 {strides = array<i32>} : memref<2048xi32, #tpu.memory_space<vmem>>, vector<16xi32>,
      %mul3A_142 = arith.mulf %sub3A_50, %mul3A_81 : vector<16xf32>
      %add3A_143 = arith.constant 48 : i32
      %add3A_144 = arith.addi %mul3A_85, %add3A_143 : i32
      %swap3A_145 = arith.index_cast %add3A_144 : i32 to index
      %swap3A_146 = tpu.vector_load %arg20[%swap3A_145] {strides = array<i32>} : memref<2048xf32, #tpu.memory_space<vmem>>, vector<16xf32>,
      tpu.vector_store %arg20[%swap3A_145], %mul3A_142 {strides = array<i32>} : memref<2048xf32, #tpu.memory_space<vmem>>, vector<16xf32>,
      %xor3A_147 = arith.xori %add3A_59, %mul3A_62 : vector<16xi32>
      %xor3A_148 = arith.xori %xor3A_147, %mul3A_71 : vector<16xi32>
      %and3A_149 = arith.constant 65535 : i32
      %and3A_150 = vector.broadcast %and3A_149 : i32 to vector<16xi32>
      %and3A_151 = arith.andi %xor3A_148, %and3A_150 : vector<16xi32>
      %add3A_152 = vector.broadcast %mul3A_83 : i32 to vector<16xi32>
      %add3A_153 = arith.addi %and3A_151, %add3A_152 : vector<16xi32>
      %add3A_154 = arith.constant 64 : i32
      %add3A_155 = arith.addi %mul3A_85, %add3A_154 : i32
      %swap3A_156 = arith.index_cast %add3A_155 : i32 to index
      %swap3A_157 = tpu.vector_load %arg18[%swap3A_156] {strides = array<i32>} : memref<2048xi32, #tpu.memory_space<vmem>>, vector<16xi32>,
      tpu.vector_store %arg18[%swap3A_156], %add3A_153 {strides = array<i32>} : memref<2048xi32, #tpu.memory_space<vmem>>, vector<16xi32>,
      %mul3A_158 = arith.mulf %sub3A, %mul3A_78 : vector<16xf32>
      %add3A_159 = arith.constant 64 : i32
      %add3A_160 = arith.addi %mul3A_85, %add3A_159 : i32
      %swap3A_161 = arith.index_cast %add3A_160 : i32 to index
      %swap3A_162 = tpu.vector_load %arg20[%swap3A_161] {strides = array<i32>} : memref<2048xf32, #tpu.memory_space<vmem>>, vector<16xf32>,
      tpu.vector_store %arg20[%swap3A_161], %mul3A_158 {strides = array<i32>} : memref<2048xf32, #tpu.memory_space<vmem>>, vector<16xf32>,
      %xor3A_163 = arith.xori %add3A_59, %mul3A_62 : vector<16xi32>
      %xor3A_164 = arith.xori %xor3A_163, %add3A_77 : vector<16xi32>
      %and3A_165 = arith.constant 65535 : i32
      %and3A_166 = vector.broadcast %and3A_165 : i32 to vector<16xi32>
      %and3A_167 = arith.andi %xor3A_164, %and3A_166 : vector<16xi32>
      %add3A_168 = vector.broadcast %mul3A_83 : i32 to vector<16xi32>
      %add3A_169 = arith.addi %and3A_167, %add3A_168 : vector<16xi32>
      %add3A_170 = arith.constant 80 : i32
      %add3A_171 = arith.addi %mul3A_85, %add3A_170 : i32
      %swap3A_172 = arith.index_cast %add3A_171 : i32 to index
      %swap3A_173 = tpu.vector_load %arg18[%swap3A_172] {strides = array<i32>} : memref<2048xi32, #tpu.memory_space<vmem>>, vector<16xi32>,
      tpu.vector_store %arg18[%swap3A_172], %add3A_169 {strides = array<i32>} : memref<2048xi32, #tpu.memory_space<vmem>>, vector<16xi32>,
      %mul3A_174 = arith.mulf %sub3A, %mul3A_79 : vector<16xf32>
      %add3A_175 = arith.constant 80 : i32
      %add3A_176 = arith.addi %mul3A_85, %add3A_175 : i32
      %swap3A_177 = arith.index_cast %add3A_176 : i32 to index
      %swap3A_178 = tpu.vector_load %arg20[%swap3A_177] {strides = array<i32>} : memref<2048xf32, #tpu.memory_space<vmem>>, vector<16xf32>,
      tpu.vector_store %arg20[%swap3A_177], %mul3A_174 {strides = array<i32>} : memref<2048xf32, #tpu.memory_space<vmem>>, vector<16xf32>,
      %xor3A_179 = arith.xori %add3A_59, %add3A_68 : vector<16xi32>
      %xor3A_180 = arith.xori %xor3A_179, %mul3A_71 : vector<16xi32>
      %and3A_181 = arith.constant 65535 : i32
      %and3A_182 = vector.broadcast %and3A_181 : i32 to vector<16xi32>
      %and3A_183 = arith.andi %xor3A_180, %and3A_182 : vector<16xi32>
      %add3A_184 = vector.broadcast %mul3A_83 : i32 to vector<16xi32>
      %add3A_185 = arith.addi %and3A_183, %add3A_184 : vector<16xi32>
      %add3A_186 = arith.constant 96 : i32
      %add3A_187 = arith.addi %mul3A_85, %add3A_186 : i32
      %swap3A_188 = arith.index_cast %add3A_187 : i32 to index
      %swap3A_189 = tpu.vector_load %arg18[%swap3A_188] {strides = array<i32>} : memref<2048xi32, #tpu.memory_space<vmem>>, vector<16xi32>,
      tpu.vector_store %arg18[%swap3A_188], %add3A_185 {strides = array<i32>} : memref<2048xi32, #tpu.memory_space<vmem>>, vector<16xi32>,
      %mul3A_190 = arith.mulf %sub3A, %mul3A_80 : vector<16xf32>
      %add3A_191 = arith.constant 96 : i32
      %add3A_192 = arith.addi %mul3A_85, %add3A_191 : i32
      %swap3A_193 = arith.index_cast %add3A_192 : i32 to index
      %swap3A_194 = tpu.vector_load %arg20[%swap3A_193] {strides = array<i32>} : memref<2048xf32, #tpu.memory_space<vmem>>, vector<16xf32>,
      tpu.vector_store %arg20[%swap3A_193], %mul3A_190 {strides = array<i32>} : memref<2048xf32, #tpu.memory_space<vmem>>, vector<16xf32>,
      %xor3A_195 = arith.xori %add3A_59, %add3A_68 : vector<16xi32>
      %xor3A_196 = arith.xori %xor3A_195, %add3A_77 : vector<16xi32>
      %and3A_197 = arith.constant 65535 : i32
      %and3A_198 = vector.broadcast %and3A_197 : i32 to vector<16xi32>
      %and3A_199 = arith.andi %xor3A_196, %and3A_198 : vector<16xi32>
      %add3A_200 = vector.broadcast %mul3A_83 : i32 to vector<16xi32>
      %add3A_201 = arith.addi %and3A_199, %add3A_200 : vector<16xi32>
      %add3A_202 = arith.constant 112 : i32
      %add3A_203 = arith.addi %mul3A_85, %add3A_202 : i32
      %swap3A_204 = arith.index_cast %add3A_203 : i32 to index
      %swap3A_205 = tpu.vector_load %arg18[%swap3A_204] {strides = array<i32>} : memref<2048xi32, #tpu.memory_space<vmem>>, vector<16xi32>,
      tpu.vector_store %arg18[%swap3A_204], %add3A_201 {strides = array<i32>} : memref<2048xi32, #tpu.memory_space<vmem>>, vector<16xi32>,
      %mul3A_206 = arith.mulf %sub3A, %mul3A_81 : vector<16xf32>
      %add3A_207 = arith.constant 112 : i32
      %add3A_208 = arith.addi %mul3A_85, %add3A_207 : i32
      %swap3A_209 = arith.index_cast %add3A_208 : i32 to index
      %swap3A_210 = tpu.vector_load %arg20[%swap3A_209] {strides = array<i32>} : memref<2048xf32, #tpu.memory_space<vmem>>, vector<16xf32>,
      tpu.vector_store %arg20[%swap3A_209], %mul3A_206 {strides = array<i32>} : memref<2048xf32, #tpu.memory_space<vmem>>, vector<16xf32>,
    }
    %scan3A_27 = arith.constant 16 : i32
    %dma_start3A = arith.constant 0 : i32
    %dma_start3A_28 = arith.constant 0 : i32
    %dma_start3A_29 = tpu.memref_slice %arg9[%dma_start3A, %dma_start3A_28] : memref<1048576x8xf32, #tpu.memory_space<hbm>> -> memref<1048576x8xf32, #tpu.memory_space<hbm>>
    tpu.enqueue_indirect_dma source(%dma_start3A_29 : memref<1048576x8xf32, #tpu.memory_space<hbm>>) target(%arg22 : memref<2048x8xf32, #tpu.memory_space<vmem>>) offsets(%arg18 : memref<2048xi32, #tpu.memory_space<vmem>>) semaphore(%arg25 : memref<!tpu.dma_semaphore, #tpu.memory_space<semaphore_mem>>)
    %scan3A_30 = arith.constant 0 : i32
    %scan3A_31 = arith.constant 0 : i32
    %scan3A_32 = arith.constant 128 : i32
    %scan3A_33 = arith.addi %scan3A_31, %scan3A_32 : i32
    %scan3A_34 = arith.constant 1 : i32
    scf.for %scan3A_36 = %scan3A_31 to %scan3A_33 step %scan3A_34  : i32 {
      %mul3A_37 = arith.constant 2 : i32
      %mul3A_38 = arith.muli %scan3A_36, %mul3A_37 : i32
      %add3A_39 = arith.constant 1 : i32
      %add3A_40 = arith.addi %mul3A_38, %add3A_39 : i32
      %mul3A_41 = arith.constant 16 : i32
      %mul3A_42 = arith.muli %add3A_40, %mul3A_41 : i32
      %get3A_43 = arith.index_cast %mul3A_42 : i32 to index
      %get3A_44 = tpu.vector_load %arg11[%get3A_43] {strides = array<i32>} : memref<4096xf32, #tpu.memory_space<vmem>>, vector<16xf32>,
      %get3A_45 = arith.index_cast %mul3A_42 : i32 to index
      %get3A_46 = tpu.vector_load %arg12[%get3A_45] {strides = array<i32>} : memref<4096xf32, #tpu.memory_space<vmem>>, vector<16xf32>,
      %get3A_47 = arith.index_cast %mul3A_42 : i32 to index
      %get3A_48 = tpu.vector_load %arg13[%get3A_47] {strides = array<i32>} : memref<4096xf32, #tpu.memory_space<vmem>>, vector<16xf32>,
      %scan3A_49 = arith.constant 0 : i32
      %scan3A_50 = arith.constant 0 : i32
      %scan3A_51 = arith.constant 16 : i32
      %scan3A_52 = arith.addi %scan3A_50, %scan3A_51 : i32
      %scan3A_53 = arith.constant 1 : i32
      scf.for %scan3A_101 = %scan3A_50 to %scan3A_52 step %scan3A_53  : i32 {
        %broadcast_in_dim3A_102 = vector.broadcast %scan3A_101 : i32 to vector<16xi32>
        %gather3A = tpu.vector_load_idx %arg17[%broadcast_in_dim3A_102] : memref<16xf32, #tpu.memory_space<vmem>>[vector<16xi32>], vector<16xf32>,
        %mul3A_103 = arith.mulf %get3A_44, %gather3A : vector<16xf32>
        %mul3A_104 = arith.mulf %get3A_46, %gather3A : vector<16xf32>
        %mul3A_105 = arith.mulf %get3A_48, %gather3A : vector<16xf32>
        %convert_element_type3A_106 = arith.fptosi %mul3A_103 : vector<16xf32> to vector<16xi32>
        %convert_element_type3A_107 = arith.fptosi %mul3A_104 : vector<16xf32> to vector<16xi32>
        %convert_element_type3A_108 = arith.fptosi %mul3A_105 : vector<16xf32> to vector<16xi32>
        %convert_element_type3A_109 = arith.sitofp %convert_element_type3A_106 : vector<16xi32> to vector<16xf32>
        %sub3A = arith.subf %mul3A_103, %convert_element_type3A_109 : vector<16xf32>
        %convert_element_type3A_110 = arith.sitofp %convert_element_type3A_107 : vector<16xi32> to vector<16xf32>
        %sub3A_111 = arith.subf %mul3A_104, %convert_element_type3A_110 : vector<16xf32>
        %convert_element_type3A_112 = arith.sitofp %convert_element_type3A_108 : vector<16xi32> to vector<16xf32>
        %sub3A_113 = arith.subf %mul3A_105, %convert_element_type3A_112 : vector<16xf32>
        %sub3A_114 = arith.constant 1.000000e+00 : f32
        %sub3A_115 = vector.broadcast %sub3A_114 : f32 to vector<16xf32>
        %sub3A_116 = arith.subf %sub3A_115, %sub3A : vector<16xf32>
        %sub3A_117 = arith.constant 1.000000e+00 : f32
        %sub3A_118 = vector.broadcast %sub3A_117 : f32 to vector<16xf32>
        %sub3A_119 = arith.subf %sub3A_118, %sub3A_111 : vector<16xf32>
        %sub3A_120 = arith.constant 1.000000e+00 : f32
        %sub3A_121 = vector.broadcast %sub3A_120 : f32 to vector<16xf32>
        %sub3A_122 = arith.subf %sub3A_121, %sub3A_113 : vector<16xf32>
        %add3A_123 = arith.constant 1 : i32
        %add3A_124 = vector.broadcast %add3A_123 : i32 to vector<16xi32>
        %add3A_125 = arith.addi %convert_element_type3A_106, %add3A_124 : vector<16xi32>
        %mul3A_126 = arith.constant -1640531535 : i32
        %mul3A_127 = vector.broadcast %mul3A_126 : i32 to vector<16xi32>
        %mul3A_128 = arith.muli %convert_element_type3A_107, %mul3A_127 : vector<16xi32>
        %mul3A_129 = arith.constant -1640531535 : i32
        %mul3A_130 = vector.broadcast %mul3A_129 : i32 to vector<16xi32>
        %mul3A_131 = arith.muli %convert_element_type3A_107, %mul3A_130 : vector<16xi32>
        %add3A_132 = arith.constant -1640531535 : i32
        %add3A_133 = vector.broadcast %add3A_132 : i32 to vector<16xi32>
        %add3A_134 = arith.addi %mul3A_131, %add3A_133 : vector<16xi32>
        %mul3A_135 = arith.constant 805459861 : i32
        %mul3A_136 = vector.broadcast %mul3A_135 : i32 to vector<16xi32>
        %mul3A_137 = arith.muli %convert_element_type3A_108, %mul3A_136 : vector<16xi32>
        %mul3A_138 = arith.constant 805459861 : i32
        %mul3A_139 = vector.broadcast %mul3A_138 : i32 to vector<16xi32>
        %mul3A_140 = arith.muli %convert_element_type3A_108, %mul3A_139 : vector<16xi32>
        %add3A_141 = arith.constant 805459861 : i32
        %add3A_142 = vector.broadcast %add3A_141 : i32 to vector<16xi32>
        %add3A_143 = arith.addi %mul3A_140, %add3A_142 : vector<16xi32>
        %mul3A_144 = arith.mulf %sub3A_119, %sub3A_122 : vector<16xf32>
        %mul3A_145 = arith.mulf %sub3A_119, %sub3A_113 : vector<16xf32>
        %mul3A_146 = arith.mulf %sub3A_111, %sub3A_122 : vector<16xf32>
        %mul3A_147 = arith.mulf %sub3A_111, %sub3A_113 : vector<16xf32>
        %mul3A_148 = arith.constant 65536 : i32
        %mul3A_149 = arith.muli %scan3A_101, %mul3A_148 : i32
        %mul3A_150 = arith.constant 128 : i32
        %mul3A_151 = arith.muli %scan3A_101, %mul3A_150 : i32
        %xor3A = arith.xori %convert_element_type3A_106, %mul3A_128 : vector<16xi32>
        %xor3A_152 = arith.xori %xor3A, %mul3A_137 : vector<16xi32>
        %and3A = arith.constant 65535 : i32
        %and3A_153 = vector.broadcast %and3A : i32 to vector<16xi32>
        %and3A_154 = arith.andi %xor3A_152, %and3A_153 : vector<16xi32>
        %add3A_155 = vector.broadcast %mul3A_149 : i32 to vector<16xi32>
        %add3A_156 = arith.addi %and3A_154, %add3A_155 : vector<16xi32>
        %add3A_157 = arith.constant 0 : i32
        %add3A_158 = arith.addi %mul3A_151, %add3A_157 : i32
        %swap3A = arith.index_cast %add3A_158 : i32 to index
        %swap3A_159 = tpu.vector_load %arg19[%swap3A] {strides = array<i32>} : memref<2048xi32, #tpu.memory_space<vmem>>, vector<16xi32>,
        tpu.vector_store %arg19[%swap3A], %add3A_156 {strides = array<i32>} : memref<2048xi32, #tpu.memory_space<vmem>>, vector<16xi32>,
        %mul3A_160 = arith.mulf %sub3A_116, %mul3A_144 : vector<16xf32>
        %add3A_161 = arith.constant 0 : i32
        %add3A_162 = arith.addi %mul3A_151, %add3A_161 : i32
        %swap3A_163 = arith.index_cast %add3A_162 : i32 to index
        %swap3A_164 = tpu.vector_load %arg21[%swap3A_163] {strides = array<i32>} : memref<2048xf32, #tpu.memory_space<vmem>>, vector<16xf32>,
        tpu.vector_store %arg21[%swap3A_163], %mul3A_160 {strides = array<i32>} : memref<2048xf32, #tpu.memory_space<vmem>>, vector<16xf32>,
        %xor3A_165 = arith.xori %convert_element_type3A_106, %mul3A_128 : vector<16xi32>
        %xor3A_166 = arith.xori %xor3A_165, %add3A_143 : vector<16xi32>
        %and3A_167 = arith.constant 65535 : i32
        %and3A_168 = vector.broadcast %and3A_167 : i32 to vector<16xi32>
        %and3A_169 = arith.andi %xor3A_166, %and3A_168 : vector<16xi32>
        %add3A_170 = vector.broadcast %mul3A_149 : i32 to vector<16xi32>
        %add3A_171 = arith.addi %and3A_169, %add3A_170 : vector<16xi32>
        %add3A_172 = arith.constant 16 : i32
        %add3A_173 = arith.addi %mul3A_151, %add3A_172 : i32
        %swap3A_174 = arith.index_cast %add3A_173 : i32 to index
        %swap3A_175 = tpu.vector_load %arg19[%swap3A_174] {strides = array<i32>} : memref<2048xi32, #tpu.memory_space<vmem>>, vector<16xi32>,
        tpu.vector_store %arg19[%swap3A_174], %add3A_171 {strides = array<i32>} : memref<2048xi32, #tpu.memory_space<vmem>>, vector<16xi32>,
        %mul3A_176 = arith.mulf %sub3A_116, %mul3A_145 : vector<16xf32>
        %add3A_177 = arith.constant 16 : i32
        %add3A_178 = arith.addi %mul3A_151, %add3A_177 : i32
        %swap3A_179 = arith.index_cast %add3A_178 : i32 to index
        %swap3A_180 = tpu.vector_load %arg21[%swap3A_179] {strides = array<i32>} : memref<2048xf32, #tpu.memory_space<vmem>>, vector<16xf32>,
        tpu.vector_store %arg21[%swap3A_179], %mul3A_176 {strides = array<i32>} : memref<2048xf32, #tpu.memory_space<vmem>>, vector<16xf32>,
        %xor3A_181 = arith.xori %convert_element_type3A_106, %add3A_134 : vector<16xi32>
        %xor3A_182 = arith.xori %xor3A_181, %mul3A_137 : vector<16xi32>
        %and3A_183 = arith.constant 65535 : i32
        %and3A_184 = vector.broadcast %and3A_183 : i32 to vector<16xi32>
        %and3A_185 = arith.andi %xor3A_182, %and3A_184 : vector<16xi32>
        %add3A_186 = vector.broadcast %mul3A_149 : i32 to vector<16xi32>
        %add3A_187 = arith.addi %and3A_185, %add3A_186 : vector<16xi32>
        %add3A_188 = arith.constant 32 : i32
        %add3A_189 = arith.addi %mul3A_151, %add3A_188 : i32
        %swap3A_190 = arith.index_cast %add3A_189 : i32 to index
        %swap3A_191 = tpu.vector_load %arg19[%swap3A_190] {strides = array<i32>} : memref<2048xi32, #tpu.memory_space<vmem>>, vector<16xi32>,
        tpu.vector_store %arg19[%swap3A_190], %add3A_187 {strides = array<i32>} : memref<2048xi32, #tpu.memory_space<vmem>>, vector<16xi32>,
        %mul3A_192 = arith.mulf %sub3A_116, %mul3A_146 : vector<16xf32>
        %add3A_193 = arith.constant 32 : i32
        %add3A_194 = arith.addi %mul3A_151, %add3A_193 : i32
        %swap3A_195 = arith.index_cast %add3A_194 : i32 to index
        %swap3A_196 = tpu.vector_load %arg21[%swap3A_195] {strides = array<i32>} : memref<2048xf32, #tpu.memory_space<vmem>>, vector<16xf32>,
        tpu.vector_store %arg21[%swap3A_195], %mul3A_192 {strides = array<i32>} : memref<2048xf32, #tpu.memory_space<vmem>>, vector<16xf32>,
        %xor3A_197 = arith.xori %convert_element_type3A_106, %add3A_134 : vector<16xi32>
        %xor3A_198 = arith.xori %xor3A_197, %add3A_143 : vector<16xi32>
        %and3A_199 = arith.constant 65535 : i32
        %and3A_200 = vector.broadcast %and3A_199 : i32 to vector<16xi32>
        %and3A_201 = arith.andi %xor3A_198, %and3A_200 : vector<16xi32>
        %add3A_202 = vector.broadcast %mul3A_149 : i32 to vector<16xi32>
        %add3A_203 = arith.addi %and3A_201, %add3A_202 : vector<16xi32>
        %add3A_204 = arith.constant 48 : i32
        %add3A_205 = arith.addi %mul3A_151, %add3A_204 : i32
        %swap3A_206 = arith.index_cast %add3A_205 : i32 to index
        %swap3A_207 = tpu.vector_load %arg19[%swap3A_206] {strides = array<i32>} : memref<2048xi32, #tpu.memory_space<vmem>>, vector<16xi32>,
        tpu.vector_store %arg19[%swap3A_206], %add3A_203 {strides = array<i32>} : memref<2048xi32, #tpu.memory_space<vmem>>, vector<16xi32>,
        %mul3A_208 = arith.mulf %sub3A_116, %mul3A_147 : vector<16xf32>
        %add3A_209 = arith.constant 48 : i32
        %add3A_210 = arith.addi %mul3A_151, %add3A_209 : i32
        %swap3A_211 = arith.index_cast %add3A_210 : i32 to index
        %swap3A_212 = tpu.vector_load %arg21[%swap3A_211] {strides = array<i32>} : memref<2048xf32, #tpu.memory_space<vmem>>, vector<16xf32>,
        tpu.vector_store %arg21[%swap3A_211], %mul3A_208 {strides = array<i32>} : memref<2048xf32, #tpu.memory_space<vmem>>, vector<16xf32>,
        %xor3A_213 = arith.xori %add3A_125, %mul3A_128 : vector<16xi32>
        %xor3A_214 = arith.xori %xor3A_213, %mul3A_137 : vector<16xi32>
        %and3A_215 = arith.constant 65535 : i32
        %and3A_216 = vector.broadcast %and3A_215 : i32 to vector<16xi32>
        %and3A_217 = arith.andi %xor3A_214, %and3A_216 : vector<16xi32>
        %add3A_218 = vector.broadcast %mul3A_149 : i32 to vector<16xi32>
        %add3A_219 = arith.addi %and3A_217, %add3A_218 : vector<16xi32>
        %add3A_220 = arith.constant 64 : i32
        %add3A_221 = arith.addi %mul3A_151, %add3A_220 : i32
        %swap3A_222 = arith.index_cast %add3A_221 : i32 to index
        %swap3A_223 = tpu.vector_load %arg19[%swap3A_222] {strides = array<i32>} : memref<2048xi32, #tpu.memory_space<vmem>>, vector<16xi32>,
        tpu.vector_store %arg19[%swap3A_222], %add3A_219 {strides = array<i32>} : memref<2048xi32, #tpu.memory_space<vmem>>, vector<16xi32>,
        %mul3A_224 = arith.mulf %sub3A, %mul3A_144 : vector<16xf32>
        %add3A_225 = arith.constant 64 : i32
        %add3A_226 = arith.addi %mul3A_151, %add3A_225 : i32
        %swap3A_227 = arith.index_cast %add3A_226 : i32 to index
        %swap3A_228 = tpu.vector_load %arg21[%swap3A_227] {strides = array<i32>} : memref<2048xf32, #tpu.memory_space<vmem>>, vector<16xf32>,
        tpu.vector_store %arg21[%swap3A_227], %mul3A_224 {strides = array<i32>} : memref<2048xf32, #tpu.memory_space<vmem>>, vector<16xf32>,
        %xor3A_229 = arith.xori %add3A_125, %mul3A_128 : vector<16xi32>
        %xor3A_230 = arith.xori %xor3A_229, %add3A_143 : vector<16xi32>
        %and3A_231 = arith.constant 65535 : i32
        %and3A_232 = vector.broadcast %and3A_231 : i32 to vector<16xi32>
        %and3A_233 = arith.andi %xor3A_230, %and3A_232 : vector<16xi32>
        %add3A_234 = vector.broadcast %mul3A_149 : i32 to vector<16xi32>
        %add3A_235 = arith.addi %and3A_233, %add3A_234 : vector<16xi32>
        %add3A_236 = arith.constant 80 : i32
        %add3A_237 = arith.addi %mul3A_151, %add3A_236 : i32
        %swap3A_238 = arith.index_cast %add3A_237 : i32 to index
        %swap3A_239 = tpu.vector_load %arg19[%swap3A_238] {strides = array<i32>} : memref<2048xi32, #tpu.memory_space<vmem>>, vector<16xi32>,
        tpu.vector_store %arg19[%swap3A_238], %add3A_235 {strides = array<i32>} : memref<2048xi32, #tpu.memory_space<vmem>>, vector<16xi32>,
        %mul3A_240 = arith.mulf %sub3A, %mul3A_145 : vector<16xf32>
        %add3A_241 = arith.constant 80 : i32
        %add3A_242 = arith.addi %mul3A_151, %add3A_241 : i32
        %swap3A_243 = arith.index_cast %add3A_242 : i32 to index
        %swap3A_244 = tpu.vector_load %arg21[%swap3A_243] {strides = array<i32>} : memref<2048xf32, #tpu.memory_space<vmem>>, vector<16xf32>,
        tpu.vector_store %arg21[%swap3A_243], %mul3A_240 {strides = array<i32>} : memref<2048xf32, #tpu.memory_space<vmem>>, vector<16xf32>,
        %xor3A_245 = arith.xori %add3A_125, %add3A_134 : vector<16xi32>
        %xor3A_246 = arith.xori %xor3A_245, %mul3A_137 : vector<16xi32>
        %and3A_247 = arith.constant 65535 : i32
        %and3A_248 = vector.broadcast %and3A_247 : i32 to vector<16xi32>
        %and3A_249 = arith.andi %xor3A_246, %and3A_248 : vector<16xi32>
        %add3A_250 = vector.broadcast %mul3A_149 : i32 to vector<16xi32>
        %add3A_251 = arith.addi %and3A_249, %add3A_250 : vector<16xi32>
        %add3A_252 = arith.constant 96 : i32
        %add3A_253 = arith.addi %mul3A_151, %add3A_252 : i32
        %swap3A_254 = arith.index_cast %add3A_253 : i32 to index
        %swap3A_255 = tpu.vector_load %arg19[%swap3A_254] {strides = array<i32>} : memref<2048xi32, #tpu.memory_space<vmem>>, vector<16xi32>,
        tpu.vector_store %arg19[%swap3A_254], %add3A_251 {strides = array<i32>} : memref<2048xi32, #tpu.memory_space<vmem>>, vector<16xi32>,
        %mul3A_256 = arith.mulf %sub3A, %mul3A_146 : vector<16xf32>
        %add3A_257 = arith.constant 96 : i32
        %add3A_258 = arith.addi %mul3A_151, %add3A_257 : i32
        %swap3A_259 = arith.index_cast %add3A_258 : i32 to index
        %swap3A_260 = tpu.vector_load %arg21[%swap3A_259] {strides = array<i32>} : memref<2048xf32, #tpu.memory_space<vmem>>, vector<16xf32>,
        tpu.vector_store %arg21[%swap3A_259], %mul3A_256 {strides = array<i32>} : memref<2048xf32, #tpu.memory_space<vmem>>, vector<16xf32>,
        %xor3A_261 = arith.xori %add3A_125, %add3A_134 : vector<16xi32>
        %xor3A_262 = arith.xori %xor3A_261, %add3A_143 : vector<16xi32>
        %and3A_263 = arith.constant 65535 : i32
        %and3A_264 = vector.broadcast %and3A_263 : i32 to vector<16xi32>
        %and3A_265 = arith.andi %xor3A_262, %and3A_264 : vector<16xi32>
        %add3A_266 = vector.broadcast %mul3A_149 : i32 to vector<16xi32>
        %add3A_267 = arith.addi %and3A_265, %add3A_266 : vector<16xi32>
        %add3A_268 = arith.constant 112 : i32
        %add3A_269 = arith.addi %mul3A_151, %add3A_268 : i32
        %swap3A_270 = arith.index_cast %add3A_269 : i32 to index
        %swap3A_271 = tpu.vector_load %arg19[%swap3A_270] {strides = array<i32>} : memref<2048xi32, #tpu.memory_space<vmem>>, vector<16xi32>,
        tpu.vector_store %arg19[%swap3A_270], %add3A_267 {strides = array<i32>} : memref<2048xi32, #tpu.memory_space<vmem>>, vector<16xi32>,
        %mul3A_272 = arith.mulf %sub3A, %mul3A_147 : vector<16xf32>
        %add3A_273 = arith.constant 112 : i32
        %add3A_274 = arith.addi %mul3A_151, %add3A_273 : i32
        %swap3A_275 = arith.index_cast %add3A_274 : i32 to index
        %swap3A_276 = tpu.vector_load %arg21[%swap3A_275] {strides = array<i32>} : memref<2048xf32, #tpu.memory_space<vmem>>, vector<16xf32>,
        tpu.vector_store %arg21[%swap3A_275], %mul3A_272 {strides = array<i32>} : memref<2048xf32, #tpu.memory_space<vmem>>, vector<16xf32>,
      }
      %scan3A_54 = arith.constant 16 : i32
      %dma_start3A_55 = arith.constant 0 : i32
      %dma_start3A_56 = arith.constant 0 : i32
      %dma_start3A_57 = tpu.memref_slice %arg9[%dma_start3A_55, %dma_start3A_56] : memref<1048576x8xf32, #tpu.memory_space<hbm>> -> memref<1048576x8xf32, #tpu.memory_space<hbm>>
      tpu.enqueue_indirect_dma source(%dma_start3A_57 : memref<1048576x8xf32, #tpu.memory_space<hbm>>) target(%arg23 : memref<2048x8xf32, #tpu.memory_space<vmem>>) offsets(%arg19 : memref<2048xi32, #tpu.memory_space<vmem>>) semaphore(%arg25 : memref<!tpu.dma_semaphore, #tpu.memory_space<semaphore_mem>>)
      %dma_wait3A = arith.constant 0 : i32
      %dma_wait3A_58 = arith.constant 0 : i32
      %dma_wait3A_59 = tpu.memref_slice %arg9[%dma_wait3A, %dma_wait3A_58] : memref<1048576x8xf32, #tpu.memory_space<hbm>> -> memref<1048576x8xf32, #tpu.memory_space<hbm>>
      tpu.wait_indirect_dma semaphore(%arg25 : memref<!tpu.dma_semaphore, #tpu.memory_space<semaphore_mem>>) src(%dma_wait3A_59 : memref<1048576x8xf32, #tpu.memory_space<hbm>>) dst(%arg22 : memref<2048x8xf32, #tpu.memory_space<vmem>>)
      %mul3A_60 = arith.constant 16 : i32
      %mul3A_61 = arith.muli %mul3A_38, %mul3A_60 : i32
      %get3A_62 = arith.index_cast %mul3A_61 : i32 to index
      %get3A_63 = tpu.vector_load %arg14[%get3A_62] {strides = array<i32>} : memref<4096xf32, #tpu.memory_space<vmem>>, vector<16xf32>,
      %get3A_64 = arith.index_cast %mul3A_61 : i32 to index
      %get3A_65 = tpu.vector_load %arg15[%get3A_64] {strides = array<i32>} : memref<4096xf32, #tpu.memory_space<vmem>>, vector<16xf32>,
      %get3A_66 = arith.index_cast %mul3A_61 : i32 to index
      %get3A_67 = tpu.vector_load %arg16[%get3A_66] {strides = array<i32>} : memref<4096xf32, #tpu.memory_space<vmem>>, vector<16xf32>,
      %scan3A_68 = arith.constant 0 : i32
      %scan3A_69 = arith.constant 0 : i32
      %scan3A_70 = arith.constant 16 : i32
      %scan3A_71 = arith.addi %scan3A_69, %scan3A_70 : i32
      %scan3A_72 = arith.constant 1 : i32
      scf.for %scan3A_101 = %scan3A_69 to %scan3A_71 step %scan3A_72  : i32 {
        %mul3A_102 = arith.constant 128 : i32
        %mul3A_103 = arith.muli %scan3A_101, %mul3A_102 : i32
        %mul3A_104 = arith.constant 8 : i32
        %mul3A_105 = arith.muli %scan3A_101, %mul3A_104 : i32
        %broadcast_in_dim3A_106 = arith.constant 0.000000e+00 : f32
        %broadcast_in_dim3A_107 = vector.broadcast %broadcast_in_dim3A_106 : f32 to vector<16xf32>
        %broadcast_in_dim3A_108 = arith.constant 0.000000e+00 : f32
        %broadcast_in_dim3A_109 = vector.broadcast %broadcast_in_dim3A_108 : f32 to vector<16xf32>
        %broadcast_in_dim3A_110 = arith.constant 0.000000e+00 : f32
        %broadcast_in_dim3A_111 = vector.broadcast %broadcast_in_dim3A_110 : f32 to vector<16xf32>
        %broadcast_in_dim3A_112 = arith.constant 0.000000e+00 : f32
        %broadcast_in_dim3A_113 = vector.broadcast %broadcast_in_dim3A_112 : f32 to vector<16xf32>
        %broadcast_in_dim3A_114 = arith.constant 0.000000e+00 : f32
        %broadcast_in_dim3A_115 = vector.broadcast %broadcast_in_dim3A_114 : f32 to vector<16xf32>
        %broadcast_in_dim3A_116 = arith.constant 0.000000e+00 : f32
        %broadcast_in_dim3A_117 = vector.broadcast %broadcast_in_dim3A_116 : f32 to vector<16xf32>
        %broadcast_in_dim3A_118 = arith.constant 0.000000e+00 : f32
        %broadcast_in_dim3A_119 = vector.broadcast %broadcast_in_dim3A_118 : f32 to vector<16xf32>
        %broadcast_in_dim3A_120 = arith.constant 0.000000e+00 : f32
        %broadcast_in_dim3A_121 = vector.broadcast %broadcast_in_dim3A_120 : f32 to vector<16xf32>
        %add3A_122 = arith.constant 0 : i32
        %add3A_123 = arith.addi %mul3A_103, %add3A_122 : i32
        %add3A_124 = vector.broadcast %add3A_123 : i32 to vector<16xi32>
        %add3A_125 = arith.addi %iota3A, %add3A_124 : vector<16xi32>
        %add3A_126 = arith.constant 0 : i32
        %add3A_127 = arith.addi %mul3A_103, %add3A_126 : i32
        %get3A_128 = arith.index_cast %add3A_127 : i32 to index
        %get3A_129 = tpu.vector_load %arg20[%get3A_128] {strides = array<i32>} : memref<2048xf32, #tpu.memory_space<vmem>>, vector<16xf32>,
        %gather3A = tpu.vector_load_idx %arg22[%add3A_125, %broadcast_in_dim3A_3] : memref<2048x8xf32, #tpu.memory_space<vmem>>[vector<16xi32>, vector<16xi32>], vector<16xf32>,
        %mul3A_130 = arith.mulf %get3A_129, %gather3A : vector<16xf32>
        %add3A_131 = arith.addf %broadcast_in_dim3A_107, %mul3A_130 : vector<16xf32>
        %gather3A_132 = tpu.vector_load_idx %arg22[%add3A_125, %broadcast_in_dim3A_5] : memref<2048x8xf32, #tpu.memory_space<vmem>>[vector<16xi32>, vector<16xi32>], vector<16xf32>,
        %mul3A_133 = arith.mulf %get3A_129, %gather3A_132 : vector<16xf32>
        %add3A_134 = arith.addf %broadcast_in_dim3A_109, %mul3A_133 : vector<16xf32>
        %gather3A_135 = tpu.vector_load_idx %arg22[%add3A_125, %broadcast_in_dim3A_7] : memref<2048x8xf32, #tpu.memory_space<vmem>>[vector<16xi32>, vector<16xi32>], vector<16xf32>,
        %mul3A_136 = arith.mulf %get3A_129, %gather3A_135 : vector<16xf32>
        %add3A_137 = arith.addf %broadcast_in_dim3A_111, %mul3A_136 : vector<16xf32>
        %gather3A_138 = tpu.vector_load_idx %arg22[%add3A_125, %broadcast_in_dim3A_9] : memref<2048x8xf32, #tpu.memory_space<vmem>>[vector<16xi32>, vector<16xi32>], vector<16xf32>,
        %mul3A_139 = arith.mulf %get3A_129, %gather3A_138 : vector<16xf32>
        %add3A_140 = arith.addf %broadcast_in_dim3A_113, %mul3A_139 : vector<16xf32>
        %gather3A_141 = tpu.vector_load_idx %arg22[%add3A_125, %broadcast_in_dim3A_11] : memref<2048x8xf32, #tpu.memory_space<vmem>>[vector<16xi32>, vector<16xi32>], vector<16xf32>,
        %mul3A_142 = arith.mulf %get3A_129, %gather3A_141 : vector<16xf32>
        %add3A_143 = arith.addf %broadcast_in_dim3A_115, %mul3A_142 : vector<16xf32>
        %gather3A_144 = tpu.vector_load_idx %arg22[%add3A_125, %broadcast_in_dim3A_13] : memref<2048x8xf32, #tpu.memory_space<vmem>>[vector<16xi32>, vector<16xi32>], vector<16xf32>,
        %mul3A_145 = arith.mulf %get3A_129, %gather3A_144 : vector<16xf32>
        %add3A_146 = arith.addf %broadcast_in_dim3A_117, %mul3A_145 : vector<16xf32>
        %gather3A_147 = tpu.vector_load_idx %arg22[%add3A_125, %broadcast_in_dim3A_15] : memref<2048x8xf32, #tpu.memory_space<vmem>>[vector<16xi32>, vector<16xi32>], vector<16xf32>,
        %mul3A_148 = arith.mulf %get3A_129, %gather3A_147 : vector<16xf32>
        %add3A_149 = arith.addf %broadcast_in_dim3A_119, %mul3A_148 : vector<16xf32>
        %gather3A_150 = tpu.vector_load_idx %arg22[%add3A_125, %broadcast_in_dim3A_17] : memref<2048x8xf32, #tpu.memory_space<vmem>>[vector<16xi32>, vector<16xi32>], vector<16xf32>,
        %mul3A_151 = arith.mulf %get3A_129, %gather3A_150 : vector<16xf32>
        %add3A_152 = arith.addf %broadcast_in_dim3A_121, %mul3A_151 : vector<16xf32>
        %add3A_153 = arith.constant 16 : i32
        %add3A_154 = arith.addi %mul3A_103, %add3A_153 : i32
        %add3A_155 = vector.broadcast %add3A_154 : i32 to vector<16xi32>
        %add3A_156 = arith.addi %iota3A, %add3A_155 : vector<16xi32>
        %add3A_157 = arith.constant 16 : i32
        %add3A_158 = arith.addi %mul3A_103, %add3A_157 : i32
        %get3A_159 = arith.index_cast %add3A_158 : i32 to index
        %get3A_160 = tpu.vector_load %arg20[%get3A_159] {strides = array<i32>} : memref<2048xf32, #tpu.memory_space<vmem>>, vector<16xf32>,
        %gather3A_161 = tpu.vector_load_idx %arg22[%add3A_156, %broadcast_in_dim3A_3] : memref<2048x8xf32, #tpu.memory_space<vmem>>[vector<16xi32>, vector<16xi32>], vector<16xf32>,
        %mul3A_162 = arith.mulf %get3A_160, %gather3A_161 : vector<16xf32>
        %add3A_163 = arith.addf %add3A_131, %mul3A_162 : vector<16xf32>
        %gather3A_164 = tpu.vector_load_idx %arg22[%add3A_156, %broadcast_in_dim3A_5] : memref<2048x8xf32, #tpu.memory_space<vmem>>[vector<16xi32>, vector<16xi32>], vector<16xf32>,
        %mul3A_165 = arith.mulf %get3A_160, %gather3A_164 : vector<16xf32>
        %add3A_166 = arith.addf %add3A_134, %mul3A_165 : vector<16xf32>
        %gather3A_167 = tpu.vector_load_idx %arg22[%add3A_156, %broadcast_in_dim3A_7] : memref<2048x8xf32, #tpu.memory_space<vmem>>[vector<16xi32>, vector<16xi32>], vector<16xf32>,
        %mul3A_168 = arith.mulf %get3A_160, %gather3A_167 : vector<16xf32>
        %add3A_169 = arith.addf %add3A_137, %mul3A_168 : vector<16xf32>
        %gather3A_170 = tpu.vector_load_idx %arg22[%add3A_156, %broadcast_in_dim3A_9] : memref<2048x8xf32, #tpu.memory_space<vmem>>[vector<16xi32>, vector<16xi32>], vector<16xf32>,
        %mul3A_171 = arith.mulf %get3A_160, %gather3A_170 : vector<16xf32>
        %add3A_172 = arith.addf %add3A_140, %mul3A_171 : vector<16xf32>
        %gather3A_173 = tpu.vector_load_idx %arg22[%add3A_156, %broadcast_in_dim3A_11] : memref<2048x8xf32, #tpu.memory_space<vmem>>[vector<16xi32>, vector<16xi32>], vector<16xf32>,
        %mul3A_174 = arith.mulf %get3A_160, %gather3A_173 : vector<16xf32>
        %add3A_175 = arith.addf %add3A_143, %mul3A_174 : vector<16xf32>
        %gather3A_176 = tpu.vector_load_idx %arg22[%add3A_156, %broadcast_in_dim3A_13] : memref<2048x8xf32, #tpu.memory_space<vmem>>[vector<16xi32>, vector<16xi32>], vector<16xf32>,
        %mul3A_177 = arith.mulf %get3A_160, %gather3A_176 : vector<16xf32>
        %add3A_178 = arith.addf %add3A_146, %mul3A_177 : vector<16xf32>
        %gather3A_179 = tpu.vector_load_idx %arg22[%add3A_156, %broadcast_in_dim3A_15] : memref<2048x8xf32, #tpu.memory_space<vmem>>[vector<16xi32>, vector<16xi32>], vector<16xf32>,
        %mul3A_180 = arith.mulf %get3A_160, %gather3A_179 : vector<16xf32>
        %add3A_181 = arith.addf %add3A_149, %mul3A_180 : vector<16xf32>
        %gather3A_182 = tpu.vector_load_idx %arg22[%add3A_156, %broadcast_in_dim3A_17] : memref<2048x8xf32, #tpu.memory_space<vmem>>[vector<16xi32>, vector<16xi32>], vector<16xf32>,
        %mul3A_183 = arith.mulf %get3A_160, %gather3A_182 : vector<16xf32>
        %add3A_184 = arith.addf %add3A_152, %mul3A_183 : vector<16xf32>
        %add3A_185 = arith.constant 32 : i32
        %add3A_186 = arith.addi %mul3A_103, %add3A_185 : i32
        %add3A_187 = vector.broadcast %add3A_186 : i32 to vector<16xi32>
        %add3A_188 = arith.addi %iota3A, %add3A_187 : vector<16xi32>
        %add3A_189 = arith.constant 32 : i32
        %add3A_190 = arith.addi %mul3A_103, %add3A_189 : i32
        %get3A_191 = arith.index_cast %add3A_190 : i32 to index
        %get3A_192 = tpu.vector_load %arg20[%get3A_191] {strides = array<i32>} : memref<2048xf32, #tpu.memory_space<vmem>>, vector<16xf32>,
        %gather3A_193 = tpu.vector_load_idx %arg22[%add3A_188, %broadcast_in_dim3A_3] : memref<2048x8xf32, #tpu.memory_space<vmem>>[vector<16xi32>, vector<16xi32>], vector<16xf32>,
        %mul3A_194 = arith.mulf %get3A_192, %gather3A_193 : vector<16xf32>
        %add3A_195 = arith.addf %add3A_163, %mul3A_194 : vector<16xf32>
        %gather3A_196 = tpu.vector_load_idx %arg22[%add3A_188, %broadcast_in_dim3A_5] : memref<2048x8xf32, #tpu.memory_space<vmem>>[vector<16xi32>, vector<16xi32>], vector<16xf32>,
        %mul3A_197 = arith.mulf %get3A_192, %gather3A_196 : vector<16xf32>
        %add3A_198 = arith.addf %add3A_166, %mul3A_197 : vector<16xf32>
        %gather3A_199 = tpu.vector_load_idx %arg22[%add3A_188, %broadcast_in_dim3A_7] : memref<2048x8xf32, #tpu.memory_space<vmem>>[vector<16xi32>, vector<16xi32>], vector<16xf32>,
        %mul3A_200 = arith.mulf %get3A_192, %gather3A_199 : vector<16xf32>
        %add3A_201 = arith.addf %add3A_169, %mul3A_200 : vector<16xf32>
        %gather3A_202 = tpu.vector_load_idx %arg22[%add3A_188, %broadcast_in_dim3A_9] : memref<2048x8xf32, #tpu.memory_space<vmem>>[vector<16xi32>, vector<16xi32>], vector<16xf32>,
        %mul3A_203 = arith.mulf %get3A_192, %gather3A_202 : vector<16xf32>
        %add3A_204 = arith.addf %add3A_172, %mul3A_203 : vector<16xf32>
        %gather3A_205 = tpu.vector_load_idx %arg22[%add3A_188, %broadcast_in_dim3A_11] : memref<2048x8xf32, #tpu.memory_space<vmem>>[vector<16xi32>, vector<16xi32>], vector<16xf32>,
        %mul3A_206 = arith.mulf %get3A_192, %gather3A_205 : vector<16xf32>
        %add3A_207 = arith.addf %add3A_175, %mul3A_206 : vector<16xf32>
        %gather3A_208 = tpu.vector_load_idx %arg22[%add3A_188, %broadcast_in_dim3A_13] : memref<2048x8xf32, #tpu.memory_space<vmem>>[vector<16xi32>, vector<16xi32>], vector<16xf32>,
        %mul3A_209 = arith.mulf %get3A_192, %gather3A_208 : vector<16xf32>
        %add3A_210 = arith.addf %add3A_178, %mul3A_209 : vector<16xf32>
        %gather3A_211 = tpu.vector_load_idx %arg22[%add3A_188, %broadcast_in_dim3A_15] : memref<2048x8xf32, #tpu.memory_space<vmem>>[vector<16xi32>, vector<16xi32>], vector<16xf32>,
        %mul3A_212 = arith.mulf %get3A_192, %gather3A_211 : vector<16xf32>
        %add3A_213 = arith.addf %add3A_181, %mul3A_212 : vector<16xf32>
        %gather3A_214 = tpu.vector_load_idx %arg22[%add3A_188, %broadcast_in_dim3A_17] : memref<2048x8xf32, #tpu.memory_space<vmem>>[vector<16xi32>, vector<16xi32>], vector<16xf32>,
        %mul3A_215 = arith.mulf %get3A_192, %gather3A_214 : vector<16xf32>
        %add3A_216 = arith.addf %add3A_184, %mul3A_215 : vector<16xf32>
        %add3A_217 = arith.constant 48 : i32
        %add3A_218 = arith.addi %mul3A_103, %add3A_217 : i32
        %add3A_219 = vector.broadcast %add3A_218 : i32 to vector<16xi32>
        %add3A_220 = arith.addi %iota3A, %add3A_219 : vector<16xi32>
        %add3A_221 = arith.constant 48 : i32
        %add3A_222 = arith.addi %mul3A_103, %add3A_221 : i32
        %get3A_223 = arith.index_cast %add3A_222 : i32 to index
        %get3A_224 = tpu.vector_load %arg20[%get3A_223] {strides = array<i32>} : memref<2048xf32, #tpu.memory_space<vmem>>, vector<16xf32>,
        %gather3A_225 = tpu.vector_load_idx %arg22[%add3A_220, %broadcast_in_dim3A_3] : memref<2048x8xf32, #tpu.memory_space<vmem>>[vector<16xi32>, vector<16xi32>], vector<16xf32>,
        %mul3A_226 = arith.mulf %get3A_224, %gather3A_225 : vector<16xf32>
        %add3A_227 = arith.addf %add3A_195, %mul3A_226 : vector<16xf32>
        %gather3A_228 = tpu.vector_load_idx %arg22[%add3A_220, %broadcast_in_dim3A_5] : memref<2048x8xf32, #tpu.memory_space<vmem>>[vector<16xi32>, vector<16xi32>], vector<16xf32>,
        %mul3A_229 = arith.mulf %get3A_224, %gather3A_228 : vector<16xf32>
        %add3A_230 = arith.addf %add3A_198, %mul3A_229 : vector<16xf32>
        %gather3A_231 = tpu.vector_load_idx %arg22[%add3A_220, %broadcast_in_dim3A_7] : memref<2048x8xf32, #tpu.memory_space<vmem>>[vector<16xi32>, vector<16xi32>], vector<16xf32>,
        %mul3A_232 = arith.mulf %get3A_224, %gather3A_231 : vector<16xf32>
        %add3A_233 = arith.addf %add3A_201, %mul3A_232 : vector<16xf32>
        %gather3A_234 = tpu.vector_load_idx %arg22[%add3A_220, %broadcast_in_dim3A_9] : memref<2048x8xf32, #tpu.memory_space<vmem>>[vector<16xi32>, vector<16xi32>], vector<16xf32>,
        %mul3A_235 = arith.mulf %get3A_224, %gather3A_234 : vector<16xf32>
        %add3A_236 = arith.addf %add3A_204, %mul3A_235 : vector<16xf32>
        %gather3A_237 = tpu.vector_load_idx %arg22[%add3A_220, %broadcast_in_dim3A_11] : memref<2048x8xf32, #tpu.memory_space<vmem>>[vector<16xi32>, vector<16xi32>], vector<16xf32>,
        %mul3A_238 = arith.mulf %get3A_224, %gather3A_237 : vector<16xf32>
        %add3A_239 = arith.addf %add3A_207, %mul3A_238 : vector<16xf32>
        %gather3A_240 = tpu.vector_load_idx %arg22[%add3A_220, %broadcast_in_dim3A_13] : memref<2048x8xf32, #tpu.memory_space<vmem>>[vector<16xi32>, vector<16xi32>], vector<16xf32>,
        %mul3A_241 = arith.mulf %get3A_224, %gather3A_240 : vector<16xf32>
        %add3A_242 = arith.addf %add3A_210, %mul3A_241 : vector<16xf32>
        %gather3A_243 = tpu.vector_load_idx %arg22[%add3A_220, %broadcast_in_dim3A_15] : memref<2048x8xf32, #tpu.memory_space<vmem>>[vector<16xi32>, vector<16xi32>], vector<16xf32>,
        %mul3A_244 = arith.mulf %get3A_224, %gather3A_243 : vector<16xf32>
        %add3A_245 = arith.addf %add3A_213, %mul3A_244 : vector<16xf32>
        %gather3A_246 = tpu.vector_load_idx %arg22[%add3A_220, %broadcast_in_dim3A_17] : memref<2048x8xf32, #tpu.memory_space<vmem>>[vector<16xi32>, vector<16xi32>], vector<16xf32>,
        %mul3A_247 = arith.mulf %get3A_224, %gather3A_246 : vector<16xf32>
        %add3A_248 = arith.addf %add3A_216, %mul3A_247 : vector<16xf32>
        %add3A_249 = arith.constant 64 : i32
        %add3A_250 = arith.addi %mul3A_103, %add3A_249 : i32
        %add3A_251 = vector.broadcast %add3A_250 : i32 to vector<16xi32>
        %add3A_252 = arith.addi %iota3A, %add3A_251 : vector<16xi32>
        %add3A_253 = arith.constant 64 : i32
        %add3A_254 = arith.addi %mul3A_103, %add3A_253 : i32
        %get3A_255 = arith.index_cast %add3A_254 : i32 to index
        %get3A_256 = tpu.vector_load %arg20[%get3A_255] {strides = array<i32>} : memref<2048xf32, #tpu.memory_space<vmem>>, vector<16xf32>,
        %gather3A_257 = tpu.vector_load_idx %arg22[%add3A_252, %broadcast_in_dim3A_3] : memref<2048x8xf32, #tpu.memory_space<vmem>>[vector<16xi32>, vector<16xi32>], vector<16xf32>,
        %mul3A_258 = arith.mulf %get3A_256, %gather3A_257 : vector<16xf32>
        %add3A_259 = arith.addf %add3A_227, %mul3A_258 : vector<16xf32>
        %gather3A_260 = tpu.vector_load_idx %arg22[%add3A_252, %broadcast_in_dim3A_5] : memref<2048x8xf32, #tpu.memory_space<vmem>>[vector<16xi32>, vector<16xi32>], vector<16xf32>,
        %mul3A_261 = arith.mulf %get3A_256, %gather3A_260 : vector<16xf32>
        %add3A_262 = arith.addf %add3A_230, %mul3A_261 : vector<16xf32>
        %gather3A_263 = tpu.vector_load_idx %arg22[%add3A_252, %broadcast_in_dim3A_7] : memref<2048x8xf32, #tpu.memory_space<vmem>>[vector<16xi32>, vector<16xi32>], vector<16xf32>,
        %mul3A_264 = arith.mulf %get3A_256, %gather3A_263 : vector<16xf32>
        %add3A_265 = arith.addf %add3A_233, %mul3A_264 : vector<16xf32>
        %gather3A_266 = tpu.vector_load_idx %arg22[%add3A_252, %broadcast_in_dim3A_9] : memref<2048x8xf32, #tpu.memory_space<vmem>>[vector<16xi32>, vector<16xi32>], vector<16xf32>,
        %mul3A_267 = arith.mulf %get3A_256, %gather3A_266 : vector<16xf32>
        %add3A_268 = arith.addf %add3A_236, %mul3A_267 : vector<16xf32>
        %gather3A_269 = tpu.vector_load_idx %arg22[%add3A_252, %broadcast_in_dim3A_11] : memref<2048x8xf32, #tpu.memory_space<vmem>>[vector<16xi32>, vector<16xi32>], vector<16xf32>,
        %mul3A_270 = arith.mulf %get3A_256, %gather3A_269 : vector<16xf32>
        %add3A_271 = arith.addf %add3A_239, %mul3A_270 : vector<16xf32>
        %gather3A_272 = tpu.vector_load_idx %arg22[%add3A_252, %broadcast_in_dim3A_13] : memref<2048x8xf32, #tpu.memory_space<vmem>>[vector<16xi32>, vector<16xi32>], vector<16xf32>,
        %mul3A_273 = arith.mulf %get3A_256, %gather3A_272 : vector<16xf32>
        %add3A_274 = arith.addf %add3A_242, %mul3A_273 : vector<16xf32>
        %gather3A_275 = tpu.vector_load_idx %arg22[%add3A_252, %broadcast_in_dim3A_15] : memref<2048x8xf32, #tpu.memory_space<vmem>>[vector<16xi32>, vector<16xi32>], vector<16xf32>,
        %mul3A_276 = arith.mulf %get3A_256, %gather3A_275 : vector<16xf32>
        %add3A_277 = arith.addf %add3A_245, %mul3A_276 : vector<16xf32>
        %gather3A_278 = tpu.vector_load_idx %arg22[%add3A_252, %broadcast_in_dim3A_17] : memref<2048x8xf32, #tpu.memory_space<vmem>>[vector<16xi32>, vector<16xi32>], vector<16xf32>,
        %mul3A_279 = arith.mulf %get3A_256, %gather3A_278 : vector<16xf32>
        %add3A_280 = arith.addf %add3A_248, %mul3A_279 : vector<16xf32>
        %add3A_281 = arith.constant 80 : i32
        %add3A_282 = arith.addi %mul3A_103, %add3A_281 : i32
        %add3A_283 = vector.broadcast %add3A_282 : i32 to vector<16xi32>
        %add3A_284 = arith.addi %iota3A, %add3A_283 : vector<16xi32>
        %add3A_285 = arith.constant 80 : i32
        %add3A_286 = arith.addi %mul3A_103, %add3A_285 : i32
        %get3A_287 = arith.index_cast %add3A_286 : i32 to index
        %get3A_288 = tpu.vector_load %arg20[%get3A_287] {strides = array<i32>} : memref<2048xf32, #tpu.memory_space<vmem>>, vector<16xf32>,
        %gather3A_289 = tpu.vector_load_idx %arg22[%add3A_284, %broadcast_in_dim3A_3] : memref<2048x8xf32, #tpu.memory_space<vmem>>[vector<16xi32>, vector<16xi32>], vector<16xf32>,
        %mul3A_290 = arith.mulf %get3A_288, %gather3A_289 : vector<16xf32>
        %add3A_291 = arith.addf %add3A_259, %mul3A_290 : vector<16xf32>
        %gather3A_292 = tpu.vector_load_idx %arg22[%add3A_284, %broadcast_in_dim3A_5] : memref<2048x8xf32, #tpu.memory_space<vmem>>[vector<16xi32>, vector<16xi32>], vector<16xf32>,
        %mul3A_293 = arith.mulf %get3A_288, %gather3A_292 : vector<16xf32>
        %add3A_294 = arith.addf %add3A_262, %mul3A_293 : vector<16xf32>
        %gather3A_295 = tpu.vector_load_idx %arg22[%add3A_284, %broadcast_in_dim3A_7] : memref<2048x8xf32, #tpu.memory_space<vmem>>[vector<16xi32>, vector<16xi32>], vector<16xf32>,
        %mul3A_296 = arith.mulf %get3A_288, %gather3A_295 : vector<16xf32>
        %add3A_297 = arith.addf %add3A_265, %mul3A_296 : vector<16xf32>
        %gather3A_298 = tpu.vector_load_idx %arg22[%add3A_284, %broadcast_in_dim3A_9] : memref<2048x8xf32, #tpu.memory_space<vmem>>[vector<16xi32>, vector<16xi32>], vector<16xf32>,
        %mul3A_299 = arith.mulf %get3A_288, %gather3A_298 : vector<16xf32>
        %add3A_300 = arith.addf %add3A_268, %mul3A_299 : vector<16xf32>
        %gather3A_301 = tpu.vector_load_idx %arg22[%add3A_284, %broadcast_in_dim3A_11] : memref<2048x8xf32, #tpu.memory_space<vmem>>[vector<16xi32>, vector<16xi32>], vector<16xf32>,
        %mul3A_302 = arith.mulf %get3A_288, %gather3A_301 : vector<16xf32>
        %add3A_303 = arith.addf %add3A_271, %mul3A_302 : vector<16xf32>
        %gather3A_304 = tpu.vector_load_idx %arg22[%add3A_284, %broadcast_in_dim3A_13] : memref<2048x8xf32, #tpu.memory_space<vmem>>[vector<16xi32>, vector<16xi32>], vector<16xf32>,
        %mul3A_305 = arith.mulf %get3A_288, %gather3A_304 : vector<16xf32>
        %add3A_306 = arith.addf %add3A_274, %mul3A_305 : vector<16xf32>
        %gather3A_307 = tpu.vector_load_idx %arg22[%add3A_284, %broadcast_in_dim3A_15] : memref<2048x8xf32, #tpu.memory_space<vmem>>[vector<16xi32>, vector<16xi32>], vector<16xf32>,
        %mul3A_308 = arith.mulf %get3A_288, %gather3A_307 : vector<16xf32>
        %add3A_309 = arith.addf %add3A_277, %mul3A_308 : vector<16xf32>
        %gather3A_310 = tpu.vector_load_idx %arg22[%add3A_284, %broadcast_in_dim3A_17] : memref<2048x8xf32, #tpu.memory_space<vmem>>[vector<16xi32>, vector<16xi32>], vector<16xf32>,
        %mul3A_311 = arith.mulf %get3A_288, %gather3A_310 : vector<16xf32>
        %add3A_312 = arith.addf %add3A_280, %mul3A_311 : vector<16xf32>
        %add3A_313 = arith.constant 96 : i32
        %add3A_314 = arith.addi %mul3A_103, %add3A_313 : i32
        %add3A_315 = vector.broadcast %add3A_314 : i32 to vector<16xi32>
        %add3A_316 = arith.addi %iota3A, %add3A_315 : vector<16xi32>
        %add3A_317 = arith.constant 96 : i32
        %add3A_318 = arith.addi %mul3A_103, %add3A_317 : i32
        %get3A_319 = arith.index_cast %add3A_318 : i32 to index
        %get3A_320 = tpu.vector_load %arg20[%get3A_319] {strides = array<i32>} : memref<2048xf32, #tpu.memory_space<vmem>>, vector<16xf32>,
        %gather3A_321 = tpu.vector_load_idx %arg22[%add3A_316, %broadcast_in_dim3A_3] : memref<2048x8xf32, #tpu.memory_space<vmem>>[vector<16xi32>, vector<16xi32>], vector<16xf32>,
        %mul3A_322 = arith.mulf %get3A_320, %gather3A_321 : vector<16xf32>
        %add3A_323 = arith.addf %add3A_291, %mul3A_322 : vector<16xf32>
        %gather3A_324 = tpu.vector_load_idx %arg22[%add3A_316, %broadcast_in_dim3A_5] : memref<2048x8xf32, #tpu.memory_space<vmem>>[vector<16xi32>, vector<16xi32>], vector<16xf32>,
        %mul3A_325 = arith.mulf %get3A_320, %gather3A_324 : vector<16xf32>
        %add3A_326 = arith.addf %add3A_294, %mul3A_325 : vector<16xf32>
        %gather3A_327 = tpu.vector_load_idx %arg22[%add3A_316, %broadcast_in_dim3A_7] : memref<2048x8xf32, #tpu.memory_space<vmem>>[vector<16xi32>, vector<16xi32>], vector<16xf32>,
        %mul3A_328 = arith.mulf %get3A_320, %gather3A_327 : vector<16xf32>
        %add3A_329 = arith.addf %add3A_297, %mul3A_328 : vector<16xf32>
        %gather3A_330 = tpu.vector_load_idx %arg22[%add3A_316, %broadcast_in_dim3A_9] : memref<2048x8xf32, #tpu.memory_space<vmem>>[vector<16xi32>, vector<16xi32>], vector<16xf32>,
        %mul3A_331 = arith.mulf %get3A_320, %gather3A_330 : vector<16xf32>
        %add3A_332 = arith.addf %add3A_300, %mul3A_331 : vector<16xf32>
        %gather3A_333 = tpu.vector_load_idx %arg22[%add3A_316, %broadcast_in_dim3A_11] : memref<2048x8xf32, #tpu.memory_space<vmem>>[vector<16xi32>, vector<16xi32>], vector<16xf32>,
        %mul3A_334 = arith.mulf %get3A_320, %gather3A_333 : vector<16xf32>
        %add3A_335 = arith.addf %add3A_303, %mul3A_334 : vector<16xf32>
        %gather3A_336 = tpu.vector_load_idx %arg22[%add3A_316, %broadcast_in_dim3A_13] : memref<2048x8xf32, #tpu.memory_space<vmem>>[vector<16xi32>, vector<16xi32>], vector<16xf32>,
        %mul3A_337 = arith.mulf %get3A_320, %gather3A_336 : vector<16xf32>
        %add3A_338 = arith.addf %add3A_306, %mul3A_337 : vector<16xf32>
        %gather3A_339 = tpu.vector_load_idx %arg22[%add3A_316, %broadcast_in_dim3A_15] : memref<2048x8xf32, #tpu.memory_space<vmem>>[vector<16xi32>, vector<16xi32>], vector<16xf32>,
        %mul3A_340 = arith.mulf %get3A_320, %gather3A_339 : vector<16xf32>
        %add3A_341 = arith.addf %add3A_309, %mul3A_340 : vector<16xf32>
        %gather3A_342 = tpu.vector_load_idx %arg22[%add3A_316, %broadcast_in_dim3A_17] : memref<2048x8xf32, #tpu.memory_space<vmem>>[vector<16xi32>, vector<16xi32>], vector<16xf32>,
        %mul3A_343 = arith.mulf %get3A_320, %gather3A_342 : vector<16xf32>
        %add3A_344 = arith.addf %add3A_312, %mul3A_343 : vector<16xf32>
        %add3A_345 = arith.constant 112 : i32
        %add3A_346 = arith.addi %mul3A_103, %add3A_345 : i32
        %add3A_347 = vector.broadcast %add3A_346 : i32 to vector<16xi32>
        %add3A_348 = arith.addi %iota3A, %add3A_347 : vector<16xi32>
        %add3A_349 = arith.constant 112 : i32
        %add3A_350 = arith.addi %mul3A_103, %add3A_349 : i32
        %get3A_351 = arith.index_cast %add3A_350 : i32 to index
        %get3A_352 = tpu.vector_load %arg20[%get3A_351] {strides = array<i32>} : memref<2048xf32, #tpu.memory_space<vmem>>, vector<16xf32>,
        %gather3A_353 = tpu.vector_load_idx %arg22[%add3A_348, %broadcast_in_dim3A_3] : memref<2048x8xf32, #tpu.memory_space<vmem>>[vector<16xi32>, vector<16xi32>], vector<16xf32>,
        %mul3A_354 = arith.mulf %get3A_352, %gather3A_353 : vector<16xf32>
        %add3A_355 = arith.addf %add3A_323, %mul3A_354 : vector<16xf32>
        %gather3A_356 = tpu.vector_load_idx %arg22[%add3A_348, %broadcast_in_dim3A_5] : memref<2048x8xf32, #tpu.memory_space<vmem>>[vector<16xi32>, vector<16xi32>], vector<16xf32>,
        %mul3A_357 = arith.mulf %get3A_352, %gather3A_356 : vector<16xf32>
        %add3A_358 = arith.addf %add3A_326, %mul3A_357 : vector<16xf32>
        %gather3A_359 = tpu.vector_load_idx %arg22[%add3A_348, %broadcast_in_dim3A_7] : memref<2048x8xf32, #tpu.memory_space<vmem>>[vector<16xi32>, vector<16xi32>], vector<16xf32>,
        %mul3A_360 = arith.mulf %get3A_352, %gather3A_359 : vector<16xf32>
        %add3A_361 = arith.addf %add3A_329, %mul3A_360 : vector<16xf32>
        %gather3A_362 = tpu.vector_load_idx %arg22[%add3A_348, %broadcast_in_dim3A_9] : memref<2048x8xf32, #tpu.memory_space<vmem>>[vector<16xi32>, vector<16xi32>], vector<16xf32>,
        %mul3A_363 = arith.mulf %get3A_352, %gather3A_362 : vector<16xf32>
        %add3A_364 = arith.addf %add3A_332, %mul3A_363 : vector<16xf32>
        %gather3A_365 = tpu.vector_load_idx %arg22[%add3A_348, %broadcast_in_dim3A_11] : memref<2048x8xf32, #tpu.memory_space<vmem>>[vector<16xi32>, vector<16xi32>], vector<16xf32>,
        %mul3A_366 = arith.mulf %get3A_352, %gather3A_365 : vector<16xf32>
        %add3A_367 = arith.addf %add3A_335, %mul3A_366 : vector<16xf32>
        %gather3A_368 = tpu.vector_load_idx %arg22[%add3A_348, %broadcast_in_dim3A_13] : memref<2048x8xf32, #tpu.memory_space<vmem>>[vector<16xi32>, vector<16xi32>], vector<16xf32>,
        %mul3A_369 = arith.mulf %get3A_352, %gather3A_368 : vector<16xf32>
        %add3A_370 = arith.addf %add3A_338, %mul3A_369 : vector<16xf32>
        %gather3A_371 = tpu.vector_load_idx %arg22[%add3A_348, %broadcast_in_dim3A_15] : memref<2048x8xf32, #tpu.memory_space<vmem>>[vector<16xi32>, vector<16xi32>], vector<16xf32>,
        %mul3A_372 = arith.mulf %get3A_352, %gather3A_371 : vector<16xf32>
        %add3A_373 = arith.addf %add3A_341, %mul3A_372 : vector<16xf32>
        %gather3A_374 = tpu.vector_load_idx %arg22[%add3A_348, %broadcast_in_dim3A_17] : memref<2048x8xf32, #tpu.memory_space<vmem>>[vector<16xi32>, vector<16xi32>], vector<16xf32>,
        %mul3A_375 = arith.mulf %get3A_352, %gather3A_374 : vector<16xf32>
        %add3A_376 = arith.addf %add3A_344, %mul3A_375 : vector<16xf32>
        %add3A_377 = arith.constant 0 : i32
        %add3A_378 = arith.addi %mul3A_105, %add3A_377 : i32
        %broadcast_in_dim3A_379 = vector.broadcast %add3A_378 : i32 to vector<16xi32>
        tpu.vector_store_idx %arg24[%iota3A, %broadcast_in_dim3A_379], %add3A_355 : memref<16x128xf32, #tpu.memory_space<vmem>>[vector<16xi32>, vector<16xi32>], vector<16xf32>,
        %add3A_380 = arith.constant 1 : i32
        %add3A_381 = arith.addi %mul3A_105, %add3A_380 : i32
        %broadcast_in_dim3A_382 = vector.broadcast %add3A_381 : i32 to vector<16xi32>
        tpu.vector_store_idx %arg24[%iota3A, %broadcast_in_dim3A_382], %add3A_358 : memref<16x128xf32, #tpu.memory_space<vmem>>[vector<16xi32>, vector<16xi32>], vector<16xf32>,
        %mul3A_383 = arith.mulf %add3A_361, %get3A_63 : vector<16xf32>
        %add3A_384 = arith.constant 2 : i32
        %add3A_385 = arith.addi %mul3A_105, %add3A_384 : i32
        %broadcast_in_dim3A_386 = vector.broadcast %add3A_385 : i32 to vector<16xi32>
        tpu.vector_store_idx %arg24[%iota3A, %broadcast_in_dim3A_386], %mul3A_383 : memref<16x128xf32, #tpu.memory_space<vmem>>[vector<16xi32>, vector<16xi32>], vector<16xf32>,
        %mul3A_387 = arith.mulf %add3A_364, %get3A_63 : vector<16xf32>
        %add3A_388 = arith.constant 3 : i32
        %add3A_389 = arith.addi %mul3A_105, %add3A_388 : i32
        %broadcast_in_dim3A_390 = vector.broadcast %add3A_389 : i32 to vector<16xi32>
        tpu.vector_store_idx %arg24[%iota3A, %broadcast_in_dim3A_390], %mul3A_387 : memref<16x128xf32, #tpu.memory_space<vmem>>[vector<16xi32>, vector<16xi32>], vector<16xf32>,
        %mul3A_391 = arith.mulf %add3A_367, %get3A_65 : vector<16xf32>
        %add3A_392 = arith.constant 4 : i32
        %add3A_393 = arith.addi %mul3A_105, %add3A_392 : i32
        %broadcast_in_dim3A_394 = vector.broadcast %add3A_393 : i32 to vector<16xi32>
        tpu.vector_store_idx %arg24[%iota3A, %broadcast_in_dim3A_394], %mul3A_391 : memref<16x128xf32, #tpu.memory_space<vmem>>[vector<16xi32>, vector<16xi32>], vector<16xf32>,
        %mul3A_395 = arith.mulf %add3A_370, %get3A_65 : vector<16xf32>
        %add3A_396 = arith.constant 5 : i32
        %add3A_397 = arith.addi %mul3A_105, %add3A_396 : i32
        %broadcast_in_dim3A_398 = vector.broadcast %add3A_397 : i32 to vector<16xi32>
        tpu.vector_store_idx %arg24[%iota3A, %broadcast_in_dim3A_398], %mul3A_395 : memref<16x128xf32, #tpu.memory_space<vmem>>[vector<16xi32>, vector<16xi32>], vector<16xf32>,
        %mul3A_399 = arith.mulf %add3A_373, %get3A_67 : vector<16xf32>
        %add3A_400 = arith.constant 6 : i32
        %add3A_401 = arith.addi %mul3A_105, %add3A_400 : i32
        %broadcast_in_dim3A_402 = vector.broadcast %add3A_401 : i32 to vector<16xi32>
        tpu.vector_store_idx %arg24[%iota3A, %broadcast_in_dim3A_402], %mul3A_399 : memref<16x128xf32, #tpu.memory_space<vmem>>[vector<16xi32>, vector<16xi32>], vector<16xf32>,
        %mul3A_403 = arith.mulf %add3A_376, %get3A_67 : vector<16xf32>
        %add3A_404 = arith.constant 7 : i32
        %add3A_405 = arith.addi %mul3A_105, %add3A_404 : i32
        %broadcast_in_dim3A_406 = vector.broadcast %add3A_405 : i32 to vector<16xi32>
        tpu.vector_store_idx %arg24[%iota3A, %broadcast_in_dim3A_406], %mul3A_403 : memref<16x128xf32, #tpu.memory_space<vmem>>[vector<16xi32>, vector<16xi32>], vector<16xf32>,
      }
      %scan3A_73 = arith.constant 16 : i32
      %mul3A_74 = arith.constant 16 : i32
      %mul3A_75 = arith.muli %mul3A_38, %mul3A_74 : i32
      %add3A_76 = arith.addi %mul3A_2, %mul3A_75 : i32
      "tpu.region"() ({
        %run_scoped3A = tpu.sem_alloc : memref<!tpu.dma_semaphore, #tpu.memory_space<semaphore_mem>>
        %dma_start3A_101 = arith.constant 0 : i32
        %dma_start3A_102 = tpu.memref_slice %arg10[%add3A_76, %dma_start3A_101] : memref<131072x128xf32, #tpu.memory_space<hbm>> -> memref<16x128xf32, #tpu.memory_space<hbm>>
        %dma_start3A_103 = arith.constant 0 : i32
        %dma_start3A_104 = tpu.memref_slice %arg10[%add3A_76, %dma_start3A_103] : memref<131072x128xf32, #tpu.memory_space<hbm>> -> memref<16x128xf32, #tpu.memory_space<hbm>>
        tpu.enqueue_dma source(%arg24 : memref<16x128xf32, #tpu.memory_space<vmem>>) target(%dma_start3A_104 : memref<16x128xf32, #tpu.memory_space<hbm>>) target_semaphore(%run_scoped3A : memref<!tpu.dma_semaphore, #tpu.memory_space<semaphore_mem>>)
        %dma_wait3A_105 = arith.constant 0 : i32
        %dma_wait3A_106 = tpu.memref_slice %arg10[%add3A_76, %dma_wait3A_105] : memref<131072x128xf32, #tpu.memory_space<hbm>> -> memref<16x128xf32, #tpu.memory_space<hbm>>
        %dma_wait3A_107 = arith.constant 0 : i32
        %dma_wait3A_108 = tpu.memref_slice %arg10[%add3A_76, %dma_wait3A_107] : memref<131072x128xf32, #tpu.memory_space<hbm>> -> memref<16x128xf32, #tpu.memory_space<hbm>>
        tpu.wait_dma2 semaphore(%run_scoped3A : memref<!tpu.dma_semaphore, #tpu.memory_space<semaphore_mem>>) src(%arg24 : memref<16x128xf32, #tpu.memory_space<vmem>>) dst(%dma_wait3A_108 : memref<16x128xf32, #tpu.memory_space<hbm>>)
        tpu.yield
      }) : () -> ()
      %lt3A = arith.constant 127 : i32
      %lt3A_77 = arith.cmpi slt, %scan3A_36, %lt3A : i32
      %convert_element_type3A = arith.extui %lt3A_77 : i1 to i32
      %cond3A = arith.constant 0 : i32
      %cond3A_78 = arith.cmpi ne, %convert_element_type3A, %cond3A : i32
      scf.if %cond3A_78 {
        %add3A_101 = arith.constant 2 : i32
        %add3A_102 = arith.addi %mul3A_38, %add3A_101 : i32
        %mul3A_103 = arith.constant 16 : i32
        %mul3A_104 = arith.muli %add3A_102, %mul3A_103 : i32
        %get3A_105 = arith.index_cast %mul3A_104 : i32 to index
        %get3A_106 = tpu.vector_load %arg11[%get3A_105] {strides = array<i32>} : memref<4096xf32, #tpu.memory_space<vmem>>, vector<16xf32>,
        %get3A_107 = arith.index_cast %mul3A_104 : i32 to index
        %get3A_108 = tpu.vector_load %arg12[%get3A_107] {strides = array<i32>} : memref<4096xf32, #tpu.memory_space<vmem>>, vector<16xf32>,
        %get3A_109 = arith.index_cast %mul3A_104 : i32 to index
        %get3A_110 = tpu.vector_load %arg13[%get3A_109] {strides = array<i32>} : memref<4096xf32, #tpu.memory_space<vmem>>, vector<16xf32>,
        %scan3A_111 = arith.constant 0 : i32
        %scan3A_112 = arith.constant 0 : i32
        %scan3A_113 = arith.constant 16 : i32
        %scan3A_114 = arith.addi %scan3A_112, %scan3A_113 : i32
        %scan3A_115 = arith.constant 1 : i32
        scf.for %scan3A_120 = %scan3A_112 to %scan3A_114 step %scan3A_115  : i32 {
          %broadcast_in_dim3A_121 = vector.broadcast %scan3A_120 : i32 to vector<16xi32>
          %gather3A = tpu.vector_load_idx %arg17[%broadcast_in_dim3A_121] : memref<16xf32, #tpu.memory_space<vmem>>[vector<16xi32>], vector<16xf32>,
          %mul3A_122 = arith.mulf %get3A_106, %gather3A : vector<16xf32>
          %mul3A_123 = arith.mulf %get3A_108, %gather3A : vector<16xf32>
          %mul3A_124 = arith.mulf %get3A_110, %gather3A : vector<16xf32>
          %convert_element_type3A_125 = arith.fptosi %mul3A_122 : vector<16xf32> to vector<16xi32>
          %convert_element_type3A_126 = arith.fptosi %mul3A_123 : vector<16xf32> to vector<16xi32>
          %convert_element_type3A_127 = arith.fptosi %mul3A_124 : vector<16xf32> to vector<16xi32>
          %convert_element_type3A_128 = arith.sitofp %convert_element_type3A_125 : vector<16xi32> to vector<16xf32>
          %sub3A = arith.subf %mul3A_122, %convert_element_type3A_128 : vector<16xf32>
          %convert_element_type3A_129 = arith.sitofp %convert_element_type3A_126 : vector<16xi32> to vector<16xf32>
          %sub3A_130 = arith.subf %mul3A_123, %convert_element_type3A_129 : vector<16xf32>
          %convert_element_type3A_131 = arith.sitofp %convert_element_type3A_127 : vector<16xi32> to vector<16xf32>
          %sub3A_132 = arith.subf %mul3A_124, %convert_element_type3A_131 : vector<16xf32>
          %sub3A_133 = arith.constant 1.000000e+00 : f32
          %sub3A_134 = vector.broadcast %sub3A_133 : f32 to vector<16xf32>
          %sub3A_135 = arith.subf %sub3A_134, %sub3A : vector<16xf32>
          %sub3A_136 = arith.constant 1.000000e+00 : f32
          %sub3A_137 = vector.broadcast %sub3A_136 : f32 to vector<16xf32>
          %sub3A_138 = arith.subf %sub3A_137, %sub3A_130 : vector<16xf32>
          %sub3A_139 = arith.constant 1.000000e+00 : f32
          %sub3A_140 = vector.broadcast %sub3A_139 : f32 to vector<16xf32>
          %sub3A_141 = arith.subf %sub3A_140, %sub3A_132 : vector<16xf32>
          %add3A_142 = arith.constant 1 : i32
          %add3A_143 = vector.broadcast %add3A_142 : i32 to vector<16xi32>
          %add3A_144 = arith.addi %convert_element_type3A_125, %add3A_143 : vector<16xi32>
          %mul3A_145 = arith.constant -1640531535 : i32
          %mul3A_146 = vector.broadcast %mul3A_145 : i32 to vector<16xi32>
          %mul3A_147 = arith.muli %convert_element_type3A_126, %mul3A_146 : vector<16xi32>
          %mul3A_148 = arith.constant -1640531535 : i32
          %mul3A_149 = vector.broadcast %mul3A_148 : i32 to vector<16xi32>
          %mul3A_150 = arith.muli %convert_element_type3A_126, %mul3A_149 : vector<16xi32>
          %add3A_151 = arith.constant -1640531535 : i32
          %add3A_152 = vector.broadcast %add3A_151 : i32 to vector<16xi32>
          %add3A_153 = arith.addi %mul3A_150, %add3A_152 : vector<16xi32>
          %mul3A_154 = arith.constant 805459861 : i32
          %mul3A_155 = vector.broadcast %mul3A_154 : i32 to vector<16xi32>
          %mul3A_156 = arith.muli %convert_element_type3A_127, %mul3A_155 : vector<16xi32>
          %mul3A_157 = arith.constant 805459861 : i32
          %mul3A_158 = vector.broadcast %mul3A_157 : i32 to vector<16xi32>
          %mul3A_159 = arith.muli %convert_element_type3A_127, %mul3A_158 : vector<16xi32>
          %add3A_160 = arith.constant 805459861 : i32
          %add3A_161 = vector.broadcast %add3A_160 : i32 to vector<16xi32>
          %add3A_162 = arith.addi %mul3A_159, %add3A_161 : vector<16xi32>
          %mul3A_163 = arith.mulf %sub3A_138, %sub3A_141 : vector<16xf32>
          %mul3A_164 = arith.mulf %sub3A_138, %sub3A_132 : vector<16xf32>
          %mul3A_165 = arith.mulf %sub3A_130, %sub3A_141 : vector<16xf32>
          %mul3A_166 = arith.mulf %sub3A_130, %sub3A_132 : vector<16xf32>
          %mul3A_167 = arith.constant 65536 : i32
          %mul3A_168 = arith.muli %scan3A_120, %mul3A_167 : i32
          %mul3A_169 = arith.constant 128 : i32
          %mul3A_170 = arith.muli %scan3A_120, %mul3A_169 : i32
          %xor3A = arith.xori %convert_element_type3A_125, %mul3A_147 : vector<16xi32>
          %xor3A_171 = arith.xori %xor3A, %mul3A_156 : vector<16xi32>
          %and3A = arith.constant 65535 : i32
          %and3A_172 = vector.broadcast %and3A : i32 to vector<16xi32>
          %and3A_173 = arith.andi %xor3A_171, %and3A_172 : vector<16xi32>
          %add3A_174 = vector.broadcast %mul3A_168 : i32 to vector<16xi32>
          %add3A_175 = arith.addi %and3A_173, %add3A_174 : vector<16xi32>
          %add3A_176 = arith.constant 0 : i32
          %add3A_177 = arith.addi %mul3A_170, %add3A_176 : i32
          %swap3A = arith.index_cast %add3A_177 : i32 to index
          %swap3A_178 = tpu.vector_load %arg18[%swap3A] {strides = array<i32>} : memref<2048xi32, #tpu.memory_space<vmem>>, vector<16xi32>,
          tpu.vector_store %arg18[%swap3A], %add3A_175 {strides = array<i32>} : memref<2048xi32, #tpu.memory_space<vmem>>, vector<16xi32>,
          %mul3A_179 = arith.mulf %sub3A_135, %mul3A_163 : vector<16xf32>
          %add3A_180 = arith.constant 0 : i32
          %add3A_181 = arith.addi %mul3A_170, %add3A_180 : i32
          %swap3A_182 = arith.index_cast %add3A_181 : i32 to index
          %swap3A_183 = tpu.vector_load %arg20[%swap3A_182] {strides = array<i32>} : memref<2048xf32, #tpu.memory_space<vmem>>, vector<16xf32>,
          tpu.vector_store %arg20[%swap3A_182], %mul3A_179 {strides = array<i32>} : memref<2048xf32, #tpu.memory_space<vmem>>, vector<16xf32>,
          %xor3A_184 = arith.xori %convert_element_type3A_125, %mul3A_147 : vector<16xi32>
          %xor3A_185 = arith.xori %xor3A_184, %add3A_162 : vector<16xi32>
          %and3A_186 = arith.constant 65535 : i32
          %and3A_187 = vector.broadcast %and3A_186 : i32 to vector<16xi32>
          %and3A_188 = arith.andi %xor3A_185, %and3A_187 : vector<16xi32>
          %add3A_189 = vector.broadcast %mul3A_168 : i32 to vector<16xi32>
          %add3A_190 = arith.addi %and3A_188, %add3A_189 : vector<16xi32>
          %add3A_191 = arith.constant 16 : i32
          %add3A_192 = arith.addi %mul3A_170, %add3A_191 : i32
          %swap3A_193 = arith.index_cast %add3A_192 : i32 to index
          %swap3A_194 = tpu.vector_load %arg18[%swap3A_193] {strides = array<i32>} : memref<2048xi32, #tpu.memory_space<vmem>>, vector<16xi32>,
          tpu.vector_store %arg18[%swap3A_193], %add3A_190 {strides = array<i32>} : memref<2048xi32, #tpu.memory_space<vmem>>, vector<16xi32>,
          %mul3A_195 = arith.mulf %sub3A_135, %mul3A_164 : vector<16xf32>
          %add3A_196 = arith.constant 16 : i32
          %add3A_197 = arith.addi %mul3A_170, %add3A_196 : i32
          %swap3A_198 = arith.index_cast %add3A_197 : i32 to index
          %swap3A_199 = tpu.vector_load %arg20[%swap3A_198] {strides = array<i32>} : memref<2048xf32, #tpu.memory_space<vmem>>, vector<16xf32>,
          tpu.vector_store %arg20[%swap3A_198], %mul3A_195 {strides = array<i32>} : memref<2048xf32, #tpu.memory_space<vmem>>, vector<16xf32>,
          %xor3A_200 = arith.xori %convert_element_type3A_125, %add3A_153 : vector<16xi32>
          %xor3A_201 = arith.xori %xor3A_200, %mul3A_156 : vector<16xi32>
          %and3A_202 = arith.constant 65535 : i32
          %and3A_203 = vector.broadcast %and3A_202 : i32 to vector<16xi32>
          %and3A_204 = arith.andi %xor3A_201, %and3A_203 : vector<16xi32>
          %add3A_205 = vector.broadcast %mul3A_168 : i32 to vector<16xi32>
          %add3A_206 = arith.addi %and3A_204, %add3A_205 : vector<16xi32>
          %add3A_207 = arith.constant 32 : i32
          %add3A_208 = arith.addi %mul3A_170, %add3A_207 : i32
          %swap3A_209 = arith.index_cast %add3A_208 : i32 to index
          %swap3A_210 = tpu.vector_load %arg18[%swap3A_209] {strides = array<i32>} : memref<2048xi32, #tpu.memory_space<vmem>>, vector<16xi32>,
          tpu.vector_store %arg18[%swap3A_209], %add3A_206 {strides = array<i32>} : memref<2048xi32, #tpu.memory_space<vmem>>, vector<16xi32>,
          %mul3A_211 = arith.mulf %sub3A_135, %mul3A_165 : vector<16xf32>
          %add3A_212 = arith.constant 32 : i32
          %add3A_213 = arith.addi %mul3A_170, %add3A_212 : i32
          %swap3A_214 = arith.index_cast %add3A_213 : i32 to index
          %swap3A_215 = tpu.vector_load %arg20[%swap3A_214] {strides = array<i32>} : memref<2048xf32, #tpu.memory_space<vmem>>, vector<16xf32>,
          tpu.vector_store %arg20[%swap3A_214], %mul3A_211 {strides = array<i32>} : memref<2048xf32, #tpu.memory_space<vmem>>, vector<16xf32>,
          %xor3A_216 = arith.xori %convert_element_type3A_125, %add3A_153 : vector<16xi32>
          %xor3A_217 = arith.xori %xor3A_216, %add3A_162 : vector<16xi32>
          %and3A_218 = arith.constant 65535 : i32
          %and3A_219 = vector.broadcast %and3A_218 : i32 to vector<16xi32>
          %and3A_220 = arith.andi %xor3A_217, %and3A_219 : vector<16xi32>
          %add3A_221 = vector.broadcast %mul3A_168 : i32 to vector<16xi32>
          %add3A_222 = arith.addi %and3A_220, %add3A_221 : vector<16xi32>
          %add3A_223 = arith.constant 48 : i32
          %add3A_224 = arith.addi %mul3A_170, %add3A_223 : i32
          %swap3A_225 = arith.index_cast %add3A_224 : i32 to index
          %swap3A_226 = tpu.vector_load %arg18[%swap3A_225] {strides = array<i32>} : memref<2048xi32, #tpu.memory_space<vmem>>, vector<16xi32>,
          tpu.vector_store %arg18[%swap3A_225], %add3A_222 {strides = array<i32>} : memref<2048xi32, #tpu.memory_space<vmem>>, vector<16xi32>,
          %mul3A_227 = arith.mulf %sub3A_135, %mul3A_166 : vector<16xf32>
          %add3A_228 = arith.constant 48 : i32
          %add3A_229 = arith.addi %mul3A_170, %add3A_228 : i32
          %swap3A_230 = arith.index_cast %add3A_229 : i32 to index
          %swap3A_231 = tpu.vector_load %arg20[%swap3A_230] {strides = array<i32>} : memref<2048xf32, #tpu.memory_space<vmem>>, vector<16xf32>,
          tpu.vector_store %arg20[%swap3A_230], %mul3A_227 {strides = array<i32>} : memref<2048xf32, #tpu.memory_space<vmem>>, vector<16xf32>,
          %xor3A_232 = arith.xori %add3A_144, %mul3A_147 : vector<16xi32>
          %xor3A_233 = arith.xori %xor3A_232, %mul3A_156 : vector<16xi32>
          %and3A_234 = arith.constant 65535 : i32
          %and3A_235 = vector.broadcast %and3A_234 : i32 to vector<16xi32>
          %and3A_236 = arith.andi %xor3A_233, %and3A_235 : vector<16xi32>
          %add3A_237 = vector.broadcast %mul3A_168 : i32 to vector<16xi32>
          %add3A_238 = arith.addi %and3A_236, %add3A_237 : vector<16xi32>
          %add3A_239 = arith.constant 64 : i32
          %add3A_240 = arith.addi %mul3A_170, %add3A_239 : i32
          %swap3A_241 = arith.index_cast %add3A_240 : i32 to index
          %swap3A_242 = tpu.vector_load %arg18[%swap3A_241] {strides = array<i32>} : memref<2048xi32, #tpu.memory_space<vmem>>, vector<16xi32>,
          tpu.vector_store %arg18[%swap3A_241], %add3A_238 {strides = array<i32>} : memref<2048xi32, #tpu.memory_space<vmem>>, vector<16xi32>,
          %mul3A_243 = arith.mulf %sub3A, %mul3A_163 : vector<16xf32>
          %add3A_244 = arith.constant 64 : i32
          %add3A_245 = arith.addi %mul3A_170, %add3A_244 : i32
          %swap3A_246 = arith.index_cast %add3A_245 : i32 to index
          %swap3A_247 = tpu.vector_load %arg20[%swap3A_246] {strides = array<i32>} : memref<2048xf32, #tpu.memory_space<vmem>>, vector<16xf32>,
          tpu.vector_store %arg20[%swap3A_246], %mul3A_243 {strides = array<i32>} : memref<2048xf32, #tpu.memory_space<vmem>>, vector<16xf32>,
          %xor3A_248 = arith.xori %add3A_144, %mul3A_147 : vector<16xi32>
          %xor3A_249 = arith.xori %xor3A_248, %add3A_162 : vector<16xi32>
          %and3A_250 = arith.constant 65535 : i32
          %and3A_251 = vector.broadcast %and3A_250 : i32 to vector<16xi32>
          %and3A_252 = arith.andi %xor3A_249, %and3A_251 : vector<16xi32>
          %add3A_253 = vector.broadcast %mul3A_168 : i32 to vector<16xi32>
          %add3A_254 = arith.addi %and3A_252, %add3A_253 : vector<16xi32>
          %add3A_255 = arith.constant 80 : i32
          %add3A_256 = arith.addi %mul3A_170, %add3A_255 : i32
          %swap3A_257 = arith.index_cast %add3A_256 : i32 to index
          %swap3A_258 = tpu.vector_load %arg18[%swap3A_257] {strides = array<i32>} : memref<2048xi32, #tpu.memory_space<vmem>>, vector<16xi32>,
          tpu.vector_store %arg18[%swap3A_257], %add3A_254 {strides = array<i32>} : memref<2048xi32, #tpu.memory_space<vmem>>, vector<16xi32>,
          %mul3A_259 = arith.mulf %sub3A, %mul3A_164 : vector<16xf32>
          %add3A_260 = arith.constant 80 : i32
          %add3A_261 = arith.addi %mul3A_170, %add3A_260 : i32
          %swap3A_262 = arith.index_cast %add3A_261 : i32 to index
          %swap3A_263 = tpu.vector_load %arg20[%swap3A_262] {strides = array<i32>} : memref<2048xf32, #tpu.memory_space<vmem>>, vector<16xf32>,
          tpu.vector_store %arg20[%swap3A_262], %mul3A_259 {strides = array<i32>} : memref<2048xf32, #tpu.memory_space<vmem>>, vector<16xf32>,
          %xor3A_264 = arith.xori %add3A_144, %add3A_153 : vector<16xi32>
          %xor3A_265 = arith.xori %xor3A_264, %mul3A_156 : vector<16xi32>
          %and3A_266 = arith.constant 65535 : i32
          %and3A_267 = vector.broadcast %and3A_266 : i32 to vector<16xi32>
          %and3A_268 = arith.andi %xor3A_265, %and3A_267 : vector<16xi32>
          %add3A_269 = vector.broadcast %mul3A_168 : i32 to vector<16xi32>
          %add3A_270 = arith.addi %and3A_268, %add3A_269 : vector<16xi32>
          %add3A_271 = arith.constant 96 : i32
          %add3A_272 = arith.addi %mul3A_170, %add3A_271 : i32
          %swap3A_273 = arith.index_cast %add3A_272 : i32 to index
          %swap3A_274 = tpu.vector_load %arg18[%swap3A_273] {strides = array<i32>} : memref<2048xi32, #tpu.memory_space<vmem>>, vector<16xi32>,
          tpu.vector_store %arg18[%swap3A_273], %add3A_270 {strides = array<i32>} : memref<2048xi32, #tpu.memory_space<vmem>>, vector<16xi32>,
          %mul3A_275 = arith.mulf %sub3A, %mul3A_165 : vector<16xf32>
          %add3A_276 = arith.constant 96 : i32
          %add3A_277 = arith.addi %mul3A_170, %add3A_276 : i32
          %swap3A_278 = arith.index_cast %add3A_277 : i32 to index
          %swap3A_279 = tpu.vector_load %arg20[%swap3A_278] {strides = array<i32>} : memref<2048xf32, #tpu.memory_space<vmem>>, vector<16xf32>,
          tpu.vector_store %arg20[%swap3A_278], %mul3A_275 {strides = array<i32>} : memref<2048xf32, #tpu.memory_space<vmem>>, vector<16xf32>,
          %xor3A_280 = arith.xori %add3A_144, %add3A_153 : vector<16xi32>
          %xor3A_281 = arith.xori %xor3A_280, %add3A_162 : vector<16xi32>
          %and3A_282 = arith.constant 65535 : i32
          %and3A_283 = vector.broadcast %and3A_282 : i32 to vector<16xi32>
          %and3A_284 = arith.andi %xor3A_281, %and3A_283 : vector<16xi32>
          %add3A_285 = vector.broadcast %mul3A_168 : i32 to vector<16xi32>
          %add3A_286 = arith.addi %and3A_284, %add3A_285 : vector<16xi32>
          %add3A_287 = arith.constant 112 : i32
          %add3A_288 = arith.addi %mul3A_170, %add3A_287 : i32
          %swap3A_289 = arith.index_cast %add3A_288 : i32 to index
          %swap3A_290 = tpu.vector_load %arg18[%swap3A_289] {strides = array<i32>} : memref<2048xi32, #tpu.memory_space<vmem>>, vector<16xi32>,
          tpu.vector_store %arg18[%swap3A_289], %add3A_286 {strides = array<i32>} : memref<2048xi32, #tpu.memory_space<vmem>>, vector<16xi32>,
          %mul3A_291 = arith.mulf %sub3A, %mul3A_166 : vector<16xf32>
          %add3A_292 = arith.constant 112 : i32
          %add3A_293 = arith.addi %mul3A_170, %add3A_292 : i32
          %swap3A_294 = arith.index_cast %add3A_293 : i32 to index
          %swap3A_295 = tpu.vector_load %arg20[%swap3A_294] {strides = array<i32>} : memref<2048xf32, #tpu.memory_space<vmem>>, vector<16xf32>,
          tpu.vector_store %arg20[%swap3A_294], %mul3A_291 {strides = array<i32>} : memref<2048xf32, #tpu.memory_space<vmem>>, vector<16xf32>,
        }
        %scan3A_116 = arith.constant 16 : i32
        %dma_start3A_117 = arith.constant 0 : i32
        %dma_start3A_118 = arith.constant 0 : i32
        %dma_start3A_119 = tpu.memref_slice %arg9[%dma_start3A_117, %dma_start3A_118] : memref<1048576x8xf32, #tpu.memory_space<hbm>> -> memref<1048576x8xf32, #tpu.memory_space<hbm>>
        tpu.enqueue_indirect_dma source(%dma_start3A_119 : memref<1048576x8xf32, #tpu.memory_space<hbm>>) target(%arg22 : memref<2048x8xf32, #tpu.memory_space<vmem>>) offsets(%arg18 : memref<2048xi32, #tpu.memory_space<vmem>>) semaphore(%arg25 : memref<!tpu.dma_semaphore, #tpu.memory_space<semaphore_mem>>)
      } else {
      }
      %dma_wait3A_79 = arith.constant 0 : i32
      %dma_wait3A_80 = arith.constant 0 : i32
      %dma_wait3A_81 = tpu.memref_slice %arg9[%dma_wait3A_79, %dma_wait3A_80] : memref<1048576x8xf32, #tpu.memory_space<hbm>> -> memref<1048576x8xf32, #tpu.memory_space<hbm>>
      tpu.wait_indirect_dma semaphore(%arg25 : memref<!tpu.dma_semaphore, #tpu.memory_space<semaphore_mem>>) src(%dma_wait3A_81 : memref<1048576x8xf32, #tpu.memory_space<hbm>>) dst(%arg23 : memref<2048x8xf32, #tpu.memory_space<vmem>>)
      %add3A_82 = arith.constant 1 : i32
      %add3A_83 = arith.addi %mul3A_38, %add3A_82 : i32
      %mul3A_84 = arith.constant 16 : i32
      %mul3A_85 = arith.muli %add3A_83, %mul3A_84 : i32
      %get3A_86 = arith.index_cast %mul3A_85 : i32 to index
      %get3A_87 = tpu.vector_load %arg14[%get3A_86] {strides = array<i32>} : memref<4096xf32, #tpu.memory_space<vmem>>, vector<16xf32>,
      %get3A_88 = arith.index_cast %mul3A_85 : i32 to index
      %get3A_89 = tpu.vector_load %arg15[%get3A_88] {strides = array<i32>} : memref<4096xf32, #tpu.memory_space<vmem>>, vector<16xf32>,
      %get3A_90 = arith.index_cast %mul3A_85 : i32 to index
      %get3A_91 = tpu.vector_load %arg16[%get3A_90] {strides = array<i32>} : memref<4096xf32, #tpu.memory_space<vmem>>, vector<16xf32>,
      %scan3A_92 = arith.constant 0 : i32
      %scan3A_93 = arith.constant 0 : i32
      %scan3A_94 = arith.constant 16 : i32
      %scan3A_95 = arith.addi %scan3A_93, %scan3A_94 : i32
      %scan3A_96 = arith.constant 1 : i32
      scf.for %scan3A_101 = %scan3A_93 to %scan3A_95 step %scan3A_96  : i32 {
        %mul3A_102 = arith.constant 128 : i32
        %mul3A_103 = arith.muli %scan3A_101, %mul3A_102 : i32
        %mul3A_104 = arith.constant 8 : i32
        %mul3A_105 = arith.muli %scan3A_101, %mul3A_104 : i32
        %broadcast_in_dim3A_106 = arith.constant 0.000000e+00 : f32
        %broadcast_in_dim3A_107 = vector.broadcast %broadcast_in_dim3A_106 : f32 to vector<16xf32>
        %broadcast_in_dim3A_108 = arith.constant 0.000000e+00 : f32
        %broadcast_in_dim3A_109 = vector.broadcast %broadcast_in_dim3A_108 : f32 to vector<16xf32>
        %broadcast_in_dim3A_110 = arith.constant 0.000000e+00 : f32
        %broadcast_in_dim3A_111 = vector.broadcast %broadcast_in_dim3A_110 : f32 to vector<16xf32>
        %broadcast_in_dim3A_112 = arith.constant 0.000000e+00 : f32
        %broadcast_in_dim3A_113 = vector.broadcast %broadcast_in_dim3A_112 : f32 to vector<16xf32>
        %broadcast_in_dim3A_114 = arith.constant 0.000000e+00 : f32
        %broadcast_in_dim3A_115 = vector.broadcast %broadcast_in_dim3A_114 : f32 to vector<16xf32>
        %broadcast_in_dim3A_116 = arith.constant 0.000000e+00 : f32
        %broadcast_in_dim3A_117 = vector.broadcast %broadcast_in_dim3A_116 : f32 to vector<16xf32>
        %broadcast_in_dim3A_118 = arith.constant 0.000000e+00 : f32
        %broadcast_in_dim3A_119 = vector.broadcast %broadcast_in_dim3A_118 : f32 to vector<16xf32>
        %broadcast_in_dim3A_120 = arith.constant 0.000000e+00 : f32
        %broadcast_in_dim3A_121 = vector.broadcast %broadcast_in_dim3A_120 : f32 to vector<16xf32>
        %add3A_122 = arith.constant 0 : i32
        %add3A_123 = arith.addi %mul3A_103, %add3A_122 : i32
        %add3A_124 = vector.broadcast %add3A_123 : i32 to vector<16xi32>
        %add3A_125 = arith.addi %iota3A, %add3A_124 : vector<16xi32>
        %add3A_126 = arith.constant 0 : i32
        %add3A_127 = arith.addi %mul3A_103, %add3A_126 : i32
        %get3A_128 = arith.index_cast %add3A_127 : i32 to index
        %get3A_129 = tpu.vector_load %arg21[%get3A_128] {strides = array<i32>} : memref<2048xf32, #tpu.memory_space<vmem>>, vector<16xf32>,
        %gather3A = tpu.vector_load_idx %arg23[%add3A_125, %broadcast_in_dim3A_3] : memref<2048x8xf32, #tpu.memory_space<vmem>>[vector<16xi32>, vector<16xi32>], vector<16xf32>,
        %mul3A_130 = arith.mulf %get3A_129, %gather3A : vector<16xf32>
        %add3A_131 = arith.addf %broadcast_in_dim3A_107, %mul3A_130 : vector<16xf32>
        %gather3A_132 = tpu.vector_load_idx %arg23[%add3A_125, %broadcast_in_dim3A_5] : memref<2048x8xf32, #tpu.memory_space<vmem>>[vector<16xi32>, vector<16xi32>], vector<16xf32>,
        %mul3A_133 = arith.mulf %get3A_129, %gather3A_132 : vector<16xf32>
        %add3A_134 = arith.addf %broadcast_in_dim3A_109, %mul3A_133 : vector<16xf32>
        %gather3A_135 = tpu.vector_load_idx %arg23[%add3A_125, %broadcast_in_dim3A_7] : memref<2048x8xf32, #tpu.memory_space<vmem>>[vector<16xi32>, vector<16xi32>], vector<16xf32>,
        %mul3A_136 = arith.mulf %get3A_129, %gather3A_135 : vector<16xf32>
        %add3A_137 = arith.addf %broadcast_in_dim3A_111, %mul3A_136 : vector<16xf32>
        %gather3A_138 = tpu.vector_load_idx %arg23[%add3A_125, %broadcast_in_dim3A_9] : memref<2048x8xf32, #tpu.memory_space<vmem>>[vector<16xi32>, vector<16xi32>], vector<16xf32>,
        %mul3A_139 = arith.mulf %get3A_129, %gather3A_138 : vector<16xf32>
        %add3A_140 = arith.addf %broadcast_in_dim3A_113, %mul3A_139 : vector<16xf32>
        %gather3A_141 = tpu.vector_load_idx %arg23[%add3A_125, %broadcast_in_dim3A_11] : memref<2048x8xf32, #tpu.memory_space<vmem>>[vector<16xi32>, vector<16xi32>], vector<16xf32>,
        %mul3A_142 = arith.mulf %get3A_129, %gather3A_141 : vector<16xf32>
        %add3A_143 = arith.addf %broadcast_in_dim3A_115, %mul3A_142 : vector<16xf32>
        %gather3A_144 = tpu.vector_load_idx %arg23[%add3A_125, %broadcast_in_dim3A_13] : memref<2048x8xf32, #tpu.memory_space<vmem>>[vector<16xi32>, vector<16xi32>], vector<16xf32>,
        %mul3A_145 = arith.mulf %get3A_129, %gather3A_144 : vector<16xf32>
        %add3A_146 = arith.addf %broadcast_in_dim3A_117, %mul3A_145 : vector<16xf32>
        %gather3A_147 = tpu.vector_load_idx %arg23[%add3A_125, %broadcast_in_dim3A_15] : memref<2048x8xf32, #tpu.memory_space<vmem>>[vector<16xi32>, vector<16xi32>], vector<16xf32>,
        %mul3A_148 = arith.mulf %get3A_129, %gather3A_147 : vector<16xf32>
        %add3A_149 = arith.addf %broadcast_in_dim3A_119, %mul3A_148 : vector<16xf32>
        %gather3A_150 = tpu.vector_load_idx %arg23[%add3A_125, %broadcast_in_dim3A_17] : memref<2048x8xf32, #tpu.memory_space<vmem>>[vector<16xi32>, vector<16xi32>], vector<16xf32>,
        %mul3A_151 = arith.mulf %get3A_129, %gather3A_150 : vector<16xf32>
        %add3A_152 = arith.addf %broadcast_in_dim3A_121, %mul3A_151 : vector<16xf32>
        %add3A_153 = arith.constant 16 : i32
        %add3A_154 = arith.addi %mul3A_103, %add3A_153 : i32
        %add3A_155 = vector.broadcast %add3A_154 : i32 to vector<16xi32>
        %add3A_156 = arith.addi %iota3A, %add3A_155 : vector<16xi32>
        %add3A_157 = arith.constant 16 : i32
        %add3A_158 = arith.addi %mul3A_103, %add3A_157 : i32
        %get3A_159 = arith.index_cast %add3A_158 : i32 to index
        %get3A_160 = tpu.vector_load %arg21[%get3A_159] {strides = array<i32>} : memref<2048xf32, #tpu.memory_space<vmem>>, vector<16xf32>,
        %gather3A_161 = tpu.vector_load_idx %arg23[%add3A_156, %broadcast_in_dim3A_3] : memref<2048x8xf32, #tpu.memory_space<vmem>>[vector<16xi32>, vector<16xi32>], vector<16xf32>,
        %mul3A_162 = arith.mulf %get3A_160, %gather3A_161 : vector<16xf32>
        %add3A_163 = arith.addf %add3A_131, %mul3A_162 : vector<16xf32>
        %gather3A_164 = tpu.vector_load_idx %arg23[%add3A_156, %broadcast_in_dim3A_5] : memref<2048x8xf32, #tpu.memory_space<vmem>>[vector<16xi32>, vector<16xi32>], vector<16xf32>,
        %mul3A_165 = arith.mulf %get3A_160, %gather3A_164 : vector<16xf32>
        %add3A_166 = arith.addf %add3A_134, %mul3A_165 : vector<16xf32>
        %gather3A_167 = tpu.vector_load_idx %arg23[%add3A_156, %broadcast_in_dim3A_7] : memref<2048x8xf32, #tpu.memory_space<vmem>>[vector<16xi32>, vector<16xi32>], vector<16xf32>,
        %mul3A_168 = arith.mulf %get3A_160, %gather3A_167 : vector<16xf32>
        %add3A_169 = arith.addf %add3A_137, %mul3A_168 : vector<16xf32>
        %gather3A_170 = tpu.vector_load_idx %arg23[%add3A_156, %broadcast_in_dim3A_9] : memref<2048x8xf32, #tpu.memory_space<vmem>>[vector<16xi32>, vector<16xi32>], vector<16xf32>,
        %mul3A_171 = arith.mulf %get3A_160, %gather3A_170 : vector<16xf32>
        %add3A_172 = arith.addf %add3A_140, %mul3A_171 : vector<16xf32>
        %gather3A_173 = tpu.vector_load_idx %arg23[%add3A_156, %broadcast_in_dim3A_11] : memref<2048x8xf32, #tpu.memory_space<vmem>>[vector<16xi32>, vector<16xi32>], vector<16xf32>,
        %mul3A_174 = arith.mulf %get3A_160, %gather3A_173 : vector<16xf32>
        %add3A_175 = arith.addf %add3A_143, %mul3A_174 : vector<16xf32>
        %gather3A_176 = tpu.vector_load_idx %arg23[%add3A_156, %broadcast_in_dim3A_13] : memref<2048x8xf32, #tpu.memory_space<vmem>>[vector<16xi32>, vector<16xi32>], vector<16xf32>,
        %mul3A_177 = arith.mulf %get3A_160, %gather3A_176 : vector<16xf32>
        %add3A_178 = arith.addf %add3A_146, %mul3A_177 : vector<16xf32>
        %gather3A_179 = tpu.vector_load_idx %arg23[%add3A_156, %broadcast_in_dim3A_15] : memref<2048x8xf32, #tpu.memory_space<vmem>>[vector<16xi32>, vector<16xi32>], vector<16xf32>,
        %mul3A_180 = arith.mulf %get3A_160, %gather3A_179 : vector<16xf32>
        %add3A_181 = arith.addf %add3A_149, %mul3A_180 : vector<16xf32>
        %gather3A_182 = tpu.vector_load_idx %arg23[%add3A_156, %broadcast_in_dim3A_17] : memref<2048x8xf32, #tpu.memory_space<vmem>>[vector<16xi32>, vector<16xi32>], vector<16xf32>,
        %mul3A_183 = arith.mulf %get3A_160, %gather3A_182 : vector<16xf32>
        %add3A_184 = arith.addf %add3A_152, %mul3A_183 : vector<16xf32>
        %add3A_185 = arith.constant 32 : i32
        %add3A_186 = arith.addi %mul3A_103, %add3A_185 : i32
        %add3A_187 = vector.broadcast %add3A_186 : i32 to vector<16xi32>
        %add3A_188 = arith.addi %iota3A, %add3A_187 : vector<16xi32>
        %add3A_189 = arith.constant 32 : i32
        %add3A_190 = arith.addi %mul3A_103, %add3A_189 : i32
        %get3A_191 = arith.index_cast %add3A_190 : i32 to index
        %get3A_192 = tpu.vector_load %arg21[%get3A_191] {strides = array<i32>} : memref<2048xf32, #tpu.memory_space<vmem>>, vector<16xf32>,
        %gather3A_193 = tpu.vector_load_idx %arg23[%add3A_188, %broadcast_in_dim3A_3] : memref<2048x8xf32, #tpu.memory_space<vmem>>[vector<16xi32>, vector<16xi32>], vector<16xf32>,
        %mul3A_194 = arith.mulf %get3A_192, %gather3A_193 : vector<16xf32>
        %add3A_195 = arith.addf %add3A_163, %mul3A_194 : vector<16xf32>
        %gather3A_196 = tpu.vector_load_idx %arg23[%add3A_188, %broadcast_in_dim3A_5] : memref<2048x8xf32, #tpu.memory_space<vmem>>[vector<16xi32>, vector<16xi32>], vector<16xf32>,
        %mul3A_197 = arith.mulf %get3A_192, %gather3A_196 : vector<16xf32>
        %add3A_198 = arith.addf %add3A_166, %mul3A_197 : vector<16xf32>
        %gather3A_199 = tpu.vector_load_idx %arg23[%add3A_188, %broadcast_in_dim3A_7] : memref<2048x8xf32, #tpu.memory_space<vmem>>[vector<16xi32>, vector<16xi32>], vector<16xf32>,
        %mul3A_200 = arith.mulf %get3A_192, %gather3A_199 : vector<16xf32>
        %add3A_201 = arith.addf %add3A_169, %mul3A_200 : vector<16xf32>
        %gather3A_202 = tpu.vector_load_idx %arg23[%add3A_188, %broadcast_in_dim3A_9] : memref<2048x8xf32, #tpu.memory_space<vmem>>[vector<16xi32>, vector<16xi32>], vector<16xf32>,
        %mul3A_203 = arith.mulf %get3A_192, %gather3A_202 : vector<16xf32>
        %add3A_204 = arith.addf %add3A_172, %mul3A_203 : vector<16xf32>
        %gather3A_205 = tpu.vector_load_idx %arg23[%add3A_188, %broadcast_in_dim3A_11] : memref<2048x8xf32, #tpu.memory_space<vmem>>[vector<16xi32>, vector<16xi32>], vector<16xf32>,
        %mul3A_206 = arith.mulf %get3A_192, %gather3A_205 : vector<16xf32>
        %add3A_207 = arith.addf %add3A_175, %mul3A_206 : vector<16xf32>
        %gather3A_208 = tpu.vector_load_idx %arg23[%add3A_188, %broadcast_in_dim3A_13] : memref<2048x8xf32, #tpu.memory_space<vmem>>[vector<16xi32>, vector<16xi32>], vector<16xf32>,
        %mul3A_209 = arith.mulf %get3A_192, %gather3A_208 : vector<16xf32>
        %add3A_210 = arith.addf %add3A_178, %mul3A_209 : vector<16xf32>
        %gather3A_211 = tpu.vector_load_idx %arg23[%add3A_188, %broadcast_in_dim3A_15] : memref<2048x8xf32, #tpu.memory_space<vmem>>[vector<16xi32>, vector<16xi32>], vector<16xf32>,
        %mul3A_212 = arith.mulf %get3A_192, %gather3A_211 : vector<16xf32>
        %add3A_213 = arith.addf %add3A_181, %mul3A_212 : vector<16xf32>
        %gather3A_214 = tpu.vector_load_idx %arg23[%add3A_188, %broadcast_in_dim3A_17] : memref<2048x8xf32, #tpu.memory_space<vmem>>[vector<16xi32>, vector<16xi32>], vector<16xf32>,
        %mul3A_215 = arith.mulf %get3A_192, %gather3A_214 : vector<16xf32>
        %add3A_216 = arith.addf %add3A_184, %mul3A_215 : vector<16xf32>
        %add3A_217 = arith.constant 48 : i32
        %add3A_218 = arith.addi %mul3A_103, %add3A_217 : i32
        %add3A_219 = vector.broadcast %add3A_218 : i32 to vector<16xi32>
        %add3A_220 = arith.addi %iota3A, %add3A_219 : vector<16xi32>
        %add3A_221 = arith.constant 48 : i32
        %add3A_222 = arith.addi %mul3A_103, %add3A_221 : i32
        %get3A_223 = arith.index_cast %add3A_222 : i32 to index
        %get3A_224 = tpu.vector_load %arg21[%get3A_223] {strides = array<i32>} : memref<2048xf32, #tpu.memory_space<vmem>>, vector<16xf32>,
        %gather3A_225 = tpu.vector_load_idx %arg23[%add3A_220, %broadcast_in_dim3A_3] : memref<2048x8xf32, #tpu.memory_space<vmem>>[vector<16xi32>, vector<16xi32>], vector<16xf32>,
        %mul3A_226 = arith.mulf %get3A_224, %gather3A_225 : vector<16xf32>
        %add3A_227 = arith.addf %add3A_195, %mul3A_226 : vector<16xf32>
        %gather3A_228 = tpu.vector_load_idx %arg23[%add3A_220, %broadcast_in_dim3A_5] : memref<2048x8xf32, #tpu.memory_space<vmem>>[vector<16xi32>, vector<16xi32>], vector<16xf32>,
        %mul3A_229 = arith.mulf %get3A_224, %gather3A_228 : vector<16xf32>
        %add3A_230 = arith.addf %add3A_198, %mul3A_229 : vector<16xf32>
        %gather3A_231 = tpu.vector_load_idx %arg23[%add3A_220, %broadcast_in_dim3A_7] : memref<2048x8xf32, #tpu.memory_space<vmem>>[vector<16xi32>, vector<16xi32>], vector<16xf32>,
        %mul3A_232 = arith.mulf %get3A_224, %gather3A_231 : vector<16xf32>
        %add3A_233 = arith.addf %add3A_201, %mul3A_232 : vector<16xf32>
        %gather3A_234 = tpu.vector_load_idx %arg23[%add3A_220, %broadcast_in_dim3A_9] : memref<2048x8xf32, #tpu.memory_space<vmem>>[vector<16xi32>, vector<16xi32>], vector<16xf32>,
        %mul3A_235 = arith.mulf %get3A_224, %gather3A_234 : vector<16xf32>
        %add3A_236 = arith.addf %add3A_204, %mul3A_235 : vector<16xf32>
        %gather3A_237 = tpu.vector_load_idx %arg23[%add3A_220, %broadcast_in_dim3A_11] : memref<2048x8xf32, #tpu.memory_space<vmem>>[vector<16xi32>, vector<16xi32>], vector<16xf32>,
        %mul3A_238 = arith.mulf %get3A_224, %gather3A_237 : vector<16xf32>
        %add3A_239 = arith.addf %add3A_207, %mul3A_238 : vector<16xf32>
        %gather3A_240 = tpu.vector_load_idx %arg23[%add3A_220, %broadcast_in_dim3A_13] : memref<2048x8xf32, #tpu.memory_space<vmem>>[vector<16xi32>, vector<16xi32>], vector<16xf32>,
        %mul3A_241 = arith.mulf %get3A_224, %gather3A_240 : vector<16xf32>
        %add3A_242 = arith.addf %add3A_210, %mul3A_241 : vector<16xf32>
        %gather3A_243 = tpu.vector_load_idx %arg23[%add3A_220, %broadcast_in_dim3A_15] : memref<2048x8xf32, #tpu.memory_space<vmem>>[vector<16xi32>, vector<16xi32>], vector<16xf32>,
        %mul3A_244 = arith.mulf %get3A_224, %gather3A_243 : vector<16xf32>
        %add3A_245 = arith.addf %add3A_213, %mul3A_244 : vector<16xf32>
        %gather3A_246 = tpu.vector_load_idx %arg23[%add3A_220, %broadcast_in_dim3A_17] : memref<2048x8xf32, #tpu.memory_space<vmem>>[vector<16xi32>, vector<16xi32>], vector<16xf32>,
        %mul3A_247 = arith.mulf %get3A_224, %gather3A_246 : vector<16xf32>
        %add3A_248 = arith.addf %add3A_216, %mul3A_247 : vector<16xf32>
        %add3A_249 = arith.constant 64 : i32
        %add3A_250 = arith.addi %mul3A_103, %add3A_249 : i32
        %add3A_251 = vector.broadcast %add3A_250 : i32 to vector<16xi32>
        %add3A_252 = arith.addi %iota3A, %add3A_251 : vector<16xi32>
        %add3A_253 = arith.constant 64 : i32
        %add3A_254 = arith.addi %mul3A_103, %add3A_253 : i32
        %get3A_255 = arith.index_cast %add3A_254 : i32 to index
        %get3A_256 = tpu.vector_load %arg21[%get3A_255] {strides = array<i32>} : memref<2048xf32, #tpu.memory_space<vmem>>, vector<16xf32>,
        %gather3A_257 = tpu.vector_load_idx %arg23[%add3A_252, %broadcast_in_dim3A_3] : memref<2048x8xf32, #tpu.memory_space<vmem>>[vector<16xi32>, vector<16xi32>], vector<16xf32>,
        %mul3A_258 = arith.mulf %get3A_256, %gather3A_257 : vector<16xf32>
        %add3A_259 = arith.addf %add3A_227, %mul3A_258 : vector<16xf32>
        %gather3A_260 = tpu.vector_load_idx %arg23[%add3A_252, %broadcast_in_dim3A_5] : memref<2048x8xf32, #tpu.memory_space<vmem>>[vector<16xi32>, vector<16xi32>], vector<16xf32>,
        %mul3A_261 = arith.mulf %get3A_256, %gather3A_260 : vector<16xf32>
        %add3A_262 = arith.addf %add3A_230, %mul3A_261 : vector<16xf32>
        %gather3A_263 = tpu.vector_load_idx %arg23[%add3A_252, %broadcast_in_dim3A_7] : memref<2048x8xf32, #tpu.memory_space<vmem>>[vector<16xi32>, vector<16xi32>], vector<16xf32>,
        %mul3A_264 = arith.mulf %get3A_256, %gather3A_263 : vector<16xf32>
        %add3A_265 = arith.addf %add3A_233, %mul3A_264 : vector<16xf32>
        %gather3A_266 = tpu.vector_load_idx %arg23[%add3A_252, %broadcast_in_dim3A_9] : memref<2048x8xf32, #tpu.memory_space<vmem>>[vector<16xi32>, vector<16xi32>], vector<16xf32>,
        %mul3A_267 = arith.mulf %get3A_256, %gather3A_266 : vector<16xf32>
        %add3A_268 = arith.addf %add3A_236, %mul3A_267 : vector<16xf32>
        %gather3A_269 = tpu.vector_load_idx %arg23[%add3A_252, %broadcast_in_dim3A_11] : memref<2048x8xf32, #tpu.memory_space<vmem>>[vector<16xi32>, vector<16xi32>], vector<16xf32>,
        %mul3A_270 = arith.mulf %get3A_256, %gather3A_269 : vector<16xf32>
        %add3A_271 = arith.addf %add3A_239, %mul3A_270 : vector<16xf32>
        %gather3A_272 = tpu.vector_load_idx %arg23[%add3A_252, %broadcast_in_dim3A_13] : memref<2048x8xf32, #tpu.memory_space<vmem>>[vector<16xi32>, vector<16xi32>], vector<16xf32>,
        %mul3A_273 = arith.mulf %get3A_256, %gather3A_272 : vector<16xf32>
        %add3A_274 = arith.addf %add3A_242, %mul3A_273 : vector<16xf32>
        %gather3A_275 = tpu.vector_load_idx %arg23[%add3A_252, %broadcast_in_dim3A_15] : memref<2048x8xf32, #tpu.memory_space<vmem>>[vector<16xi32>, vector<16xi32>], vector<16xf32>,
        %mul3A_276 = arith.mulf %get3A_256, %gather3A_275 : vector<16xf32>
        %add3A_277 = arith.addf %add3A_245, %mul3A_276 : vector<16xf32>
        %gather3A_278 = tpu.vector_load_idx %arg23[%add3A_252, %broadcast_in_dim3A_17] : memref<2048x8xf32, #tpu.memory_space<vmem>>[vector<16xi32>, vector<16xi32>], vector<16xf32>,
        %mul3A_279 = arith.mulf %get3A_256, %gather3A_278 : vector<16xf32>
        %add3A_280 = arith.addf %add3A_248, %mul3A_279 : vector<16xf32>
        %add3A_281 = arith.constant 80 : i32
        %add3A_282 = arith.addi %mul3A_103, %add3A_281 : i32
        %add3A_283 = vector.broadcast %add3A_282 : i32 to vector<16xi32>
        %add3A_284 = arith.addi %iota3A, %add3A_283 : vector<16xi32>
        %add3A_285 = arith.constant 80 : i32
        %add3A_286 = arith.addi %mul3A_103, %add3A_285 : i32
        %get3A_287 = arith.index_cast %add3A_286 : i32 to index
        %get3A_288 = tpu.vector_load %arg21[%get3A_287] {strides = array<i32>} : memref<2048xf32, #tpu.memory_space<vmem>>, vector<16xf32>,
        %gather3A_289 = tpu.vector_load_idx %arg23[%add3A_284, %broadcast_in_dim3A_3] : memref<2048x8xf32, #tpu.memory_space<vmem>>[vector<16xi32>, vector<16xi32>], vector<16xf32>,
        %mul3A_290 = arith.mulf %get3A_288, %gather3A_289 : vector<16xf32>
        %add3A_291 = arith.addf %add3A_259, %mul3A_290 : vector<16xf32>
        %gather3A_292 = tpu.vector_load_idx %arg23[%add3A_284, %broadcast_in_dim3A_5] : memref<2048x8xf32, #tpu.memory_space<vmem>>[vector<16xi32>, vector<16xi32>], vector<16xf32>,
        %mul3A_293 = arith.mulf %get3A_288, %gather3A_292 : vector<16xf32>
        %add3A_294 = arith.addf %add3A_262, %mul3A_293 : vector<16xf32>
        %gather3A_295 = tpu.vector_load_idx %arg23[%add3A_284, %broadcast_in_dim3A_7] : memref<2048x8xf32, #tpu.memory_space<vmem>>[vector<16xi32>, vector<16xi32>], vector<16xf32>,
        %mul3A_296 = arith.mulf %get3A_288, %gather3A_295 : vector<16xf32>
        %add3A_297 = arith.addf %add3A_265, %mul3A_296 : vector<16xf32>
        %gather3A_298 = tpu.vector_load_idx %arg23[%add3A_284, %broadcast_in_dim3A_9] : memref<2048x8xf32, #tpu.memory_space<vmem>>[vector<16xi32>, vector<16xi32>], vector<16xf32>,
        %mul3A_299 = arith.mulf %get3A_288, %gather3A_298 : vector<16xf32>
        %add3A_300 = arith.addf %add3A_268, %mul3A_299 : vector<16xf32>
        %gather3A_301 = tpu.vector_load_idx %arg23[%add3A_284, %broadcast_in_dim3A_11] : memref<2048x8xf32, #tpu.memory_space<vmem>>[vector<16xi32>, vector<16xi32>], vector<16xf32>,
        %mul3A_302 = arith.mulf %get3A_288, %gather3A_301 : vector<16xf32>
        %add3A_303 = arith.addf %add3A_271, %mul3A_302 : vector<16xf32>
        %gather3A_304 = tpu.vector_load_idx %arg23[%add3A_284, %broadcast_in_dim3A_13] : memref<2048x8xf32, #tpu.memory_space<vmem>>[vector<16xi32>, vector<16xi32>], vector<16xf32>,
        %mul3A_305 = arith.mulf %get3A_288, %gather3A_304 : vector<16xf32>
        %add3A_306 = arith.addf %add3A_274, %mul3A_305 : vector<16xf32>
        %gather3A_307 = tpu.vector_load_idx %arg23[%add3A_284, %broadcast_in_dim3A_15] : memref<2048x8xf32, #tpu.memory_space<vmem>>[vector<16xi32>, vector<16xi32>], vector<16xf32>,
        %mul3A_308 = arith.mulf %get3A_288, %gather3A_307 : vector<16xf32>
        %add3A_309 = arith.addf %add3A_277, %mul3A_308 : vector<16xf32>
        %gather3A_310 = tpu.vector_load_idx %arg23[%add3A_284, %broadcast_in_dim3A_17] : memref<2048x8xf32, #tpu.memory_space<vmem>>[vector<16xi32>, vector<16xi32>], vector<16xf32>,
        %mul3A_311 = arith.mulf %get3A_288, %gather3A_310 : vector<16xf32>
        %add3A_312 = arith.addf %add3A_280, %mul3A_311 : vector<16xf32>
        %add3A_313 = arith.constant 96 : i32
        %add3A_314 = arith.addi %mul3A_103, %add3A_313 : i32
        %add3A_315 = vector.broadcast %add3A_314 : i32 to vector<16xi32>
        %add3A_316 = arith.addi %iota3A, %add3A_315 : vector<16xi32>
        %add3A_317 = arith.constant 96 : i32
        %add3A_318 = arith.addi %mul3A_103, %add3A_317 : i32
        %get3A_319 = arith.index_cast %add3A_318 : i32 to index
        %get3A_320 = tpu.vector_load %arg21[%get3A_319] {strides = array<i32>} : memref<2048xf32, #tpu.memory_space<vmem>>, vector<16xf32>,
        %gather3A_321 = tpu.vector_load_idx %arg23[%add3A_316, %broadcast_in_dim3A_3] : memref<2048x8xf32, #tpu.memory_space<vmem>>[vector<16xi32>, vector<16xi32>], vector<16xf32>,
        %mul3A_322 = arith.mulf %get3A_320, %gather3A_321 : vector<16xf32>
        %add3A_323 = arith.addf %add3A_291, %mul3A_322 : vector<16xf32>
        %gather3A_324 = tpu.vector_load_idx %arg23[%add3A_316, %broadcast_in_dim3A_5] : memref<2048x8xf32, #tpu.memory_space<vmem>>[vector<16xi32>, vector<16xi32>], vector<16xf32>,
        %mul3A_325 = arith.mulf %get3A_320, %gather3A_324 : vector<16xf32>
        %add3A_326 = arith.addf %add3A_294, %mul3A_325 : vector<16xf32>
        %gather3A_327 = tpu.vector_load_idx %arg23[%add3A_316, %broadcast_in_dim3A_7] : memref<2048x8xf32, #tpu.memory_space<vmem>>[vector<16xi32>, vector<16xi32>], vector<16xf32>,
        %mul3A_328 = arith.mulf %get3A_320, %gather3A_327 : vector<16xf32>
        %add3A_329 = arith.addf %add3A_297, %mul3A_328 : vector<16xf32>
        %gather3A_330 = tpu.vector_load_idx %arg23[%add3A_316, %broadcast_in_dim3A_9] : memref<2048x8xf32, #tpu.memory_space<vmem>>[vector<16xi32>, vector<16xi32>], vector<16xf32>,
        %mul3A_331 = arith.mulf %get3A_320, %gather3A_330 : vector<16xf32>
        %add3A_332 = arith.addf %add3A_300, %mul3A_331 : vector<16xf32>
        %gather3A_333 = tpu.vector_load_idx %arg23[%add3A_316, %broadcast_in_dim3A_11] : memref<2048x8xf32, #tpu.memory_space<vmem>>[vector<16xi32>, vector<16xi32>], vector<16xf32>,
        %mul3A_334 = arith.mulf %get3A_320, %gather3A_333 : vector<16xf32>
        %add3A_335 = arith.addf %add3A_303, %mul3A_334 : vector<16xf32>
        %gather3A_336 = tpu.vector_load_idx %arg23[%add3A_316, %broadcast_in_dim3A_13] : memref<2048x8xf32, #tpu.memory_space<vmem>>[vector<16xi32>, vector<16xi32>], vector<16xf32>,
        %mul3A_337 = arith.mulf %get3A_320, %gather3A_336 : vector<16xf32>
        %add3A_338 = arith.addf %add3A_306, %mul3A_337 : vector<16xf32>
        %gather3A_339 = tpu.vector_load_idx %arg23[%add3A_316, %broadcast_in_dim3A_15] : memref<2048x8xf32, #tpu.memory_space<vmem>>[vector<16xi32>, vector<16xi32>], vector<16xf32>,
        %mul3A_340 = arith.mulf %get3A_320, %gather3A_339 : vector<16xf32>
        %add3A_341 = arith.addf %add3A_309, %mul3A_340 : vector<16xf32>
        %gather3A_342 = tpu.vector_load_idx %arg23[%add3A_316, %broadcast_in_dim3A_17] : memref<2048x8xf32, #tpu.memory_space<vmem>>[vector<16xi32>, vector<16xi32>], vector<16xf32>,
        %mul3A_343 = arith.mulf %get3A_320, %gather3A_342 : vector<16xf32>
        %add3A_344 = arith.addf %add3A_312, %mul3A_343 : vector<16xf32>
        %add3A_345 = arith.constant 112 : i32
        %add3A_346 = arith.addi %mul3A_103, %add3A_345 : i32
        %add3A_347 = vector.broadcast %add3A_346 : i32 to vector<16xi32>
        %add3A_348 = arith.addi %iota3A, %add3A_347 : vector<16xi32>
        %add3A_349 = arith.constant 112 : i32
        %add3A_350 = arith.addi %mul3A_103, %add3A_349 : i32
        %get3A_351 = arith.index_cast %add3A_350 : i32 to index
        %get3A_352 = tpu.vector_load %arg21[%get3A_351] {strides = array<i32>} : memref<2048xf32, #tpu.memory_space<vmem>>, vector<16xf32>,
        %gather3A_353 = tpu.vector_load_idx %arg23[%add3A_348, %broadcast_in_dim3A_3] : memref<2048x8xf32, #tpu.memory_space<vmem>>[vector<16xi32>, vector<16xi32>], vector<16xf32>,
        %mul3A_354 = arith.mulf %get3A_352, %gather3A_353 : vector<16xf32>
        %add3A_355 = arith.addf %add3A_323, %mul3A_354 : vector<16xf32>
        %gather3A_356 = tpu.vector_load_idx %arg23[%add3A_348, %broadcast_in_dim3A_5] : memref<2048x8xf32, #tpu.memory_space<vmem>>[vector<16xi32>, vector<16xi32>], vector<16xf32>,
        %mul3A_357 = arith.mulf %get3A_352, %gather3A_356 : vector<16xf32>
        %add3A_358 = arith.addf %add3A_326, %mul3A_357 : vector<16xf32>
        %gather3A_359 = tpu.vector_load_idx %arg23[%add3A_348, %broadcast_in_dim3A_7] : memref<2048x8xf32, #tpu.memory_space<vmem>>[vector<16xi32>, vector<16xi32>], vector<16xf32>,
        %mul3A_360 = arith.mulf %get3A_352, %gather3A_359 : vector<16xf32>
        %add3A_361 = arith.addf %add3A_329, %mul3A_360 : vector<16xf32>
        %gather3A_362 = tpu.vector_load_idx %arg23[%add3A_348, %broadcast_in_dim3A_9] : memref<2048x8xf32, #tpu.memory_space<vmem>>[vector<16xi32>, vector<16xi32>], vector<16xf32>,
        %mul3A_363 = arith.mulf %get3A_352, %gather3A_362 : vector<16xf32>
        %add3A_364 = arith.addf %add3A_332, %mul3A_363 : vector<16xf32>
        %gather3A_365 = tpu.vector_load_idx %arg23[%add3A_348, %broadcast_in_dim3A_11] : memref<2048x8xf32, #tpu.memory_space<vmem>>[vector<16xi32>, vector<16xi32>], vector<16xf32>,
        %mul3A_366 = arith.mulf %get3A_352, %gather3A_365 : vector<16xf32>
        %add3A_367 = arith.addf %add3A_335, %mul3A_366 : vector<16xf32>
        %gather3A_368 = tpu.vector_load_idx %arg23[%add3A_348, %broadcast_in_dim3A_13] : memref<2048x8xf32, #tpu.memory_space<vmem>>[vector<16xi32>, vector<16xi32>], vector<16xf32>,
        %mul3A_369 = arith.mulf %get3A_352, %gather3A_368 : vector<16xf32>
        %add3A_370 = arith.addf %add3A_338, %mul3A_369 : vector<16xf32>
        %gather3A_371 = tpu.vector_load_idx %arg23[%add3A_348, %broadcast_in_dim3A_15] : memref<2048x8xf32, #tpu.memory_space<vmem>>[vector<16xi32>, vector<16xi32>], vector<16xf32>,
        %mul3A_372 = arith.mulf %get3A_352, %gather3A_371 : vector<16xf32>
        %add3A_373 = arith.addf %add3A_341, %mul3A_372 : vector<16xf32>
        %gather3A_374 = tpu.vector_load_idx %arg23[%add3A_348, %broadcast_in_dim3A_17] : memref<2048x8xf32, #tpu.memory_space<vmem>>[vector<16xi32>, vector<16xi32>], vector<16xf32>,
        %mul3A_375 = arith.mulf %get3A_352, %gather3A_374 : vector<16xf32>
        %add3A_376 = arith.addf %add3A_344, %mul3A_375 : vector<16xf32>
        %add3A_377 = arith.constant 0 : i32
        %add3A_378 = arith.addi %mul3A_105, %add3A_377 : i32
        %broadcast_in_dim3A_379 = vector.broadcast %add3A_378 : i32 to vector<16xi32>
        tpu.vector_store_idx %arg24[%iota3A, %broadcast_in_dim3A_379], %add3A_355 : memref<16x128xf32, #tpu.memory_space<vmem>>[vector<16xi32>, vector<16xi32>], vector<16xf32>,
        %add3A_380 = arith.constant 1 : i32
        %add3A_381 = arith.addi %mul3A_105, %add3A_380 : i32
        %broadcast_in_dim3A_382 = vector.broadcast %add3A_381 : i32 to vector<16xi32>
        tpu.vector_store_idx %arg24[%iota3A, %broadcast_in_dim3A_382], %add3A_358 : memref<16x128xf32, #tpu.memory_space<vmem>>[vector<16xi32>, vector<16xi32>], vector<16xf32>,
        %mul3A_383 = arith.mulf %add3A_361, %get3A_87 : vector<16xf32>
        %add3A_384 = arith.constant 2 : i32
        %add3A_385 = arith.addi %mul3A_105, %add3A_384 : i32
        %broadcast_in_dim3A_386 = vector.broadcast %add3A_385 : i32 to vector<16xi32>
        tpu.vector_store_idx %arg24[%iota3A, %broadcast_in_dim3A_386], %mul3A_383 : memref<16x128xf32, #tpu.memory_space<vmem>>[vector<16xi32>, vector<16xi32>], vector<16xf32>,
        %mul3A_387 = arith.mulf %add3A_364, %get3A_87 : vector<16xf32>
        %add3A_388 = arith.constant 3 : i32
        %add3A_389 = arith.addi %mul3A_105, %add3A_388 : i32
        %broadcast_in_dim3A_390 = vector.broadcast %add3A_389 : i32 to vector<16xi32>
        tpu.vector_store_idx %arg24[%iota3A, %broadcast_in_dim3A_390], %mul3A_387 : memref<16x128xf32, #tpu.memory_space<vmem>>[vector<16xi32>, vector<16xi32>], vector<16xf32>,
        %mul3A_391 = arith.mulf %add3A_367, %get3A_89 : vector<16xf32>
        %add3A_392 = arith.constant 4 : i32
        %add3A_393 = arith.addi %mul3A_105, %add3A_392 : i32
        %broadcast_in_dim3A_394 = vector.broadcast %add3A_393 : i32 to vector<16xi32>
        tpu.vector_store_idx %arg24[%iota3A, %broadcast_in_dim3A_394], %mul3A_391 : memref<16x128xf32, #tpu.memory_space<vmem>>[vector<16xi32>, vector<16xi32>], vector<16xf32>,
        %mul3A_395 = arith.mulf %add3A_370, %get3A_89 : vector<16xf32>
        %add3A_396 = arith.constant 5 : i32
        %add3A_397 = arith.addi %mul3A_105, %add3A_396 : i32
        %broadcast_in_dim3A_398 = vector.broadcast %add3A_397 : i32 to vector<16xi32>
        tpu.vector_store_idx %arg24[%iota3A, %broadcast_in_dim3A_398], %mul3A_395 : memref<16x128xf32, #tpu.memory_space<vmem>>[vector<16xi32>, vector<16xi32>], vector<16xf32>,
        %mul3A_399 = arith.mulf %add3A_373, %get3A_91 : vector<16xf32>
        %add3A_400 = arith.constant 6 : i32
        %add3A_401 = arith.addi %mul3A_105, %add3A_400 : i32
        %broadcast_in_dim3A_402 = vector.broadcast %add3A_401 : i32 to vector<16xi32>
        tpu.vector_store_idx %arg24[%iota3A, %broadcast_in_dim3A_402], %mul3A_399 : memref<16x128xf32, #tpu.memory_space<vmem>>[vector<16xi32>, vector<16xi32>], vector<16xf32>,
        %mul3A_403 = arith.mulf %add3A_376, %get3A_91 : vector<16xf32>
        %add3A_404 = arith.constant 7 : i32
        %add3A_405 = arith.addi %mul3A_105, %add3A_404 : i32
        %broadcast_in_dim3A_406 = vector.broadcast %add3A_405 : i32 to vector<16xi32>
        tpu.vector_store_idx %arg24[%iota3A, %broadcast_in_dim3A_406], %mul3A_403 : memref<16x128xf32, #tpu.memory_space<vmem>>[vector<16xi32>, vector<16xi32>], vector<16xf32>,
      }
      %scan3A_97 = arith.constant 16 : i32
      %mul3A_98 = arith.constant 16 : i32
      %mul3A_99 = arith.muli %add3A_83, %mul3A_98 : i32
      %add3A_100 = arith.addi %mul3A_2, %mul3A_99 : i32
      "tpu.region"() ({
        %run_scoped3A = tpu.sem_alloc : memref<!tpu.dma_semaphore, #tpu.memory_space<semaphore_mem>>
        %dma_start3A_101 = arith.constant 0 : i32
        %dma_start3A_102 = tpu.memref_slice %arg10[%add3A_100, %dma_start3A_101] : memref<131072x128xf32, #tpu.memory_space<hbm>> -> memref<16x128xf32, #tpu.memory_space<hbm>>
        %dma_start3A_103 = arith.constant 0 : i32
        %dma_start3A_104 = tpu.memref_slice %arg10[%add3A_100, %dma_start3A_103] : memref<131072x128xf32, #tpu.memory_space<hbm>> -> memref<16x128xf32, #tpu.memory_space<hbm>>
        tpu.enqueue_dma source(%arg24 : memref<16x128xf32, #tpu.memory_space<vmem>>) target(%dma_start3A_104 : memref<16x128xf32, #tpu.memory_space<hbm>>) target_semaphore(%run_scoped3A : memref<!tpu.dma_semaphore, #tpu.memory_space<semaphore_mem>>)
        %dma_wait3A_105 = arith.constant 0 : i32
        %dma_wait3A_106 = tpu.memref_slice %arg10[%add3A_100, %dma_wait3A_105] : memref<131072x128xf32, #tpu.memory_space<hbm>> -> memref<16x128xf32, #tpu.memory_space<hbm>>
        %dma_wait3A_107 = arith.constant 0 : i32
        %dma_wait3A_108 = tpu.memref_slice %arg10[%add3A_100, %dma_wait3A_107] : memref<131072x128xf32, #tpu.memory_space<hbm>> -> memref<16x128xf32, #tpu.memory_space<hbm>>
        tpu.wait_dma2 semaphore(%run_scoped3A : memref<!tpu.dma_semaphore, #tpu.memory_space<semaphore_mem>>) src(%arg24 : memref<16x128xf32, #tpu.memory_space<vmem>>) dst(%dma_wait3A_108 : memref<16x128xf32, #tpu.memory_space<hbm>>)
        tpu.yield
      }) : () -> ()
    }
    %scan3A_35 = arith.constant 128 : i32
    return
  }
}

module attributes {stable_mosaic.version = 14 : i64} {
  func.func @_basis_body(%arg0: i32, %arg1: memref<8192xf32, #tpu.memory_space<vmem>>, %arg2: memref<8192xf32, #tpu.memory_space<vmem>>, %arg3: memref<8192xf32, #tpu.memory_space<vmem>>, %arg4: memref<8192xf32, #tpu.memory_space<vmem>>) attributes {dimension_semantics = [#tpu.dimension_semantics<arbitrary>], iteration_bounds = array<i64: 16>, scalar_prefetch = 0 : i64, scratch_operands = 0 : i64, tpu.core_type = #tpu.core_type<tc>, window_params = [{transform_indices = @transform_0, window_bounds = array<i64: 8192>}, {transform_indices = @transform_1, window_bounds = array<i64: 8192>}, {transform_indices = @transform_2, window_bounds = array<i64: 8192>}, {transform_indices = @transform_3, window_bounds = array<i64: 8192>}]} {
    %get3A = arith.constant 0 : index
    %get3A_0 = vector.load %arg1[%get3A] : memref<8192xf32, #tpu.memory_space<vmem>>, vector<8192xf32>
    %mul3A = arith.constant 3.14159274 : f32
    %mul3A_1 = vector.broadcast %mul3A : f32 to vector<8192xf32>
    %mul3A_2 = arith.mulf %mul3A_1, %get3A_0 : vector<8192xf32>
    %cos3A = math.cos %mul3A_2 : vector<8192xf32>
    %mul3A_3 = arith.constant 2.000000e+00 : f32
    %mul3A_4 = vector.broadcast %mul3A_3 : f32 to vector<8192xf32>
    %mul3A_5 = arith.mulf %mul3A_4, %cos3A : vector<8192xf32>
    %mul3A_6 = arith.mulf %mul3A_5, %cos3A : vector<8192xf32>
    %sub3A = arith.constant 1.000000e+00 : f32
    %sub3A_7 = vector.broadcast %sub3A : f32 to vector<8192xf32>
    %sub3A_8 = arith.subf %mul3A_6, %sub3A_7 : vector<8192xf32>
    %mul3A_9 = arith.constant 2.000000e+00 : f32
    %mul3A_10 = vector.broadcast %mul3A_9 : f32 to vector<8192xf32>
    %mul3A_11 = arith.mulf %mul3A_10, %sub3A_8 : vector<8192xf32>
    %mul3A_12 = arith.mulf %mul3A_11, %cos3A : vector<8192xf32>
    %sub3A_13 = arith.subf %mul3A_12, %cos3A : vector<8192xf32>
    %swap3A = arith.constant 0 : index
    %swap3A_14 = vector.load %arg2[%swap3A] : memref<8192xf32, #tpu.memory_space<vmem>>, vector<8192xf32>
    tpu.vector_store %arg2[%swap3A], %cos3A {strides = array<i32>} : memref<8192xf32, #tpu.memory_space<vmem>>, vector<8192xf32>,
    %swap3A_15 = arith.constant 0 : index
    %swap3A_16 = vector.load %arg3[%swap3A_15] : memref<8192xf32, #tpu.memory_space<vmem>>, vector<8192xf32>
    tpu.vector_store %arg3[%swap3A_15], %sub3A_8 {strides = array<i32>} : memref<8192xf32, #tpu.memory_space<vmem>>, vector<8192xf32>,
    %swap3A_17 = arith.constant 0 : index
    %swap3A_18 = vector.load %arg4[%swap3A_17] : memref<8192xf32, #tpu.memory_space<vmem>>, vector<8192xf32>
    tpu.vector_store %arg4[%swap3A_17], %sub3A_13 {strides = array<i32>} : memref<8192xf32, #tpu.memory_space<vmem>>, vector<8192xf32>,
    return
  }
  func.func @transform_0(%arg0: i32) -> i32 {
    %c0_i32 = arith.constant 0 : i32
    return %arg0 : i32
  }
  func.func @transform_1(%arg0: i32) -> i32 {
    %c0_i32 = arith.constant 0 : i32
    return %arg0 : i32
  }
  func.func @transform_2(%arg0: i32) -> i32 {
    %c0_i32 = arith.constant 0 : i32
    return %arg0 : i32
  }
  func.func @transform_3(%arg0: i32) -> i32 {
    %c0_i32 = arith.constant 0 : i32
    return %arg0 : i32
  }
}

module attributes {stable_mosaic.version = 14 : i64} {
  func.func @_mlp_body(%arg0: i32, %arg1: memref<8192x128xf32, #tpu.memory_space<vmem>>, %arg2: memref<32x64xf32, #tpu.memory_space<vmem>>, %arg3: memref<1x64xf32, #tpu.memory_space<vmem>>, %arg4: memref<64x64xf32, #tpu.memory_space<vmem>>, %arg5: memref<1x64xf32, #tpu.memory_space<vmem>>, %arg6: memref<64x16xf32, #tpu.memory_space<vmem>>, %arg7: memref<1x16xf32, #tpu.memory_space<vmem>>, %arg8: memref<8192x16xf32, #tpu.memory_space<vmem>>) attributes {dimension_semantics = [#tpu.dimension_semantics<arbitrary>], iteration_bounds = array<i64: 16>, scalar_prefetch = 0 : i64, scratch_operands = 0 : i64, tpu.core_type = #tpu.core_type<tc>, window_params = [{transform_indices = @transform_0, window_bounds = array<i64: 8192, 128>}, {pipeline_mode = #tpu.pipeline_mode<synchronous>, transform_indices = @transform_1, window_bounds = array<i64: 32, 64>}, {pipeline_mode = #tpu.pipeline_mode<synchronous>, transform_indices = @transform_2, window_bounds = array<i64: 1, 64>}, {pipeline_mode = #tpu.pipeline_mode<synchronous>, transform_indices = @transform_3, window_bounds = array<i64: 64, 64>}, {pipeline_mode = #tpu.pipeline_mode<synchronous>, transform_indices = @transform_4, window_bounds = array<i64: 1, 64>}, {pipeline_mode = #tpu.pipeline_mode<synchronous>, transform_indices = @transform_5, window_bounds = array<i64: 64, 16>}, {pipeline_mode = #tpu.pipeline_mode<synchronous>, transform_indices = @transform_6, window_bounds = array<i64: 1, 16>}, {transform_indices = @transform_7, window_bounds = array<i64: 8192, 16>}]} {
    %get3A = arith.constant 0 : index
    %get3A_0 = arith.constant 0 : index
    %get3A_1 = vector.load %arg1[%get3A, %get3A_0] : memref<8192x128xf32, #tpu.memory_space<vmem>>, vector<8192x128xf32>
    %iota3A = tpu.iota {dimensions = array<i32: 0>} : vector<128x32xi32>
    %iota3A_2 = tpu.iota {dimensions = array<i32: 1>} : vector<128x32xi32>
    %jit3A = arith.constant 8 : i32
    %div3A = vector.broadcast %jit3A : i32 to vector<128x32xi32>
    %div3A_3 = arith.divsi %iota3A, %div3A : vector<128x32xi32>
    %sign3A = arith.constant 0 : i32
    %sign3A_4 = vector.broadcast %sign3A : i32 to vector<128x32xi32>
    %sign3A_5 = arith.cmpi sgt, %iota3A, %sign3A_4 : vector<128x32xi32>
    %sign3A_6 = arith.extui %sign3A_5 : vector<128x32xi1> to vector<128x32xi32>
    %sign3A_7 = arith.constant 0 : i32
    %sign3A_8 = vector.broadcast %sign3A_7 : i32 to vector<128x32xi32>
    %sign3A_9 = arith.cmpi slt, %iota3A, %sign3A_8 : vector<128x32xi32>
    %sign3A_10 = arith.extui %sign3A_9 : vector<128x32xi1> to vector<128x32xi32>
    %sign3A_11 = arith.subi %sign3A_6, %sign3A_10 : vector<128x32xi32>
    %sign3A_12 = arith.constant 0 : i32
    %sign3A_13 = arith.cmpi sgt, %jit3A, %sign3A_12 : i32
    %sign3A_14 = arith.extui %sign3A_13 : i1 to i32
    %sign3A_15 = arith.constant 0 : i32
    %sign3A_16 = arith.cmpi slt, %jit3A, %sign3A_15 : i32
    %sign3A_17 = arith.extui %sign3A_16 : i1 to i32
    %sign3A_18 = arith.subi %sign3A_14, %sign3A_17 : i32
    %ne3A = vector.broadcast %sign3A_18 : i32 to vector<128x32xi32>
    %ne3A_19 = arith.cmpi ne, %sign3A_11, %ne3A : vector<128x32xi32>
    %rem3A = vector.broadcast %jit3A : i32 to vector<128x32xi32>
    %rem3A_20 = arith.remsi %iota3A, %rem3A : vector<128x32xi32>
    %ne3A_21 = arith.constant 0 : i32
    %ne3A_22 = vector.broadcast %ne3A_21 : i32 to vector<128x32xi32>
    %ne3A_23 = arith.cmpi ne, %rem3A_20, %ne3A_22 : vector<128x32xi32>
    %and3A = arith.andi %ne3A_19, %ne3A_23 : vector<128x32xi1>
    %sub3A = arith.constant 1 : i32
    %sub3A_24 = vector.broadcast %sub3A : i32 to vector<128x32xi32>
    %sub3A_25 = arith.subi %div3A_3, %sub3A_24 : vector<128x32xi32>
    %select_n3A = arith.select %and3A, %sub3A_25, %div3A_3 : vector<128x32xi1>, vector<128x32xi32>
    %mul3A = arith.constant 2 : i32
    %mul3A_26 = vector.broadcast %mul3A : i32 to vector<128x32xi32>
    %mul3A_27 = arith.muli %select_n3A, %mul3A_26 : vector<128x32xi32>
    %jit3A_28 = arith.constant 2 : i32
    %eq3A = arith.constant 0 : i32
    %eq3A_29 = arith.cmpi eq, %jit3A_28, %eq3A : i32
    %jit3A_30 = arith.constant 1 : i32
    %select_n3A_31 = arith.select %eq3A_29, %jit3A_30, %jit3A_28 : i32
    %rem3A_32 = vector.broadcast %select_n3A_31 : i32 to vector<128x32xi32>
    %rem3A_33 = arith.remsi %iota3A, %rem3A_32 : vector<128x32xi32>
    %ne3A_34 = arith.constant 0 : i32
    %ne3A_35 = vector.broadcast %ne3A_34 : i32 to vector<128x32xi32>
    %ne3A_36 = arith.cmpi ne, %rem3A_33, %ne3A_35 : vector<128x32xi32>
    %lt3A = arith.constant 0 : i32
    %lt3A_37 = vector.broadcast %lt3A : i32 to vector<128x32xi32>
    %lt3A_38 = arith.cmpi slt, %rem3A_33, %lt3A_37 : vector<128x32xi32>
    %lt3A_39 = arith.constant 0 : i32
    %lt3A_40 = arith.cmpi slt, %select_n3A_31, %lt3A_39 : i32
    %ne3A_41 = vector.broadcast %lt3A_40 : i1 to vector<128x32xi1>
    %ne3A_42 = vector.broadcast %ne3A_41 : vector<128x32xi1> to vector<128x32xi1>
    %ne3A_43 = arith.xori %lt3A_38, %ne3A_42 : vector<128x32xi1>
    %and3A_44 = arith.andi %ne3A_43, %ne3A_36 : vector<128x32xi1>
    %add3A = vector.broadcast %select_n3A_31 : i32 to vector<128x32xi32>
    %add3A_45 = arith.addi %rem3A_33, %add3A : vector<128x32xi32>
    %select_n3A_46 = arith.select %and3A_44, %add3A_45, %rem3A_33 : vector<128x32xi1>, vector<128x32xi32>
    %add3A_47 = arith.addi %mul3A_27, %select_n3A_46 : vector<128x32xi32>
    %eq3A_48 = arith.cmpi eq, %iota3A_2, %add3A_47 : vector<128x32xi32>
    %convert_element_type3A = arith.extui %eq3A_48 : vector<128x32xi1> to vector<128x32xi32>
    %convert_element_type3A_49 = arith.sitofp %convert_element_type3A : vector<128x32xi32> to vector<128x32xf32>
    %dot_general3A = arith.constant dense<0.000000e+00> : vector<8192x32xf32>
    %dot_general3A_50 = tpu.matmul %get3A_1, %convert_element_type3A_49, %dot_general3A {dimension_numbers = #tpu.dot_dimension_numbers<[1], [0], [0], [1], [0, 0, 1, 1], [], []>, transpose_lhs_hint = false} : vector<8192x128xf32>, vector<128x32xf32>, vector<8192x32xf32> -> vector<8192x32xf32>
    %get3A_51 = arith.constant 0 : index
    %get3A_52 = arith.constant 0 : index
    %get3A_53 = vector.load %arg2[%get3A_51, %get3A_52] : memref<32x64xf32, #tpu.memory_space<vmem>>, vector<32x64xf32>
    %dot_general3A_54 = arith.constant dense<0.000000e+00> : vector<8192x64xf32>
    %dot_general3A_55 = tpu.matmul %dot_general3A_50, %get3A_53, %dot_general3A_54 {dimension_numbers = #tpu.dot_dimension_numbers<[1], [0], [0], [1], [0, 0, 1, 1], [], []>, transpose_lhs_hint = false} : vector<8192x32xf32>, vector<32x64xf32>, vector<8192x64xf32> -> vector<8192x64xf32>
    %get3A_56 = arith.constant 0 : index
    %get3A_57 = arith.constant 0 : index
    %get3A_58 = vector.load %arg3[%get3A_56, %get3A_57] : memref<1x64xf32, #tpu.memory_space<vmem>>, vector<1x64xf32>
    %add3A_59 = vector.broadcast %get3A_58 : vector<1x64xf32> to vector<8192x64xf32>
    %add3A_60 = arith.addf %dot_general3A_55, %add3A_59 : vector<8192x64xf32>
    %max3A = arith.constant 0.000000e+00 : f32
    %max3A_61 = vector.broadcast %max3A : f32 to vector<8192x64xf32>
    %max3A_62 = arith.maximumf %add3A_60, %max3A_61 : vector<8192x64xf32>
    %get3A_63 = arith.constant 0 : index
    %get3A_64 = arith.constant 0 : index
    %get3A_65 = vector.load %arg4[%get3A_63, %get3A_64] : memref<64x64xf32, #tpu.memory_space<vmem>>, vector<64x64xf32>
    %dot_general3A_66 = arith.constant dense<0.000000e+00> : vector<8192x64xf32>
    %dot_general3A_67 = tpu.matmul %max3A_62, %get3A_65, %dot_general3A_66 {dimension_numbers = #tpu.dot_dimension_numbers<[1], [0], [0], [1], [0, 0, 1, 1], [], []>, transpose_lhs_hint = false} : vector<8192x64xf32>, vector<64x64xf32>, vector<8192x64xf32> -> vector<8192x64xf32>
    %get3A_68 = arith.constant 0 : index
    %get3A_69 = arith.constant 0 : index
    %get3A_70 = vector.load %arg5[%get3A_68, %get3A_69] : memref<1x64xf32, #tpu.memory_space<vmem>>, vector<1x64xf32>
    %add3A_71 = vector.broadcast %get3A_70 : vector<1x64xf32> to vector<8192x64xf32>
    %add3A_72 = arith.addf %dot_general3A_67, %add3A_71 : vector<8192x64xf32>
    %max3A_73 = arith.constant 0.000000e+00 : f32
    %max3A_74 = vector.broadcast %max3A_73 : f32 to vector<8192x64xf32>
    %max3A_75 = arith.maximumf %add3A_72, %max3A_74 : vector<8192x64xf32>
    %get3A_76 = arith.constant 0 : index
    %get3A_77 = arith.constant 0 : index
    %get3A_78 = vector.load %arg6[%get3A_76, %get3A_77] : memref<64x16xf32, #tpu.memory_space<vmem>>, vector<64x16xf32>
    %dot_general3A_79 = arith.constant dense<0.000000e+00> : vector<8192x16xf32>
    %dot_general3A_80 = tpu.matmul %max3A_75, %get3A_78, %dot_general3A_79 {dimension_numbers = #tpu.dot_dimension_numbers<[1], [0], [0], [1], [0, 0, 1, 1], [], []>, transpose_lhs_hint = false} : vector<8192x64xf32>, vector<64x16xf32>, vector<8192x16xf32> -> vector<8192x16xf32>
    %get3A_81 = arith.constant 0 : index
    %get3A_82 = arith.constant 0 : index
    %get3A_83 = vector.load %arg7[%get3A_81, %get3A_82] : memref<1x16xf32, #tpu.memory_space<vmem>>, vector<1x16xf32>
    %add3A_84 = vector.broadcast %get3A_83 : vector<1x16xf32> to vector<8192x16xf32>
    %add3A_85 = arith.addf %dot_general3A_80, %add3A_84 : vector<8192x16xf32>
    %swap3A = arith.constant 0 : index
    %swap3A_86 = arith.constant 0 : index
    %swap3A_87 = vector.load %arg8[%swap3A, %swap3A_86] : memref<8192x16xf32, #tpu.memory_space<vmem>>, vector<8192x16xf32>
    tpu.vector_store %arg8[%swap3A, %swap3A_86], %add3A_85 {strides = array<i32>} : memref<8192x16xf32, #tpu.memory_space<vmem>>, vector<8192x16xf32>,
    return
  }
  func.func @transform_0(%arg0: i32) -> (i32, i32) {
    %c0_i32 = arith.constant 0 : i32
    %c0_i32_0 = arith.constant 0 : i32
    return %arg0, %c0_i32 : i32, i32
  }
  func.func @transform_1(%arg0: i32) -> (i32, i32) {
    %c0_i32 = arith.constant 0 : i32
    %c0_i32_0 = arith.constant 0 : i32
    %c0_i32_1 = arith.constant 0 : i32
    return %c0_i32, %c0_i32_0 : i32, i32
  }
  func.func @transform_2(%arg0: i32) -> (i32, i32) {
    %c0_i32 = arith.constant 0 : i32
    %c0_i32_0 = arith.constant 0 : i32
    %c0_i32_1 = arith.constant 0 : i32
    return %c0_i32, %c0_i32_0 : i32, i32
  }
  func.func @transform_3(%arg0: i32) -> (i32, i32) {
    %c0_i32 = arith.constant 0 : i32
    %c0_i32_0 = arith.constant 0 : i32
    %c0_i32_1 = arith.constant 0 : i32
    return %c0_i32, %c0_i32_0 : i32, i32
  }
  func.func @transform_4(%arg0: i32) -> (i32, i32) {
    %c0_i32 = arith.constant 0 : i32
    %c0_i32_0 = arith.constant 0 : i32
    %c0_i32_1 = arith.constant 0 : i32
    return %c0_i32, %c0_i32_0 : i32, i32
  }
  func.func @transform_5(%arg0: i32) -> (i32, i32) {
    %c0_i32 = arith.constant 0 : i32
    %c0_i32_0 = arith.constant 0 : i32
    %c0_i32_1 = arith.constant 0 : i32
    return %c0_i32, %c0_i32_0 : i32, i32
  }
  func.func @transform_6(%arg0: i32) -> (i32, i32) {
    %c0_i32 = arith.constant 0 : i32
    %c0_i32_0 = arith.constant 0 : i32
    %c0_i32_1 = arith.constant 0 : i32
    return %c0_i32, %c0_i32_0 : i32, i32
  }
  func.func @transform_7(%arg0: i32) -> (i32, i32) {
    %c0_i32 = arith.constant 0 : i32
    %c0_i32_0 = arith.constant 0 : i32
    return %arg0, %c0_i32 : i32, i32
  }
}

</mosaic_0001>

<sc_bundles>
// kernel: kernel.5.cloned.1.call-start
scs
__scs_entry_jumppad:
0x0: {  	(pc) =	sbr.rel $0x88, $3  }
0x1: {  	(tag) =	ssettag $0x0;
	lr =	simm.s32 $0x1  }
0x2: {  	[smem:$0x3F98] =	sst lr;
	_ =	strace $0xD0000000  }
0x3: {  	_ = 	snop  }
0x4: {  	_ = 	snop  }
0x5: {  	_ = 	snop  }
0x6: {  	_ = 	snop  }
0x7: {  	_ = 	snop  }
__scs_overlays_trampoline_lowered:
0x8: {  	[smem:$0x3FA7] =	sst s0  }
0x9: {  	[smem:$0x3FA8] =	sst s1  }
0xa: {  	[smem:$0x3FA9] =	sst s2  }
0xb: {  	[smem:$0x3FAA] =	sst s3  }
0xc: {  	[smem:$0x3FAB] =	sst s4  }
0xd: {  	[smem:$0x3FAC] =	sst s5  }
0xe: {  	[smem:$0x3FAD] =	sst s6  }
0xf: {  	[smem:$0x3FAE] =	sst s7  }
0x10: {  	[smem:$0x3FAF] =	sst s8  }
0x11: {  	[smem:$0x3FB0] =	sst s9;
	s0 =	simm.s32 @!p0 $0x0  }
0x12: {  	s1 =	sld [smem:$0x3F96];
	s0 =	simm.s32 @p0 $0x1  }
0x13: {  	[smem:$0x3FB1] =	sst s0;
	s0 =	simm.s32 @!p1 $0x0  }
0x14: {  	s2 =	sld [smem:$0x3F95];
	s0 =	simm.s32 @p1 $0x1  }
0x15: {  	[smem:$0x3FB2] =	sst s0;
	s0 =	simm.s32 @!p2 $0x0  }
0x16: {  	s3 =	sld [smem:$0x3FDB];
	s0 =	simm.s32 @p2 $0x1  }
0x17: {  	s4 =	simm.s32 $0x1BF5;
	[smem:$0x3FB4] =	sst s0  }
0x18: {  	s0 =	sld [smem:$0x3F97];
	_ =	swait.ge [sflag:s4], $0x0  }
0x19: {  	s7 =	sld [smem:$0x3F98]  }
0x1a: {  	s8 =	sadd.s32 $0xFFFFE003, lr  }
0x1b: {  	s9 =	sadd.s32 $0xFFFFFEF7, lr;
	s5 =	simm.s32 $0xFFFFFFFF;
	p2 =	slt.u32 s8, $0xFFFFF086  }
0x1c: {  	p1 =	slt.u32 s9, $0xF7A;
	s5 =	simm.s32 @!p2 $0x0  }
0x1d: {  	s5 =	simm.s32 @p1 $0x1;
	p0 =	seq.s32 s7, s2  }
0x1e: {  	s7 =	smul.u32 @!p0 $0xF7A, s2;
	p2 =	seq.s32 @!p0 s5, $0x0  }
0x1f: {  	s9 =	smul.u32 $0xF7A, s1;
	s8 =	simm.s32 @!p0 $0x1BF5;
	p2 =	por !p2, p0  }
0x20: {  	[sflag:s8] =	ssyncset.s32 @!p0 $0xFFFFF086;
	s6 =	sadd.s32 @!p0 s3, s7;
	s7 =	simm.s32 @!p0 $0x108  }
0x21: {  	s3 =	sadd.s32 s3, s9;
	s6 =	sadd.s32 @!p0 $0x88, s6;
	s7 =	simm.s32 @p2 $0x1082  }
0x22: {  	[simem:s7], [sflag:s8] =	dma.local @!p0 [hbm:s6], $0xF7A  }
0x23: {  	s9 =	sor.u32 $0xD0000000, s2;
	s6 =	simm.s32 $0x108;
	_ =	swait.ge @!p0 [sflag:s8], $0x0  }
0x24: {  	s3 =	sadd.s32 $0x88, s3;
	s6 =	simm.s32 @!p1 $0x1082;
	[sflag:s4] =	ssyncset.s32 $0xFFFFF086  }
0x25: {  	[simem:s6], [sflag:s4] =	dma.local [hbm:s3], $0xF7A  }
0x26: {  	[smem:$0x3F98] =	sst s1;
	(tag) =	ssettag s2;
	_ =	strace s9  }
0x27: {  	s1 =	sld [smem:$0x3FA8]  }
0x28: {  	s2 =	sld [smem:$0x3FA9]  }
0x29: {  	s4 =	sld [smem:$0x3FAB]  }
0x2a: {  	p0 =	seq.s32 s5, $0x0;
	s5 =	sld [smem:$0x3FAC]  }
0x2b: {  	s6 =	sld [smem:$0x3FAD]  }
0x2c: {  	s7 =	sld [smem:$0x3FAE]  }
0x2d: {  	s3 =	simm.s32 $0x108;
	s8 =	sld [smem:$0x3FAF]  }
0x2e: {  	s3 =	simm.s32 @!p0 $0x1082;
	s9 =	sld [smem:$0x3FB0]  }
0x2f: {  	lr =	sadd.s32 s0, s3;
	s0 =	sld [smem:$0x3FA7]  }
0x30: {  	s3 =	sld [smem:$0x3FAA]  }
0x31: {  	[smem:$0x3FB3] =	sst s10  }
0x32: {  	s10 =	sld [smem:$0x3FB1];
	_ =	sdelay $0x3  }
0x33: {  	p0 =	seq.s32 s10, $0x1;
	s10 =	sld [smem:$0x3FB3];
	_ =	sdelay $0x3  }
0x34: {  	[smem:$0x3FB3] =	sst s10  }
0x35: {  	s10 =	sld [smem:$0x3FB2];
	_ =	sdelay $0x3  }
0x36: {  	p1 =	seq.s32 s10, $0x1;
	s10 =	sld [smem:$0x3FB3];
	_ =	sdelay $0x3  }
0x37: {  	[smem:$0x3FB3] =	sst s10  }
0x38: {  	s10 =	sld [smem:$0x3FB4]  }
0x39: {  	_ = 	snop;
	(pc) =	sbr.ind lr, $3  }
0x3a: {  	_ = 	snop  }
0x3b: {  	_ = 	snop  }
0x3c: {  	p2 =	seq.s32 s10, $0x1;
	s10 =	sld [smem:$0x3FB3]  }
0x3d: {  	_ =	shalt  }
0x3e: {  	_ =	shalt  }
0x3f: {  	_ =	shalt  }
0x40: {  	_ =	shalt  }
0x41: {  	_ =	shalt  }
0x42: {  	_ =	shalt  }
0x43: {  	_ =	shalt  }
0x44: {  	_ =	shalt  }
0x45: {  	_ =	shalt  }
0x46: {  	_ =	shalt  }
0x47: {  	_ =	shalt  }
0x48: {  	_ =	shalt  }
0x49: {  	_ =	shalt  }
0x4a: {  	_ =	shalt  }
0x4b: {  	_ =	shalt  }
0x4c: {  	_ =	shalt  }
0x4d: {  	_ =	shalt  }
0x4e: {  	_ =	shalt  }
0x4f: {  	_ =	shalt  }
0x50: {  	_ =	shalt  }
0x51: {  	_ =	shalt  }
0x52: {  	_ =	shalt  }
0x53: {  	_ =	shalt  }
0x54: {  	_ =	shalt  }
0x55: {  	_ =	shalt  }
0x56: {  	_ =	shalt  }
0x57: {  	_ =	shalt  }
0x58: {  	_ =	shalt  }
0x59: {  	_ =	shalt  }
0x5a: {  	_ =	shalt  }
0x5b: {  	_ =	shalt  }
0x5c: {  	_ =	shalt  }
0x5d: {  	_ =	shalt  }
0x5e: {  	_ =	shalt  }
0x5f: {  	_ =	shalt  }
0x60: {  	_ =	shalt  }
0x61: {  	_ =	shalt  }
0x62: {  	_ =	shalt  }
0x63: {  	_ =	shalt  }
0x64: {  	_ =	shalt  }
0x65: {  	_ =	shalt  }
0x66: {  	_ =	shalt  }
0x67: {  	_ =	shalt  }
0x68: {  	_ =	shalt  }
0x69: {  	_ =	shalt  }
0x6a: {  	_ =	shalt  }
0x6b: {  	_ =	shalt  }
0x6c: {  	_ =	shalt  }
0x6d: {  	_ =	shalt  }
0x6e: {  	_ =	shalt  }
0x6f: {  	_ =	shalt  }
0x70: {  	_ =	shalt  }
0x71: {  	_ =	shalt  }
0x72: {  	_ =	shalt  }
0x73: {  	_ =	shalt  }
0x74: {  	_ =	shalt  }
0x75: {  	_ =	shalt  }
0x76: {  	_ =	shalt  }
0x77: {  	_ =	shalt  }
0x78: {  	_ =	shalt  }
0x79: {  	_ =	shalt  }
0x7a: {  	_ =	shalt  }
0x7b: {  	_ =	shalt  }
0x7c: {  	_ =	shalt  }
0x7d: {  	_ =	shalt  }
0x7e: {  	_ =	shalt  }
0x7f: {  	_ =	shalt  }
0x80: {  	_ =	shalt  }
0x81: {  	_ =	shalt  }
0x82: {  	_ =	shalt  }
0x83: {  	_ =	shalt  }
0x84: {  	_ =	shalt  }
0x85: {  	_ =	shalt  }
0x86: {  	_ =	shalt  }
0x87: {  	_ =	shalt  }
.Lfunc_end0:
.L_simem_size_0:
called_computation_lowered:
.L_overlay_start_0:
0x88: {  	s2 =	sld [smem:$0x3FD9]  }
0x89: {  	s3 =	sld [smem:$0x3FFE];
	_ =	sdelay $0x1  }
0x8a: {  	s1 =	srdreg.scid  }
0x8b: {  	s0 =	sand.u32 $0x1, s1  }
0x8c: {  	s17 =	sshll.u32 s0, $0xA;
	s2 =	sadd.s32 s3, s2  }
0x8d: {  	s2 =	sadd.s32 s2, s17  }
0x8e: {  	[smem:$0x3FBF] =	sst s2  }
0x8f: {  	_ = 	snop  }
0x90: {  	s2 =	sld [smem:$0x3FD0];
	(tm) =	ssettm $0x1  }
0x91: {  	s18 =	sld [smem:$0x3FFB];
	_ =	sdelay $0x3  }
0x92: {  	_ =	strace s18  }
0x93: {  	s3 =	sld [smem:$0x3FFC];
	_ =	sdelay $0x3  }
0x94: {  	_ =	strace s3  }
0x95: {  	s3 =	sld [smem:$0x3FFD];
	_ =	sdelay $0x3  }
0x96: {  	_ =	strace s3  }
0x97: {  	_ =	strace $0x8FFFFFFF  }
0x98: {  	s19 =	sld [smem:$0x3FDB];
	_ =	sdelay $0x1  }
0x99: {  	s4 =	simm.s32 $_scs_section_size  }
0x9a: {  	s5 =	simm.s32 $_size__tile_overlayer_lowered;
	s6 =	simm.s32 $_tile_overlayer_lowered  }
0x9b: {  	s22 =	simm.s32 $0x1BFF;
	s21 =	sshll.u32 s6, $0x1;
	s3 =	sadd.s32 s4, s19  }
0x9c: {  	s7 =	simm.s32 $0x0;
	s20 =	sshll.u32 s5, $0x1;
	s5 =	sadd.s32 s21, s3  }
0x9d: {  	[timem:s7], [sflag:s22] =	dma.local [hbm:s5], s20  }
0x9e: {  	_ =	swait.ge [sflag:s22], s20  }
0x9f: {  	s4 =	ssub.s32 $0x0, s20;
	[sflag:s22] =	ssyncset.done $0x0  }
0xa0: {  	[sflag:s22] =	ssyncadd.s32 s4;
	_ =	sdelay $0x1  }
0xa1: {  	s23 =	simm.s32 $0x1B8B  }
0xa2: {  	_ =	swait.ge [sflag:s23], $0x1  }
0xa3: {  	[sflag:s23] =	ssyncset.done $0x0  }
0xa4: {  	s25 =	simm.s32 $0x1B8E;
	s24 =	sld [smem:$0x3FFE];
	[sflag:s23] =	ssyncadd.s32 $0xFFFFFFFF  }
0xa5: {  	s26 =	simm.s32 $execute0_lowered;
	[smem:$0x3FD2] =	sst s25  }
0xa6: {  	s5 =	sshll.u32 s26, $0x1;
	_ =	strace $0x80000046;
	[dreg:$0x1] =	wrdreg $0xFFFFFFFF  }
0xa7: {  	s28 =	simm.s32 $_size_execute0_lowered;
	s3 =	sadd.s32 s3, s5;
	[dreg:$0x0] =	wrdreg $0x0  }
0xa8: {  	s5 =	sshll.u32 s28, $0x1;
	[dreg:$0x2] =	wrdreg s3  }
0xa9: {  	[dreg:$0x3] =	wrdreg s5  }
0xaa: {  	[dreg:$0x4] =	wrdreg $0xC0  }
0xab: {  	_ =	task [dreg:s7], $0x5FFFF  }
0xac: {  	[dreg:$0x1] =	wrdreg $0xFFFFFFFF  }
0xad: {  	[dreg:$0x0] =	wrdreg $0x60  }
0xae: {  	[dreg:$0x2] =	wrdreg s24  }
0xaf: {  	[dreg:$0x3] =	wrdreg s2  }
0xb0: {  	[dreg:$0x4] =	wrdreg $0x9  }
0xb1: {  	_ =	task.clear_ibuf [dreg:s7], $0x5FFFF;
	_ =	strace $0x90000046  }
0xb2: {  	s29 =	simm.s32 $0x9;
	_ =	strace $0x80000048  }
0xb3: {  	_ =	swait.ge [sflag:s29], $0x1  }
0xb4: {  	[sflag:s29] =	ssyncadd.s32 $0xFFFFFFFF  }
0xb5: {  	_ =	strace $0x90000048  }
0xb6: {  	_ =	sfence  }
0xb7: {  	s30 =	sld [smem:$0x0];
	_ =	sdelay $0x2  }
0xb8: {  	s31 =	sshll.u32 s1, $0xD;
	s1 =	sshrl.u32 s1, $0x2  }
0xb9: {  	s3 =	sand.u32 $0x4000, s31;
	s1 =	sadd.s32 s1, s30  }
0xba: {  	s0 =	sor.u32 s3, s0;
	s1 =	sshll.u32 s1, $0x11  }
0xbb: {  	s0 =	sor.u32 s1, s0  }
0xbc: {  	s0 =	sadd.s32 $0x8F2B, s0  }
0xbd: {  	[sflag:s0] =	ssyncadd.remote.s32 $0x1  }
0xbe: {  	_ =	sfence.sel $0xFFFF  }
0xbf: {  	[dreg:$0x0] =	wrdreg $0xFFFFFFFF;
	(pc) =	sbr.abs _section_cstart, $3  }
0xc0: {  	[dreg:$0x1] =	wrdreg $0xFFFFFFFF  }
0xc1: {  	_ =	task.clear_ibuf [dreg:s7], $0x2FFFF;
	_ =	strace $0x9FFFFFFF  }
0xc2: {  	(tm) =	ssettm $0x7FFFFFFF  }
0xc3: {  	_ =	shalt  }
tec
execute0_lowered:
.L_overlay_start_1:
0x0: {  	(tag) =	ssettag $0x1  }
0x1: {  	s0 =	srdreg.scid;
	s1 =	rddreg [dreg:$0x0]  }
0x2: {  	s2 =	stileid.u32;
	s9 =	rddreg [dreg:$0x1];
	s14 =	simm.s32 $0x2  }
0x3: {  	s19 =	simm.s32 $0x5000;
	s20 =	simm.s32 $0x6000;
	s21 =	simm.s32 $0x800  }
0x4: {  	v1 =	vlaneseq.u32;
	s22 =	simm.s32 $0x6010;
	s23 =	simm.s32 $0x8010;
	s24 =	simm.s32 $0x6810  }
0x5: {  	s25 =	simm.s32 $0xC010;
	s26 =	simm.s32 $0x1;
	s28 =	simm.s32 $0x10010;
	v60 =	vmul.u32 $0x80, v1  }
0x6: {  	s29 =	simm.s32 $0x0;
	s3 =	sshll.u32 s2, $0xD;
	s2 =	simm.s32 $0x0  }
0x7: {  	s0 =	sand.u32 $0x1, s0;
	s5 =	sadd.s32 $0x1015E00, s1;
	[smem:$0x7FF] =	sst s2;
	v63 =	vor.u32 $0x2, v60  }
0x8: {  	s30 =	simm.s32 $0x0;
	s4 =	sshll.u32 s0, $0xC;
	_ =	strace $0x80000047;
	v28 =	vor.u32 $0x3, v60;
	[tilespmem:$0x1FFA0] =	vst v63  }
0x9: {  	s6 =	sadd.s32 $0x16000, s1;
	s0 =	ssub.s32 $0x2, s0;
	s3 =	sor.u32 s4, s3;
	v29 =	vor.u32 $0x4, v60;
	[tilespmem:$0x1FFB0] =	vst v28  }
0xa: {  	s4 =	sadd.s32 $0x15E00, s1;
	s7 =	sshrl.u32 s0, $0x1;
	v30 =	vor.u32 $0x5, v60;
	s10 =	sshrl.u32 s3, $0x3;
	[tilespmem:$0x1FFC0] =	vst v29  }
0xb: {  	v31 =	vor.u32 $0x6, v60;
	s0 =	ssub.s32 s0, s7;
	[tilespmem:$0x1FFD0] =	vst v30;
	s12 =	sadd.s32 s10, s1;
	s9 =	sadd.s32 s9, s10  }
0xc: {  	v62 =	vor.u32 $0x1, v60;
	[tilespmem:$0x1FFE0] =	vst v31;
	s13 =	smax.u32 s0, $0x1;
	s7 =	sadd.s32 $0x11E00, s12;
	s8 =	sadd.s32 $0xDE00, s12  }
0xd: {  	v61 =	vmul.u32 $0x8, v1;
	[tilespmem:$0x1FFF0] =	vst v62;
	s10 =	sadd.s32 $0x1E00, s12;
	s11 =	sadd.s32 $0x5E00, s12;
	s12 =	sadd.s32 $0x9E00, s12  }
.LBB2_1:
0xe: {  	[tilespmem:s2], [sflag:$0x2] =	stream.linear.gather [hbm4b:s7+s2], $0x1000, $0x38;
	[tilespmem:$0x10810] =	vst v63  }
0xf: {  	_ =	swait.ge [sflag:s14], $0x1000  }
0x10: {  	[sflag:s14] =	ssyncset.done $0x0  }
0x11: {  	s0 =	simm.s32 $0x1000;
	[sflag:s14] =	ssyncadd.s32 $0xFFFFF000  }
0x12: {  	[tilespmem:s0], [sflag:$0x2] =	stream.linear.gather [hbm4b:s8+s2], $0x1000, $0x38;
	[tilespmem:$0x10810] =	vst v63  }
0x13: {  	_ =	swait.ge [sflag:s14], $0x1000  }
0x14: {  	[sflag:s14] =	ssyncset.done $0x0  }
0x15: {  	s17 =	simm.s32 $0x2000;
	[sflag:s14] =	ssyncadd.s32 $0xFFFFF000  }
0x16: {  	[tilespmem:s17], [sflag:$0x2] =	stream.linear.gather [hbm4b:s9+s2], $0x1000, $0x38;
	[tilespmem:$0x10810] =	vst v63  }
0x17: {  	_ =	swait.ge [sflag:s14], $0x1000  }
0x18: {  	[sflag:s14] =	ssyncset.done $0x0  }
0x19: {  	s18 =	simm.s32 $0x3000;
	[sflag:s14] =	ssyncadd.s32 $0xFFFFF000  }
0x1a: {  	[tilespmem:s18], [sflag:$0x2] =	stream.linear.gather [hbm4b:s10+s2], $0x1000, $0x38;
	[tilespmem:$0x10810] =	vst v63  }
0x1b: {  	_ =	swait.ge [sflag:s14], $0x1000  }
0x1c: {  	[sflag:s14] =	ssyncset.done $0x0  }
0x1d: {  	s31 =	simm.s32 $0x4000;
	[sflag:s14] =	ssyncadd.s32 $0xFFFFF000  }
0x1e: {  	[tilespmem:s31], [sflag:$0x2] =	stream.linear.gather [hbm4b:s11+s2], $0x1000, $0x38;
	[tilespmem:$0x10810] =	vst v63  }
0x1f: {  	_ =	swait.ge [sflag:s14], $0x1000  }
0x20: {  	[sflag:s14] =	ssyncset.done $0x0  }
0x21: {  	[sflag:s14] =	ssyncadd.s32 $0xFFFFF000  }
0x22: {  	[tilespmem:s19], [sflag:$0x2] =	stream.linear.gather [hbm4b:s12+s2], $0x1000, $0x38;
	[tilespmem:$0x10810] =	vst v63  }
0x23: {  	_ =	swait.ge [sflag:s14], $0x1000  }
0x24: {  	[sflag:s14] =	ssyncset.done $0x0  }
0x25: {  	[sflag:s14] =	ssyncadd.s32 $0xFFFFF000  }
0x26: {  	[tilespmem:s20], [sflag:$0x2] =	stream.linear.gather [hbm4b:s4+s2], $0x10, $0x38;
	[tilespmem:$0x10810] =	vst v63  }
0x27: {  	v10 =	vmov s2;
	_ =	swait.ge [sflag:s14], $0x10  }
0x28: {  	[sflag:s14] =	ssyncset.done $0x0  }
0x29: {  	[sflag:s14] =	ssyncadd.s32 $0xFFFFFFF0  }
0x2a: {  	v8 =	vld [tilespmem:$0x0]  }
0x2b: {  	v9 =	vld [tilespmem:$0x1000]  }
0x2c: {  	v11 =	vld.idx.msk [tilespmem:v10+s20+$0x0], $0xffff  }
0x2d: {  	v10 =	vld [tilespmem:$0x2000];
	_ =	sdelay $0x3  }
0x2e: {  	v12 =	vmul.f32 v11, v8  }
0x2f: {  	v13 =	vmul.f32 v11, v9;
	v11 =	vmul.f32 v11, v10  }
0x30: {  	v14 =	vtrunc.f32 v12  }
0x31: {  	v15 =	vtrunc.f32 v13;
	v16 =	vtrunc.f32 v11  }
0x32: {  	v15 =	vcvt.f32.s32 v15;
	v16 =	vcvt.f32.s32 v16  }
0x33: {  	v14 =	vcvt.f32.s32 v14  }
0x34: {  	v17 =	vcvt.s32.f32 v15;
	v18 =	vcvt.s32.f32 v16  }
0x35: {  	v19 =	vcvt.s32.f32 v14  }
0x36: {  	v13 =	vsub.f32 v13, v17;
	v11 =	vsub.f32 v11, v18  }
0x37: {  	v15 =	vmul.u32 $0x9E3779B1, v15;
	v16 =	vmul.u32 $0x30025795, v16;
	v12 =	vsub.f32 v12, v19  }
0x38: {  	v17 =	vsub.f32 $1.000000000e+00, v13;
	v18 =	vsub.f32 $1.000000000e+00, v11  }
0x39: {  	v51 =	vadd.s32 $0x9E3779B1, v15;
	v20 =	vadd.s32 $0x30025795, v16;
	v21 =	vxor.u32 v14, v15  }
0x3a: {  	v24 =	vxor.u32 v16, v21;
	v22 =	vsub.f32 $1.000000000e+00, v12;
	v23 =	vmul.f32 v18, v17  }
0x3b: {  	v21 =	vxor.u32 v20, v21;
	v25 =	vxor.u32 v14, v51;
	v24 =	vand.u32 $0xFFFF, v24  }
0x3c: {  	s0 =	simm.s32 $0x6050;
	v24 =	vor.u32 s2, v24;
	v17 =	vmul.f32 v17, v11;
	v26 =	vmul.f32 v23, v22  }
0x3d: {  	s1 =	simm.s32 $0x7050;
	v21 =	vand.u32 $0xFFFF, v21;
	v52 =	vxor.u32 v16, v25;
	[tilespmem:s0+$0xFFFFFFC0] =	vst v24  }
0x3e: {  	v21 =	vor.u32 s2, v21;
	v18 =	vmul.f32 v18, v13;
	v53 =	vmul.f32 v17, v22;
	[tilespmem:s1+$0xFFFFFFC0] =	vst v26  }
0x3f: {  	v14 =	vadd.s32 $0x1, v14;
	v55 =	vxor.u32 v20, v25;
	v54 =	vand.u32 $0xFFFF, v52;
	[tilespmem:s0+$0xFFFFFFD0] =	vst v21  }
0x40: {  	v11 =	vmul.f32 v11, v13;
	v13 =	vor.u32 s2, v54;
	v56 =	vmul.f32 v18, v22;
	[tilespmem:s1+$0xFFFFFFD0] =	vst v53  }
0x41: {  	v15 =	vxor.u32 v15, v14;
	[tilespmem:s0+$0xFFFFFFE0] =	vst v13;
	v13 =	vand.u32 $0xFFFF, v55  }
0x42: {  	v58 =	vxor.u32 v16, v15;
	v57 =	vmul.f32 v11, v22;
	[tilespmem:s1+$0xFFFFFFE0] =	vst v56;
	v13 =	vor.u32 s2, v13  }
0x43: {  	[tilespmem:s0+$0xFFFFFFF0] =	vst v13;
	v13 =	vand.u32 $0xFFFF, v58  }
0x44: {  	v15 =	vxor.u32 v20, v15;
	v59 =	vmul.f32 v23, v12;
	[tilespmem:s1+$0xFFFFFFF0] =	vst v57;
	v13 =	vor.u32 s2, v13  }
0x45: {  	v14 =	vxor.u32 v14, v51;
	[tilespmem:s0+$0x0] =	vst v13;
	v13 =	vand.u32 $0xFFFF, v15  }
0x46: {  	s15 =	simm.s32 $0x1;
	v16 =	vxor.u32 v16, v14;
	v15 =	vmul.f32 v17, v12;
	[tilespmem:s1+$0x0] =	vst v59;
	v13 =	vor.u32 s2, v13  }
0x47: {  	v63 =	vmov s15;
	[tilespmem:s0+$0x10] =	vst v13;
	v13 =	vand.u32 $0xFFFF, v16  }
0x48: {  	v14 =	vxor.u32 v20, v14;
	v62 =	vmul.f32 v18, v12;
	[tilespmem:s1+$0x10] =	vst v15;
	v13 =	vor.u32 s2, v13  }
0x49: {  	v14 =	vand.u32 $0xFFFF, v14;
	[tilespmem:s0+$0x20] =	vst v13  }
0x4a: {  	v11 =	vmul.f32 v11, v12;
	v12 =	vor.u32 s2, v14;
	[tilespmem:s1+$0x20] =	vst v62  }
0x4b: {  	[tilespmem:s0+$0x30] =	vst v12  }
0x4c: {  	[tilespmem:s1+$0x30] =	vst v11  }
0x4d: {  	v13 =	vld.idx.msk [tilespmem:v63+s20+$0x0], $0xffff;
	_ =	sdelay $0x4  }
0x4e: {  	v11 =	vmul.f32 v13, v8  }
0x4f: {  	s16 =	simm.s32 $0x2;
	s15 =	simm.s32 $0x0;
	v12 =	vmul.f32 v13, v9;
	v13 =	vmul.f32 v13, v10  }
.LBB2_2:
0x50: {  	p0 =	sne.s32 s16, $0xF;
	v14 =	vtrunc.f32 v11  }
0x51: {  	v15 =	vtrunc.f32 v12;
	v16 =	vtrunc.f32 v13  }
0x52: {  	v15 =	vcvt.f32.s32 v15;
	v16 =	vcvt.f32.s32 v16  }
0x53: {  	v14 =	vcvt.f32.s32 v14  }
0x54: {  	v17 =	vcvt.s32.f32 v15;
	v18 =	vcvt.s32.f32 v16  }
0x55: {  	v19 =	vcvt.s32.f32 v14  }
0x56: {  	v12 =	vsub.f32 v12, v17;
	v13 =	vsub.f32 v13, v18  }
0x57: {  	v15 =	vmul.u32 $0x9E3779B1, v15;
	v16 =	vmul.u32 $0x30025795, v16;
	v11 =	vsub.f32 v11, v19  }
0x58: {  	v17 =	vsub.f32 $1.000000000e+00, v12;
	v18 =	vsub.f32 $1.000000000e+00, v13  }
0x59: {  	v19 =	vadd.s32 $0x9E3779B1, v15;
	v20 =	vadd.s32 $0x30025795, v16;
	v21 =	vxor.u32 v14, v15  }
0x5a: {  	v22 =	vsub.f32 $1.000000000e+00, v11;
	v24 =	vxor.u32 v16, v21;
	v23 =	vmul.f32 v18, v17  }
0x5b: {  	s15 =	sadd.s32 $0x10000, s15;
	v21 =	vxor.u32 v20, v21;
	v25 =	vxor.u32 v14, v19;
	v24 =	vand.u32 $0xFFFF, v24  }
0x5c: {  	s0 =	sadd.s32 $0x80, s0;
	v24 =	vor.u32 s15, v24;
	v17 =	vmul.f32 v17, v13;
	v26 =	vmul.f32 v23, v22  }
0x5d: {  	s1 =	sadd.s32 $0x80, s1;
	v21 =	vand.u32 $0xFFFF, v21;
	[tilespmem:s0+$0xFFFFFFC0] =	vst v24;
	v24 =	vxor.u32 v16, v25  }
0x5e: {  	v21 =	vor.u32 s15, v21;
	v18 =	vmul.f32 v18, v12;
	[tilespmem:s1+$0xFFFFFFC0] =	vst v26;
	v26 =	vmul.f32 v17, v22  }
0x5f: {  	v14 =	vadd.s32 $0x1, v14;
	[tilespmem:s0+$0xFFFFFFD0] =	vst v21;
	v21 =	vand.u32 $0xFFFF, v24;
	v24 =	vxor.u32 v20, v25  }
0x60: {  	v12 =	vmul.f32 v13, v12;
	[tilespmem:s1+$0xFFFFFFD0] =	vst v26;
	v13 =	vor.u32 s15, v21;
	v21 =	vmul.f32 v18, v22  }
0x61: {  	v15 =	vxor.u32 v15, v14;
	v18 =	vmul.f32 v18, v11;
	[tilespmem:s0+$0xFFFFFFE0] =	vst v13;
	v13 =	vand.u32 $0xFFFF, v24  }
0x62: {  	[tilespmem:s1+$0xFFFFFFE0] =	vst v21;
	v13 =	vor.u32 s15, v13;
	v21 =	vmul.f32 v12, v22;
	v22 =	vxor.u32 v16, v15  }
0x63: {  	v12 =	vmul.f32 v12, v11;
	[tilespmem:s0+$0xFFFFFFF0] =	vst v13;
	v13 =	vand.u32 $0xFFFF, v22  }
0x64: {  	v15 =	vxor.u32 v20, v15;
	[tilespmem:s1+$0xFFFFFFF0] =	vst v21;
	v13 =	vor.u32 s15, v13;
	v21 =	vmul.f32 v23, v11  }
0x65: {  	v14 =	vxor.u32 v14, v19;
	[tilespmem:s0+$0x0] =	vst v13;
	v13 =	vand.u32 $0xFFFF, v15  }
0x66: {  	v11 =	vmul.f32 v17, v11;
	v15 =	vxor.u32 v16, v14;
	[tilespmem:s1+$0x0] =	vst v21;
	v13 =	vor.u32 s15, v13  }
0x67: {  	v14 =	vxor.u32 v20, v14;
	[tilespmem:s0+$0x10] =	vst v13;
	v13 =	vand.u32 $0xFFFF, v15  }
0x68: {  	v15 =	vmov s16;
	[tilespmem:s1+$0x10] =	vst v11;
	v11 =	vor.u32 s15, v13;
	v13 =	vand.u32 $0xFFFF, v14  }
0x69: {  	[tilespmem:s0+$0x20] =	vst v11;
	v11 =	vor.u32 s15, v13  }
0x6a: {  	[tilespmem:s1+$0x20] =	vst v18  }
0x6b: {  	[tilespmem:s0+$0x30] =	vst v11  }
0x6c: {  	[tilespmem:s1+$0x30] =	vst v12  }
0x6d: {  	v13 =	vld.idx.msk [tilespmem:v15+s20+$0x0], $0xffff;
	_ =	sdelay $0x2  }
.Ltmp0:
0x6e: {  	(pc) =	sbr.rel @p0 .LBB2_2-.Ltmp0, $3  }
0x6f: {  	_ =	sdelay $0x1  }
0x70: {  	v11 =	vmul.f32 v13, v8  }
0x71: {  	s16 =	sadd.s32 $0x1, s16;
	v12 =	vmul.f32 v13, v9;
	v13 =	vmul.f32 v13, v10  }
0x72: {  	v8 =	vtrunc.f32 v11  }
0x73: {  	v9 =	vtrunc.f32 v12;
	v10 =	vtrunc.f32 v13  }
0x74: {  	v9 =	vcvt.f32.s32 v9;
	v10 =	vcvt.f32.s32 v10  }
0x75: {  	v8 =	vcvt.f32.s32 v8  }
0x76: {  	v14 =	vcvt.s32.f32 v9;
	v15 =	vcvt.s32.f32 v10  }
0x77: {  	v16 =	vcvt.s32.f32 v8  }
0x78: {  	v43 =	vsub.f32 v12, v14;
	v44 =	vsub.f32 v13, v15  }
0x79: {  	v9 =	vmul.u32 $0x9E3779B1, v9;
	v10 =	vmul.u32 $0x30025795, v10;
	v45 =	vsub.f32 v11, v16  }
0x7a: {  	v14 =	vsub.f32 $1.000000000e+00, v43;
	v15 =	vsub.f32 $1.000000000e+00, v44  }
0x7b: {  	v46 =	vadd.s32 $0x9E3779B1, v9;
	v17 =	vadd.s32 $0x30025795, v10;
	v18 =	vxor.u32 v8, v9  }
0x7c: {  	v19 =	vsub.f32 $1.000000000e+00, v45;
	v21 =	vxor.u32 v10, v18;
	v20 =	vmul.f32 v15, v14  }
0x7d: {  	s15 =	sadd.s32 $0x10000, s15;
	v18 =	vxor.u32 v17, v18;
	v22 =	vxor.u32 v8, v46;
	v21 =	vand.u32 $0xFFFF, v21  }
0x7e: {  	s0 =	sadd.s32 $0x80, s0;
	v21 =	vor.u32 s15, v21;
	v14 =	vmul.f32 v14, v44;
	v23 =	vmul.f32 v20, v19  }
0x7f: {  	s1 =	sadd.s32 $0x80, s1;
	v18 =	vand.u32 $0xFFFF, v18;
	v47 =	vxor.u32 v10, v22;
	[tilespmem:s0+$0xFFFFFFC0] =	vst v21  }
0x80: {  	v18 =	vor.u32 s15, v18;
	v15 =	vmul.f32 v15, v43;
	v48 =	vmul.f32 v14, v19;
	[tilespmem:s1+$0xFFFFFFC0] =	vst v23  }
0x81: {  	v8 =	vadd.s32 $0x1, v8;
	v50 =	vxor.u32 v17, v22;
	v49 =	vand.u32 $0xFFFF, v47;
	[tilespmem:s0+$0xFFFFFFD0] =	vst v18  }
0x82: {  	v12 =	vmul.f32 v44, v43;
	v51 =	vor.u32 s15, v49;
	v52 =	vmul.f32 v15, v19;
	[tilespmem:s1+$0xFFFFFFD0] =	vst v48  }
0x83: {  	v9 =	vxor.u32 v9, v8;
	v53 =	vand.u32 $0xFFFF, v50;
	[tilespmem:s0+$0xFFFFFFE0] =	vst v51  }
0x84: {  	v55 =	vxor.u32 v10, v9;
	v13 =	vor.u32 s15, v53;
	v54 =	vmul.f32 v12, v19;
	[tilespmem:s1+$0xFFFFFFE0] =	vst v52  }
0x85: {  	v56 =	vand.u32 $0xFFFF, v55;
	[tilespmem:s0+$0xFFFFFFF0] =	vst v13  }
0x86: {  	v9 =	vxor.u32 v17, v9;
	v57 =	vmul.f32 v20, v45;
	v13 =	vor.u32 s15, v56;
	[tilespmem:s1+$0xFFFFFFF0] =	vst v54  }
0x87: {  	v8 =	vxor.u32 v8, v46;
	v9 =	vand.u32 $0xFFFF, v9;
	[tilespmem:s0+$0x0] =	vst v13  }
0x88: {  	v10 =	vxor.u32 v10, v8;
	v9 =	vor.u32 s15, v9;
	v58 =	vmul.f32 v14, v45;
	[tilespmem:s1+$0x0] =	vst v57  }
0x89: {  	v59 =	vand.u32 $0xFFFF, v10;
	[tilespmem:s0+$0x10] =	vst v9  }
0x8a: {  	v8 =	vxor.u32 v17, v8;
	v62 =	vmul.f32 v15, v45;
	v9 =	vor.u32 s15, v59;
	[tilespmem:s1+$0x10] =	vst v58  }
0x8b: {  	v8 =	vand.u32 $0xFFFF, v8;
	[tilespmem:s0+$0x20] =	vst v9  }
0x8c: {  	v63 =	vmul.f32 v12, v45;
	v8 =	vor.u32 s15, v8;
	[tilespmem:s1+$0x20] =	vst v62  }
0x8d: {  	[tilespmem:s0+$0x30] =	vst v8  }
0x8e: {  	s31 =	simm.s32 $0x0;
	[tilespmem:s1+$0x30] =	vst v63  }
0x8f: {  	[tilespmem:s23], [sflag:$0x1] =	stream.indirect.gather [hbm4b:s5+s21], $0x8, s22, s21, $0xb8;
	[tilespmem:$0x10810] =	vst v63  }
.LBB2_4:
0x90: {  	v10 =	vmov s30;
	_ =	sdelay $0x1  }
0x91: {  	s0 =	sshll.u32 s31, $0x5  }
0x92: {  	v8 =	vld [tilespmem:s0+$0x10]  }
0x93: {  	v9 =	vld [tilespmem:s0+$0x1010]  }
0x94: {  	v11 =	vld.idx.msk [tilespmem:v10+s20+$0x0], $0xffff  }
0x95: {  	v10 =	vld [tilespmem:s0+$0x2010];
	_ =	sdelay $0x3  }
0x96: {  	v12 =	vmul.f32 v11, v8  }
0x97: {  	v13 =	vmul.f32 v11, v9;
	v11 =	vmul.f32 v11, v10  }
0x98: {  	v14 =	vtrunc.f32 v12  }
0x99: {  	v15 =	vtrunc.f32 v13;
	v16 =	vtrunc.f32 v11  }
0x9a: {  	v15 =	vcvt.f32.s32 v15;
	v16 =	vcvt.f32.s32 v16  }
0x9b: {  	v14 =	vcvt.f32.s32 v14  }
0x9c: {  	v17 =	vcvt.s32.f32 v15;
	v18 =	vcvt.s32.f32 v16  }
0x9d: {  	v19 =	vcvt.s32.f32 v14  }
0x9e: {  	v13 =	vsub.f32 v13, v17;
	v11 =	vsub.f32 v11, v18  }
0x9f: {  	v15 =	vmul.u32 $0x9E3779B1, v15;
	v16 =	vmul.u32 $0x30025795, v16;
	v12 =	vsub.f32 v12, v19  }
0xa0: {  	v17 =	vsub.f32 $1.000000000e+00, v13;
	v18 =	vsub.f32 $1.000000000e+00, v11  }
0xa1: {  	v51 =	vadd.s32 $0x9E3779B1, v15;
	v20 =	vadd.s32 $0x30025795, v16;
	v21 =	vxor.u32 v14, v15  }
0xa2: {  	v24 =	vxor.u32 v16, v21;
	v22 =	vsub.f32 $1.000000000e+00, v12;
	v23 =	vmul.f32 v18, v17  }
0xa3: {  	v21 =	vxor.u32 v20, v21;
	v25 =	vxor.u32 v14, v51;
	v24 =	vand.u32 $0xFFFF, v24  }
0xa4: {  	s15 =	simm.s32 $0x6850;
	v24 =	vor.u32 s30, v24;
	v17 =	vmul.f32 v17, v11;
	v26 =	vmul.f32 v23, v22  }
0xa5: {  	s16 =	simm.s32 $0x7850;
	v21 =	vand.u32 $0xFFFF, v21;
	v52 =	vxor.u32 v16, v25;
	[tilespmem:s15+$0xFFFFFFC0] =	vst v24  }
0xa6: {  	v21 =	vor.u32 s30, v21;
	v18 =	vmul.f32 v18, v13;
	v53 =	vmul.f32 v17, v22;
	[tilespmem:s16+$0xFFFFFFC0] =	vst v26  }
0xa7: {  	v14 =	vadd.s32 $0x1, v14;
	v55 =	vxor.u32 v20, v25;
	v54 =	vand.u32 $0xFFFF, v52;
	[tilespmem:s15+$0xFFFFFFD0] =	vst v21  }
0xa8: {  	v11 =	vmul.f32 v11, v13;
	v13 =	vor.u32 s30, v54;
	v56 =	vmul.f32 v18, v22;
	[tilespmem:s16+$0xFFFFFFD0] =	vst v53  }
0xa9: {  	v15 =	vxor.u32 v15, v14;
	[tilespmem:s15+$0xFFFFFFE0] =	vst v13;
	v13 =	vand.u32 $0xFFFF, v55  }
0xaa: {  	v58 =	vxor.u32 v16, v15;
	v57 =	vmul.f32 v11, v22;
	[tilespmem:s16+$0xFFFFFFE0] =	vst v56;
	v13 =	vor.u32 s30, v13  }
0xab: {  	[tilespmem:s15+$0xFFFFFFF0] =	vst v13;
	v13 =	vand.u32 $0xFFFF, v58  }
0xac: {  	v15 =	vxor.u32 v20, v15;
	v59 =	vmul.f32 v23, v12;
	[tilespmem:s16+$0xFFFFFFF0] =	vst v57;
	v13 =	vor.u32 s30, v13  }
0xad: {  	v14 =	vxor.u32 v14, v51;
	[tilespmem:s15+$0x0] =	vst v13;
	v13 =	vand.u32 $0xFFFF, v15  }
0xae: {  	s1 =	simm.s32 $0x1;
	v16 =	vxor.u32 v16, v14;
	v15 =	vmul.f32 v17, v12;
	[tilespmem:s16+$0x0] =	vst v59;
	v13 =	vor.u32 s30, v13  }
0xaf: {  	v63 =	vmov s1;
	[tilespmem:s15+$0x10] =	vst v13;
	v13 =	vand.u32 $0xFFFF, v16  }
0xb0: {  	v14 =	vxor.u32 v20, v14;
	v62 =	vmul.f32 v18, v12;
	[tilespmem:s16+$0x10] =	vst v15;
	v13 =	vor.u32 s30, v13  }
0xb1: {  	v14 =	vand.u32 $0xFFFF, v14;
	[tilespmem:s15+$0x20] =	vst v13  }
0xb2: {  	v11 =	vmul.f32 v11, v12;
	v12 =	vor.u32 s30, v14;
	[tilespmem:s16+$0x20] =	vst v62  }
0xb3: {  	[tilespmem:s15+$0x30] =	vst v12  }
0xb4: {  	[tilespmem:s16+$0x30] =	vst v11  }
0xb5: {  	v13 =	vld.idx.msk [tilespmem:v63+s20+$0x0], $0xffff;
	_ =	sdelay $0x4  }
0xb6: {  	v11 =	vmul.f32 v13, v8  }
0xb7: {  	s18 =	simm.s32 $0x2;
	s17 =	simm.s32 $0x0;
	s1 =	sor.u32 $0x10, s0;
	v12 =	vmul.f32 v13, v9;
	v13 =	vmul.f32 v13, v10  }
.LBB2_5:
0xb8: {  	p0 =	sne.s32 s18, $0xF;
	v14 =	vtrunc.f32 v11  }
0xb9: {  	v15 =	vtrunc.f32 v12;
	v16 =	vtrunc.f32 v13  }
0xba: {  	v15 =	vcvt.f32.s32 v15;
	v16 =	vcvt.f32.s32 v16  }
0xbb: {  	v14 =	vcvt.f32.s32 v14  }
0xbc: {  	v17 =	vcvt.s32.f32 v15;
	v18 =	vcvt.s32.f32 v16  }
0xbd: {  	v19 =	vcvt.s32.f32 v14  }
0xbe: {  	v12 =	vsub.f32 v12, v17;
	v13 =	vsub.f32 v13, v18  }
0xbf: {  	v15 =	vmul.u32 $0x9E3779B1, v15;
	v16 =	vmul.u32 $0x30025795, v16;
	v11 =	vsub.f32 v11, v19  }
0xc0: {  	v17 =	vsub.f32 $1.000000000e+00, v12;
	v18 =	vsub.f32 $1.000000000e+00, v13  }
0xc1: {  	v19 =	vadd.s32 $0x9E3779B1, v15;
	v20 =	vadd.s32 $0x30025795, v16;
	v21 =	vxor.u32 v14, v15  }
0xc2: {  	v22 =	vsub.f32 $1.000000000e+00, v11;
	v24 =	vxor.u32 v16, v21;
	v23 =	vmul.f32 v18, v17  }
0xc3: {  	s17 =	sadd.s32 $0x10000, s17;
	v21 =	vxor.u32 v20, v21;
	v25 =	vxor.u32 v14, v19;
	v24 =	vand.u32 $0xFFFF, v24  }
0xc4: {  	s15 =	sadd.s32 $0x80, s15;
	v24 =	vor.u32 s17, v24;
	v17 =	vmul.f32 v17, v13;
	v26 =	vmul.f32 v23, v22  }
0xc5: {  	s16 =	sadd.s32 $0x80, s16;
	v21 =	vand.u32 $0xFFFF, v21;
	[tilespmem:s15+$0xFFFFFFC0] =	vst v24;
	v24 =	vxor.u32 v16, v25  }
0xc6: {  	v21 =	vor.u32 s17, v21;
	v18 =	vmul.f32 v18, v12;
	[tilespmem:s16+$0xFFFFFFC0] =	vst v26;
	v26 =	vmul.f32 v17, v22  }
0xc7: {  	v14 =	vadd.s32 $0x1, v14;
	[tilespmem:s15+$0xFFFFFFD0] =	vst v21;
	v21 =	vand.u32 $0xFFFF, v24;
	v24 =	vxor.u32 v20, v25  }
0xc8: {  	v12 =	vmul.f32 v13, v12;
	[tilespmem:s16+$0xFFFFFFD0] =	vst v26;
	v13 =	vor.u32 s17, v21;
	v21 =	vmul.f32 v18, v22  }
0xc9: {  	v15 =	vxor.u32 v15, v14;
	v18 =	vmul.f32 v18, v11;
	[tilespmem:s15+$0xFFFFFFE0] =	vst v13;
	v13 =	vand.u32 $0xFFFF, v24  }
0xca: {  	[tilespmem:s16+$0xFFFFFFE0] =	vst v21;
	v13 =	vor.u32 s17, v13;
	v21 =	vmul.f32 v12, v22;
	v22 =	vxor.u32 v16, v15  }
0xcb: {  	v12 =	vmul.f32 v12, v11;
	[tilespmem:s15+$0xFFFFFFF0] =	vst v13;
	v13 =	vand.u32 $0xFFFF, v22  }
0xcc: {  	v15 =	vxor.u32 v20, v15;
	[tilespmem:s16+$0xFFFFFFF0] =	vst v21;
	v13 =	vor.u32 s17, v13;
	v21 =	vmul.f32 v23, v11  }
0xcd: {  	v14 =	vxor.u32 v14, v19;
	[tilespmem:s15+$0x0] =	vst v13;
	v13 =	vand.u32 $0xFFFF, v15  }
0xce: {  	v11 =	vmul.f32 v17, v11;
	v15 =	vxor.u32 v16, v14;
	[tilespmem:s16+$0x0] =	vst v21;
	v13 =	vor.u32 s17, v13  }
0xcf: {  	v14 =	vxor.u32 v20, v14;
	[tilespmem:s15+$0x10] =	vst v13;
	v13 =	vand.u32 $0xFFFF, v15  }
0xd0: {  	v15 =	vmov s18;
	[tilespmem:s16+$0x10] =	vst v11;
	v11 =	vor.u32 s17, v13;
	v13 =	vand.u32 $0xFFFF, v14  }
0xd1: {  	[tilespmem:s15+$0x20] =	vst v11;
	v11 =	vor.u32 s17, v13  }
0xd2: {  	[tilespmem:s16+$0x20] =	vst v18  }
0xd3: {  	[tilespmem:s15+$0x30] =	vst v11  }
0xd4: {  	[tilespmem:s16+$0x30] =	vst v12  }
0xd5: {  	v13 =	vld.idx.msk [tilespmem:v15+s20+$0x0], $0xffff;
	_ =	sdelay $0x2  }
.Ltmp1:
0xd6: {  	(pc) =	sbr.rel @p0 .LBB2_5-.Ltmp1, $3  }
0xd7: {  	_ =	sdelay $0x1  }
0xd8: {  	v11 =	vmul.f32 v13, v8  }
0xd9: {  	s18 =	sadd.s32 $0x1, s18;
	v12 =	vmul.f32 v13, v9;
	v13 =	vmul.f32 v13, v10  }
0xda: {  	v8 =	vtrunc.f32 v11  }
0xdb: {  	v9 =	vtrunc.f32 v12;
	v10 =	vtrunc.f32 v13  }
0xdc: {  	v9 =	vcvt.f32.s32 v9;
	v10 =	vcvt.f32.s32 v10  }
0xdd: {  	v8 =	vcvt.f32.s32 v8  }
0xde: {  	v14 =	vcvt.s32.f32 v9;
	v15 =	vcvt.s32.f32 v10  }
0xdf: {  	v16 =	vcvt.s32.f32 v8  }
0xe0: {  	v41 =	vsub.f32 v12, v14;
	v42 =	vsub.f32 v13, v15  }
0xe1: {  	v9 =	vmul.u32 $0x9E3779B1, v9;
	v10 =	vmul.u32 $0x30025795, v10;
	v43 =	vsub.f32 v11, v16  }
0xe2: {  	v14 =	vsub.f32 $1.000000000e+00, v41;
	v15 =	vsub.f32 $1.000000000e+00, v42  }
0xe3: {  	v44 =	vadd.s32 $0x9E3779B1, v9;
	v17 =	vadd.s32 $0x30025795, v10;
	v18 =	vxor.u32 v8, v9  }
0xe4: {  	v19 =	vsub.f32 $1.000000000e+00, v43;
	v21 =	vxor.u32 v10, v18;
	v20 =	vmul.f32 v15, v14  }
0xe5: {  	s17 =	sadd.s32 $0x10000, s17;
	v18 =	vxor.u32 v17, v18;
	v22 =	vxor.u32 v8, v44;
	v21 =	vand.u32 $0xFFFF, v21  }
0xe6: {  	s15 =	sadd.s32 $0x80, s15;
	v21 =	vor.u32 s17, v21;
	v14 =	vmul.f32 v14, v42;
	v23 =	vmul.f32 v20, v19  }
0xe7: {  	s16 =	sadd.s32 $0x80, s16;
	v18 =	vand.u32 $0xFFFF, v18;
	v45 =	vxor.u32 v10, v22;
	[tilespmem:s15+$0xFFFFFFC0] =	vst v21  }
0xe8: {  	v18 =	vor.u32 s17, v18;
	v15 =	vmul.f32 v15, v41;
	v46 =	vmul.f32 v14, v19;
	[tilespmem:s16+$0xFFFFFFC0] =	vst v23  }
0xe9: {  	v8 =	vadd.s32 $0x1, v8;
	v48 =	vxor.u32 v17, v22;
	v47 =	vand.u32 $0xFFFF, v45;
	[tilespmem:s15+$0xFFFFFFD0] =	vst v18  }
0xea: {  	v12 =	vmul.f32 v42, v41;
	v49 =	vor.u32 s17, v47;
	v50 =	vmul.f32 v15, v19;
	[tilespmem:s16+$0xFFFFFFD0] =	vst v46  }
0xeb: {  	v9 =	vxor.u32 v9, v8;
	v51 =	vand.u32 $0xFFFF, v48;
	[tilespmem:s15+$0xFFFFFFE0] =	vst v49  }
0xec: {  	v53 =	vxor.u32 v10, v9;
	v13 =	vor.u32 s17, v51;
	v52 =	vmul.f32 v12, v19;
	[tilespmem:s16+$0xFFFFFFE0] =	vst v50  }
0xed: {  	v54 =	vand.u32 $0xFFFF, v53;
	[tilespmem:s15+$0xFFFFFFF0] =	vst v13  }
0xee: {  	v9 =	vxor.u32 v17, v9;
	v55 =	vmul.f32 v20, v43;
	v13 =	vor.u32 s17, v54;
	[tilespmem:s16+$0xFFFFFFF0] =	vst v52  }
0xef: {  	v8 =	vxor.u32 v8, v44;
	v9 =	vand.u32 $0xFFFF, v9;
	[tilespmem:s15+$0x0] =	vst v13  }
0xf0: {  	v10 =	vxor.u32 v10, v8;
	v9 =	vor.u32 s17, v9;
	v56 =	vmul.f32 v14, v43;
	[tilespmem:s16+$0x0] =	vst v55  }
0xf1: {  	v57 =	vand.u32 $0xFFFF, v10;
	[tilespmem:s15+$0x10] =	vst v9  }
0xf2: {  	v8 =	vxor.u32 v17, v8;
	v58 =	vmul.f32 v15, v43;
	v9 =	vor.u32 s17, v57;
	[tilespmem:s16+$0x10] =	vst v56  }
0xf3: {  	v8 =	vand.u32 $0xFFFF, v8;
	[tilespmem:s15+$0x20] =	vst v9  }
0xf4: {  	v59 =	vmul.f32 v12, v43;
	v8 =	vor.u32 s17, v8;
	[tilespmem:s16+$0x20] =	vst v58  }
0xf5: {  	[tilespmem:s15+$0x30] =	vst v8  }
0xf6: {  	[tilespmem:s16+$0x30] =	vst v59  }
0xf7: {  	[tilespmem:s25], [sflag:$0x1] =	stream.indirect.gather [hbm4b:s5+s21], $0x8, s24, s21, $0xb8;
	[tilespmem:$0x10810] =	vst v63  }
0xf8: {  	_ =	swait.ge [sflag:s26], $0x4000  }
0xf9: {  	[sflag:s26] =	ssyncset.done $0x0  }
0xfa: {  	[sflag:s26] =	ssyncadd.s32 $0xFFFFC000  }
0xfb: {  	v0 =	vld [tilespmem:s0+$0x3000]  }
0xfc: {  	v62 =	vld [tilespmem:s0+$0x4000]  }
0xfd: {  	v63 =	vld [tilespmem:s0+$0x5000];
	_ =	sdelay $0x2  }
0xfe: {  	[tilespmem:$0x1FF70] =	vst v0  }
0xff: {  	[tilespmem:$0x1FF80] =	vst v62  }
0x100: {  	s17 =	simm.s32 $0x7050;
	s15 =	simm.s32 $0x70;
	s16 =	simm.s32 $0x0;
	[tilespmem:$0x1FF90] =	vst v63  }
.LBB2_7:
0x101: {  	s18 =	sadd.s32 $0xFFFFFF90, s15  }
0x102: {  	v8 =	vmov s18  }
0x103: {  	v8 =	vshll.u32 v8, $0x3  }
0x104: {  	v12 =	vor.u32 v61, v8  }
0x105: {  	v13 =	vor.u32 $0x1, v12  }
0x106: {  	v14 =	vor.u32 $0x2, v12  }
0x107: {  	v15 =	vor.u32 $0x3, v12  }
0x108: {  	v8 =	vld [tilespmem:s17+$0xFFFFFFC0];
	v16 =	vor.u32 $0x4, v12  }
0x109: {  	v17 =	vor.u32 $0x5, v12;
	v34 =	vld.idx.msk [tilespmem:v12+s23+$0x0], $0xffff  }
0x10a: {  	v43 =	vor.u32 $0x6, v12;
	v57 =	vld.idx.msk [tilespmem:v13+s23+$0x0], $0xffff  }
0x10b: {  	s18 =	sadd.s32 $0xFFFFFFA0, s15;
	v58 =	vld.idx.msk [tilespmem:v14+s23+$0x0], $0xffff  }
0x10c: {  	v44 =	vmov s18;
	v12 =	vor.u32 $0x7, v12;
	v51 =	vld.idx.msk [tilespmem:v15+s23+$0x0], $0xffff  }
0x10d: {  	v14 =	vshll.u32 v44, $0x3;
	v27 =	vld.idx.msk [tilespmem:v16+s23+$0x0], $0xffff  }
0x10e: {  	v20 =	vld.idx.msk [tilespmem:v17+s23+$0x0], $0xffff;
	v14 =	vor.u32 v61, v14  }
0x10f: {  	v21 =	vld.idx.msk [tilespmem:v43+s23+$0x0], $0xffff  }
0x110: {  	v13 =	vld [tilespmem:s17+$0xFFFFFFE0];
	v45 =	vor.u32 $0x1, v14  }
0x111: {  	v46 =	vor.u32 $0x2, v14;
	v0 =	vld.idx.msk [tilespmem:v12+s23+$0x0], $0xffff  }
0x112: {  	v18 =	vor.u32 $0x3, v14;
	v12 =	vld [tilespmem:s17+$0xFFFFFFD0];
	v34 =	vmul.f32 v34, v8  }
0x113: {  	s18 =	sadd.s32 $0xFFFFFFB0, s15;
	v19 =	vor.u32 $0x4, v14;
	v56 =	vld.idx.msk [tilespmem:v14+s23+$0x0], $0xffff  }
0x114: {  	v49 =	vmov s18;
	s18 =	sadd.s32 $0xFFFFFFC0, s15;
	v22 =	vor.u32 $0x5, v14;
	v6 =	vadd.f32 $0.0e+00, v34;
	v34 =	vld [tilespmem:s17+$0x20]  }
0x115: {  	v63 =	vmov s18;
	v47 =	vor.u32 $0x6, v14;
	v59 =	vld.idx.msk [tilespmem:v45+s23+$0x0], $0xffff  }
0x116: {  	v17 =	vshll.u32 v63, $0x3;
	v48 =	vor.u32 $0x7, v14;
	v39 =	vld.idx.msk [tilespmem:v46+s23+$0x0], $0xffff  }
0x117: {  	v17 =	vor.u32 v61, v17;
	v41 =	vld.idx.msk [tilespmem:v18+s23+$0x0], $0xffff  }
0x118: {  	v33 =	vor.u32 $0x2, v17;
	v50 =	vld.idx.msk [tilespmem:v19+s23+$0x0], $0xffff  }
0x119: {  	s18 =	sadd.s32 $0xFFFFFFD0, s15;
	v35 =	vor.u32 $0x3, v17;
	v52 =	vld.idx.msk [tilespmem:v22+s23+$0x0], $0xffff  }
0x11a: {  	v40 =	vmov s18;
	v37 =	vor.u32 $0x4, v17;
	v22 =	vld.idx.msk [tilespmem:v47+s23+$0x0], $0xffff  }
0x11b: {  	v2 =	vshll.u32 v40, $0x3;
	v15 =	vmovc v61;
	v38 =	vor.u32 $0x5, v17;
	v14 =	vshll.u32 v49, $0x3;
	v54 =	vld.idx.msk [tilespmem:v48+s23+$0x0], $0xffff  }
0x11c: {  	v44 =	vor.u32 v15, v2;
	v1 =	vor.u32 $0x6, v17;
	v14 =	vor.u32 v61, v14;
	v61 =	vld.idx.msk [tilespmem:v17+s23+$0x0], $0xffff  }
0x11d: {  	v42 =	vor.u32 $0x1, v44;
	v33 =	vld.idx.msk [tilespmem:v33+s23+$0x0], $0xffff  }
0x11e: {  	v3 =	vor.u32 $0x2, v44;
	v36 =	vld.idx.msk [tilespmem:v35+s23+$0x0], $0xffff  }
0x11f: {  	v37 =	vld.idx.msk [tilespmem:v37+s23+$0x0], $0xffff  }
0x120: {  	v40 =	vld.idx.msk [tilespmem:v38+s23+$0x0], $0xffff;
	v45 =	vor.u32 $0x3, v44  }
0x121: {  	v38 =	vld.idx.msk [tilespmem:v1+s23+$0x0], $0xffff;
	v47 =	vor.u32 $0x4, v44  }
0x122: {  	v49 =	vor.u32 $0x5, v44;
	v42 =	vld.idx.msk [tilespmem:v42+s23+$0x0], $0xffff  }
0x123: {  	v4 =	vor.u32 $0x7, v44;
	v43 =	vld.idx.msk [tilespmem:v3+s23+$0x0], $0xffff  }
0x124: {  	v16 =	vmov v60;
	v23 =	vor.u32 $0x1, v14;
	v60 =	vld.idx.msk [tilespmem:v14+s23+$0x0], $0xffff  }
0x125: {  	v53 =	vor.u32 $0x2, v14;
	v46 =	vld.idx.msk [tilespmem:v45+s23+$0x0], $0xffff  }
0x126: {  	v25 =	vor.u32 $0x3, v14;
	v48 =	vld.idx.msk [tilespmem:v47+s23+$0x0], $0xffff  }
0x127: {  	v28 =	vor.u32 $0x4, v14;
	v47 =	vld.idx.msk [tilespmem:v49+s23+$0x0], $0xffff  }
0x128: {  	v29 =	vor.u32 $0x5, v14;
	v45 =	vld.idx.msk [tilespmem:v4+s23+$0x0], $0xffff  }
0x129: {  	v30 =	vor.u32 $0x6, v14;
	v55 =	vld.idx.msk [tilespmem:v23+s23+$0x0], $0xffff  }
0x12a: {  	v62 =	vld.idx.msk [tilespmem:v53+s23+$0x0], $0xffff  }
0x12b: {  	v14 =	vor.u32 $0x7, v14;
	v23 =	vld.idx.msk [tilespmem:v25+s23+$0x0], $0xffff  }
0x12c: {  	v28 =	vld.idx.msk [tilespmem:v28+s23+$0x0], $0xffff  }
0x12d: {  	v29 =	vld.idx.msk [tilespmem:v29+s23+$0x0], $0xffff  }
0x12e: {  	[tilespmem:$0x1FF10] =	vst v0;
	v0 =	vor.u32 $0x1, v17;
	v31 =	vld.idx.msk [tilespmem:v30+s23+$0x0], $0xffff  }
0x12f: {  	v17 =	vor.u32 $0x7, v17;
	v25 =	vld [tilespmem:s17+$0x10]  }
0x130: {  	s18 =	sadd.s32 $0xFFFFFFE0, s15;
	v30 =	vld.idx.msk [tilespmem:v14+s23+$0x0], $0xffff  }
0x131: {  	v5 =	vmov s18;
	[tilespmem:$0x1FF20] =	vst v50;
	v50 =	vor.u32 $0x6, v44;
	v14 =	vld [tilespmem:s17+$0xFFFFFFF0]  }
0x132: {  	v7 =	vmul.f32 v56, v12;
	[tilespmem:$0x1FF60] =	vst v62;
	v62 =	vld.idx.msk [tilespmem:v44+s23+$0x0], $0xffff;
	v44 =	vshll.u32 v5, $0x3  }
0x133: {  	[tilespmem:$0x1FF30] =	vst v52;
	v32 =	vld.idx.msk [tilespmem:v0+s23+$0x0], $0xffff;
	v52 =	vor.u32 v15, v44  }
0x134: {  	v6 =	vadd.f32 v7, v6;
	v35 =	vld.idx.msk [tilespmem:v17+s23+$0x0], $0xffff;
	v7 =	vmul.f32 v60, v13;
	v18 =	vor.u32 $0x1, v52  }
0x135: {  	v17 =	vld [tilespmem:s17+$0x0];
	v19 =	vor.u32 $0x2, v52  }
0x136: {  	v44 =	vld.idx.msk [tilespmem:v50+s23+$0x0], $0xffff;
	v6 =	vadd.f32 v7, v6;
	v53 =	vor.u32 $0x3, v52  }
0x137: {  	[tilespmem:$0x1FF40] =	vst v54;
	v54 =	vor.u32 $0x4, v52;
	v7 =	vmul.f32 v61, v14;
	v61 =	vmul.f32 v51, v8;
	v51 =	vld [tilespmem:s17+$0x30]  }
0x138: {  	v3 =	vor.u32 $0x6, v52;
	v63 =	vld.idx.msk [tilespmem:v52+s23+$0x0], $0xffff  }
0x139: {  	v11 =	vmov s15;
	v2 =	vor.u32 $0x5, v52;
	v49 =	vld.idx.msk [tilespmem:v18+s23+$0x0], $0xffff  }
0x13a: {  	v11 =	vshll.u32 v11, $0x3;
	v4 =	vor.u32 $0x7, v52;
	v50 =	vld.idx.msk [tilespmem:v19+s23+$0x0], $0xffff  }
0x13b: {  	v11 =	vor.u32 v15, v11;
	[tilespmem:$0x1FF50] =	vst v55;
	v6 =	vadd.f32 v7, v6;
	v55 =	vld.idx.msk [tilespmem:v53+s23+$0x0], $0xffff  }
0x13c: {  	v7 =	vmul.f32 v62, v17;
	v62 =	vor.u32 $0x2, v11;
	v61 =	vadd.f32 $0.0e+00, v61;
	v52 =	vld.idx.msk [tilespmem:v54+s23+$0x0], $0xffff  }
0x13d: {  	s18 =	sadd.s32 $0xFFFFFFF0, s15;
	v57 =	vmul.f32 v57, v8;
	v54 =	vld.idx.msk [tilespmem:v3+s23+$0x0], $0xffff;
	v3 =	vmul.f32 v59, v12;
	v59 =	vor.u32 $0x1, v11  }
0x13e: {  	v41 =	vmul.f32 v41, v12;
	v18 =	vmov s18;
	v53 =	vld.idx.msk [tilespmem:v2+s23+$0x0], $0xffff;
	v2 =	vor.u32 $0x5, v11  }
0x13f: {  	v57 =	vadd.f32 $0.0e+00, v57;
	v56 =	vld.idx.msk [tilespmem:v4+s23+$0x0], $0xffff;
	v19 =	vshll.u32 v18, $0x3  }
0x140: {  	v41 =	vadd.f32 v41, v61;
	v5 =	vor.u32 v15, v19;
	v61 =	vmov v15;
	v15 =	vld [tilespmem:$0x1FF40]  }
0x141: {  	v57 =	vadd.f32 v3, v57;
	v3 =	vor.u32 $0x4, v11;
	v62 =	vld.idx.msk [tilespmem:v62+s23+$0x0], $0xffff  }
0x142: {  	v6 =	vadd.f32 v7, v6;
	v24 =	vor.u32 $0x1, v5;
	v7 =	vmul.f32 v63, v25;
	v59 =	vld.idx.msk [tilespmem:v59+s23+$0x0], $0xffff  }
0x143: {  	v26 =	vor.u32 $0x2, v5;
	v2 =	vld.idx.msk [tilespmem:v2+s23+$0x0], $0xffff  }
0x144: {  	v4 =	vor.u32 $0x3, v5;
	v6 =	vadd.f32 v7, v6;
	v7 =	vld.idx.msk [tilespmem:v11+s23+$0x0], $0xffff  }
0x145: {  	v0 =	vor.u32 $0x4, v5;
	v60 =	vld.idx.msk [tilespmem:v5+s23+$0x0], $0xffff  }
0x146: {  	v9 =	vor.u32 $0x5, v5;
	v3 =	vld.idx.msk [tilespmem:v3+s23+$0x0], $0xffff  }
0x147: {  	v10 =	vor.u32 $0x6, v5;
	v18 =	vld.idx.msk [tilespmem:v24+s23+$0x0], $0xffff  }
0x148: {  	v1 =	vmov s16;
	v26 =	vld.idx.msk [tilespmem:v26+s23+$0x0], $0xffff  }
0x149: {  	v1 =	vshrl.u32 v1, $0x3;
	v63 =	vor.u32 $0x3, v11;
	v24 =	vld.idx.msk [tilespmem:v4+s23+$0x0], $0xffff  }
0x14a: {  	v1 =	vshll.u32 v1, $0x3;
	v5 =	vor.u32 $0x7, v5;
	v19 =	vld.idx.msk [tilespmem:v0+s23+$0x0], $0xffff;
	v4 =	vmul.f32 v27, v8  }
0x14b: {  	v9 =	vld.idx.msk [tilespmem:v9+s23+$0x0], $0xffff;
	v27 =	vbroadcast v1, $0x0;
	v1 =	vor.u32 $0x6, v11;
	v60 =	vmul.f32 v60, v34  }
0x14c: {  	v10 =	vld.idx.msk [tilespmem:v10+s23+$0x0], $0xffff  }
0x14d: {  	v6 =	vadd.f32 v60, v6;
	v60 =	vmul.f32 v21, v8;
	v21 =	vld [tilespmem:$0x1FF10]  }
0x14e: {  	v11 =	vor.u32 $0x7, v11;
	v63 =	vld.idx.msk [tilespmem:v63+s23+$0x0], $0xffff  }
0x14f: {  	v0 =	vor.u32 v16, v27;
	v7 =	vmul.f32 v7, v51;
	v5 =	vld.idx.msk [tilespmem:v5+s23+$0x0], $0xffff  }
0x150: {  	v58 =	vmul.f32 v58, v8;
	v20 =	vmul.f32 v20, v8;
	v1 =	vld.idx.msk [tilespmem:v1+s23+$0x0], $0xffff  }
0x151: {  	v39 =	vmul.f32 v39, v12;
	v22 =	vmul.f32 v22, v12;
	v6 =	vadd.f32 v7, v6;
	v7 =	vld [tilespmem:$0x1FF20]  }
0x152: {  	v58 =	vadd.f32 $0.0e+00, v58;
	v32 =	vmul.f32 v32, v14;
	v8 =	vmul.f32 v21, v8;
	v21 =	vld [tilespmem:$0x1FF30]  }
0x153: {  	v20 =	vadd.f32 $0.0e+00, v20;
	v2 =	vmul.f32 v2, v51;
	v3 =	vmul.f32 v3, v51;
	v11 =	vld.idx.msk [tilespmem:v11+s23+$0x0], $0xffff  }
0x154: {  	v18 =	vmul.f32 v18, v34;
	[tilespmem:v0+s28+$0x0] =	vst.idx.msk $0xffff, v6;
	v0 =	vmul.f32 v15, v12;
	v8 =	vadd.f32 $0.0e+00, v8  }
0x155: {  	v39 =	vadd.f32 v39, v58;
	v9 =	vmul.f32 v9, v34;
	v10 =	vmul.f32 v10, v34  }
0x156: {  	v5 =	vmul.f32 v5, v34;
	v6 =	vadd.f32 $0.0e+00, v60;
	v0 =	vadd.f32 v0, v8;
	v8 =	vld [tilespmem:$0x1FF60]  }
0x157: {  	v4 =	vadd.f32 $0.0e+00, v4;
	v7 =	vmul.f32 v7, v12;
	v58 =	vmul.f32 v21, v12  }
0x158: {  	v60 =	vmovc v16;
	v15 =	vmul.f32 v23, v13;
	v16 =	vmul.f32 v31, v13;
	v6 =	vadd.f32 v22, v6  }
0x159: {  	v1 =	vmul.f32 v1, v51;
	v4 =	vadd.f32 v7, v4;
	v7 =	vadd.f32 v58, v20;
	v58 =	vld [tilespmem:$0x1FF50]  }
0x15a: {  	v20 =	vadd.f32 v15, v41;
	v41 =	vmul.f32 v36, v14;
	v36 =	vmul.f32 v46, v17  }
0x15b: {  	v6 =	vadd.f32 v16, v6;
	v46 =	vmul.f32 v56, v25;
	v8 =	vmul.f32 v8, v13  }
0x15c: {  	v16 =	vadd.f32 v41, v20;
	v41 =	vmul.f32 v50, v25;
	v50 =	vmul.f32 v26, v34  }
0x15d: {  	v8 =	vadd.f32 v8, v39;
	v39 =	vmul.f32 v33, v14;
	v33 =	vmul.f32 v42, v17  }
0x15e: {  	v42 =	vmul.f32 v55, v25;
	v12 =	vmul.f32 v58, v13  }
0x15f: {  	v58 =	vmul.f32 v29, v13;
	v8 =	vadd.f32 v39, v8;
	v39 =	vmul.f32 v44, v17  }
0x160: {  	v44 =	vmul.f32 v53, v25;
	v12 =	vadd.f32 v12, v57;
	v57 =	vmul.f32 v28, v13  }
0x161: {  	v53 =	vmul.f32 v19, v34;
	v13 =	vmul.f32 v30, v13  }
0x162: {  	v7 =	vadd.f32 v58, v7;
	v58 =	vmul.f32 v40, v14;
	v4 =	vadd.f32 v57, v4  }
0x163: {  	v0 =	vadd.f32 v13, v0;
	v12 =	vadd.f32 v32, v12;
	v57 =	vmul.f32 v37, v14  }
0x164: {  	v32 =	vmul.f32 v38, v14;
	v7 =	vadd.f32 v58, v7;
	v14 =	vmul.f32 v35, v14  }
0x165: {  	v35 =	vmul.f32 v43, v17;
	v37 =	vmul.f32 v48, v17;
	v13 =	vadd.f32 v36, v16  }
0x166: {  	v38 =	vmul.f32 v47, v17;
	v4 =	vadd.f32 v57, v4;
	v6 =	vadd.f32 v32, v6  }
0x167: {  	v17 =	vmul.f32 v45, v17;
	v0 =	vadd.f32 v14, v0;
	v12 =	vadd.f32 v33, v12  }
0x168: {  	v45 =	vmul.f32 v54, v25;
	v8 =	vadd.f32 v35, v8;
	v6 =	vadd.f32 v39, v6  }
0x169: {  	v28 =	vld [tilespmem:$0x1FFB0];
	v40 =	vmul.f32 v49, v25;
	v7 =	vadd.f32 v38, v7;
	v13 =	vadd.f32 v42, v13  }
0x16a: {  	v43 =	vmul.f32 v52, v25;
	v47 =	vld [tilespmem:$0x1FFF0];
	v4 =	vadd.f32 v37, v4;
	v6 =	vadd.f32 v45, v6  }
0x16b: {  	v31 =	vld [tilespmem:$0x1FFE0];
	v52 =	vmul.f32 v24, v34;
	v0 =	vadd.f32 v17, v0;
	v12 =	vadd.f32 v40, v12  }
0x16c: {  	v8 =	vadd.f32 v41, v8;
	v6 =	vadd.f32 v10, v6;
	v10 =	vmul.f32 v63, v51;
	v63 =	vld [tilespmem:$0x1FFA0]  }
0x16d: {  	v29 =	vld [tilespmem:$0x1FFC0];
	v49 =	vmul.f32 v59, v51;
	v7 =	vadd.f32 v44, v7;
	v13 =	vadd.f32 v52, v13  }
0x16e: {  	v30 =	vld [tilespmem:$0x1FFD0];
	v56 =	vadd.s32 v28, v27;
	v4 =	vadd.f32 v43, v4;
	v12 =	vadd.f32 v18, v12  }
0x16f: {  	v57 =	vld [tilespmem:$0x1FF70];
	v48 =	vadd.s32 v47, v27;
	v0 =	vadd.f32 v46, v0;
	v8 =	vadd.f32 v50, v8  }
0x170: {  	v7 =	vadd.f32 v9, v7;
	v9 =	vmul.f32 v62, v51;
	v12 =	vadd.f32 v49, v12  }
0x171: {  	v59 =	vld [tilespmem:$0x1FF80];
	v4 =	vadd.f32 v53, v4;
	v0 =	vadd.f32 v5, v0;
	v54 =	vadd.s32 v63, v27  }
0x172: {  	v55 =	vadd.f32 v9, v8;
	v2 =	vadd.f32 v2, v7;
	v7 =	vadd.s32 v29, v27  }
0x173: {  	v62 =	vld [tilespmem:$0x1FF90];
	v9 =	vmul.f32 v11, v51;
	v11 =	vadd.s32 v31, v27;
	v8 =	vadd.f32 v10, v13  }
0x174: {  	v3 =	vadd.f32 v3, v4;
	v5 =	vmul.f32 v55, v57;
	v10 =	vadd.s32 v30, v27  }
0x175: {  	[tilespmem:v48+s28+$0x0] =	vst.idx.msk $0xffff, v12;
	v1 =	vadd.f32 v1, v6;
	v58 =	vmul.f32 v8, v57;
	v8 =	vor.u32 $0x7, v60  }
0x176: {  	p0 =	sne.s32 s15, $0x7F0;
	v3 =	vmul.f32 v3, v59;
	v6 =	vadd.s32 v8, v27;
	[tilespmem:v54+s28+$0x0] =	vst.idx.msk $0xffff, v5  }
.Ltmp2:
0x177: {  	v0 =	vadd.f32 v9, v0;
	v2 =	vmul.f32 v2, v59;
	[tilespmem:v56+s28+$0x0] =	vst.idx.msk $0xffff, v58;
	(pc) =	sbr.rel @p0 .LBB2_7-.Ltmp2, $4  }
0x178: {  	v1 =	vmul.f32 v1, v62;
	[tilespmem:v7+s28+$0x0] =	vst.idx.msk $0xffff, v3  }
0x179: {  	v0 =	vmul.f32 v0, v62;
	[tilespmem:v10+s28+$0x0] =	vst.idx.msk $0xffff, v2  }
0x17a: {  	[tilespmem:v11+s28+$0x0] =	vst.idx.msk $0xffff, v1  }
0x17b: {  	s15 =	sadd.s32 $0x80, s15;
	s16 =	sadd.s32 $0x8, s16;
	s17 =	sadd.s32 $0x80, s17;
	[tilespmem:v6+s28+$0x0] =	vst.idx.msk $0xffff, v0  }
0x17c: {  	s15 =	sadd.s32 s3, s0  }
0x17d: {  	p0 =	seq.s32 s31, $0x7F;
	s15 =	sshll.u32 s15, $0x4  }
.Ltmp3:
0x17e: {  	s15 =	sadd.s32 s6, s15;
	(pc) =	sbr.rel @p0 .LBB2_12-.Ltmp3, $4  }
0x17f: {  	[hbm4b:s15+s2] =	stream.linear.scatter [tilespmem:s28], [sflag:$0x2], $0x800, $0x38;
	[tilespmem:$0x10810] =	vst v63  }
0x180: {  	_ =	swait.ge [sflag:s14], $0x800  }
0x181: {  	[sflag:s14] =	ssyncset.done $0x0  }
0x182: {  	v62 =	vld [tilespmem:$0x1FFF0];
	[sflag:s14] =	ssyncadd.s32 $0xFFFFF800  }
0x183: {  	s15 =	simm.s32 $0x0  }
0x184: {  	v0 =	vmov s15;
	_ =	sdelay $0x2  }
0x185: {  	v9 =	vld [tilespmem:s0+$0x20]  }
0x186: {  	v10 =	vld [tilespmem:s0+$0x1020]  }
0x187: {  	v0 =	vld.idx.msk [tilespmem:v0+s20+$0x0], $0xffff  }
0x188: {  	v11 =	vld [tilespmem:s0+$0x2020];
	_ =	sdelay $0x3  }
0x189: {  	v1 =	vmul.f32 v0, v9  }
0x18a: {  	v2 =	vmul.f32 v0, v10;
	v0 =	vmul.f32 v0, v11  }
0x18b: {  	v3 =	vtrunc.f32 v1  }
0x18c: {  	v4 =	vtrunc.f32 v2;
	v5 =	vtrunc.f32 v0  }
0x18d: {  	v4 =	vcvt.f32.s32 v4;
	v5 =	vcvt.f32.s32 v5  }
0x18e: {  	v3 =	vcvt.f32.s32 v3  }
0x18f: {  	v6 =	vcvt.s32.f32 v4;
	v7 =	vcvt.s32.f32 v5  }
0x190: {  	v12 =	vcvt.s32.f32 v3  }
0x191: {  	v2 =	vsub.f32 v2, v6;
	v0 =	vsub.f32 v0, v7  }
0x192: {  	v4 =	vmul.u32 $0x9E3779B1, v4;
	v5 =	vmul.u32 $0x30025795, v5;
	v1 =	vsub.f32 v1, v12  }
0x193: {  	v6 =	vsub.f32 $1.000000000e+00, v2;
	v7 =	vsub.f32 $1.000000000e+00, v0  }
0x194: {  	v12 =	vadd.s32 $0x9E3779B1, v4;
	v13 =	vadd.s32 $0x30025795, v5;
	v14 =	vxor.u32 v3, v4  }
0x195: {  	v17 =	vxor.u32 v5, v14;
	v15 =	vsub.f32 $1.000000000e+00, v1;
	v16 =	vmul.f32 v7, v6  }
0x196: {  	v14 =	vxor.u32 v13, v14;
	v18 =	vxor.u32 v3, v12;
	v17 =	vand.u32 $0xFFFF, v17  }
0x197: {  	s0 =	simm.s32 $0x6050;
	v17 =	vor.u32 s15, v17;
	v6 =	vmul.f32 v6, v0;
	v19 =	vmul.f32 v16, v15  }
0x198: {  	s16 =	simm.s32 $0x7050;
	v14 =	vand.u32 $0xFFFF, v14;
	v49 =	vxor.u32 v5, v18;
	[tilespmem:s0+$0xFFFFFFC0] =	vst v17  }
0x199: {  	v14 =	vor.u32 s15, v14;
	v7 =	vmul.f32 v7, v2;
	v50 =	vmul.f32 v6, v15;
	[tilespmem:s16+$0xFFFFFFC0] =	vst v19  }
0x19a: {  	v3 =	vadd.s32 $0x1, v3;
	v51 =	vxor.u32 v13, v18;
	[tilespmem:s0+$0xFFFFFFD0] =	vst v14;
	v14 =	vand.u32 $0xFFFF, v49  }
0x19b: {  	v0 =	vmul.f32 v0, v2;
	[tilespmem:s16+$0xFFFFFFD0] =	vst v50;
	v52 =	vor.u32 s15, v14;
	v14 =	vmul.f32 v7, v15  }
0x19c: {  	v4 =	vxor.u32 v4, v3;
	v53 =	vand.u32 $0xFFFF, v51;
	[tilespmem:s0+$0xFFFFFFE0] =	vst v52  }
0x19d: {  	v2 =	vor.u32 s15, v53;
	[tilespmem:s16+$0xFFFFFFE0] =	vst v14;
	v14 =	vmul.f32 v0, v15;
	v15 =	vxor.u32 v5, v4  }
0x19e: {  	[tilespmem:s0+$0xFFFFFFF0] =	vst v2;
	v54 =	vand.u32 $0xFFFF, v15  }
0x19f: {  	v4 =	vxor.u32 v13, v4;
	[tilespmem:s16+$0xFFFFFFF0] =	vst v14;
	v2 =	vor.u32 s15, v54;
	v14 =	vmul.f32 v16, v1  }
0x1a0: {  	v3 =	vxor.u32 v3, v12;
	v55 =	vand.u32 $0xFFFF, v4;
	[tilespmem:s0+$0x0] =	vst v2  }
0x1a1: {  	s17 =	simm.s32 $0x1;
	v56 =	vmul.f32 v6, v1;
	v5 =	vxor.u32 v5, v3;
	v2 =	vor.u32 s15, v55;
	[tilespmem:s16+$0x0] =	vst v14  }
0x1a2: {  	v58 =	vmov s17;
	v57 =	vand.u32 $0xFFFF, v5;
	[tilespmem:s0+$0x10] =	vst v2  }
0x1a3: {  	v6 =	vmul.f32 v7, v1;
	v3 =	vxor.u32 v13, v3;
	v2 =	vor.u32 s15, v57;
	[tilespmem:s16+$0x10] =	vst v56  }
0x1a4: {  	v3 =	vand.u32 $0xFFFF, v3;
	[tilespmem:s0+$0x20] =	vst v2  }
0x1a5: {  	v0 =	vmul.f32 v0, v1;
	v59 =	vor.u32 s15, v3;
	[tilespmem:s16+$0x20] =	vst v6  }
0x1a6: {  	[tilespmem:s0+$0x30] =	vst v59  }
0x1a7: {  	[tilespmem:s16+$0x30] =	vst v0  }
0x1a8: {  	v0 =	vld.idx.msk [tilespmem:v58+s20+$0x0], $0xffff;
	_ =	sdelay $0x4  }
0x1a9: {  	v12 =	vmul.f32 v0, v9  }
0x1aa: {  	s17 =	simm.s32 $0x2;
	v13 =	vmul.f32 v0, v10;
	v14 =	vmul.f32 v0, v11  }
.LBB2_10:
0x1ab: {  	p0 =	sne.s32 s17, $0xF;
	v0 =	vtrunc.f32 v12  }
0x1ac: {  	v1 =	vtrunc.f32 v13;
	v2 =	vtrunc.f32 v14  }
0x1ad: {  	v1 =	vcvt.f32.s32 v1;
	v2 =	vcvt.f32.s32 v2  }
0x1ae: {  	v0 =	vcvt.f32.s32 v0  }
0x1af: {  	v3 =	vcvt.s32.f32 v1;
	v4 =	vcvt.s32.f32 v2  }
0x1b0: {  	v5 =	vcvt.s32.f32 v0  }
0x1b1: {  	v3 =	vsub.f32 v13, v3;
	v4 =	vsub.f32 v14, v4  }
0x1b2: {  	v1 =	vmul.u32 $0x9E3779B1, v1;
	v2 =	vmul.u32 $0x30025795, v2;
	v5 =	vsub.f32 v12, v5  }
0x1b3: {  	v6 =	vsub.f32 $1.000000000e+00, v3;
	v7 =	vsub.f32 $1.000000000e+00, v4  }
0x1b4: {  	v12 =	vadd.s32 $0x9E3779B1, v1;
	v13 =	vadd.s32 $0x30025795, v2;
	v14 =	vxor.u32 v0, v1  }
0x1b5: {  	v15 =	vsub.f32 $1.000000000e+00, v5;
	v17 =	vxor.u32 v2, v14;
	v16 =	vmul.f32 v7, v6  }
0x1b6: {  	s15 =	sadd.s32 $0x10000, s15;
	v14 =	vxor.u32 v13, v14;
	v18 =	vxor.u32 v0, v12;
	v17 =	vand.u32 $0xFFFF, v17  }
0x1b7: {  	s0 =	sadd.s32 $0x80, s0;
	v17 =	vor.u32 s15, v17;
	v6 =	vmul.f32 v6, v4;
	v19 =	vmul.f32 v16, v15  }
0x1b8: {  	s16 =	sadd.s32 $0x80, s16;
	v14 =	vand.u32 $0xFFFF, v14;
	[tilespmem:s0+$0xFFFFFFC0] =	vst v17;
	v17 =	vxor.u32 v2, v18  }
0x1b9: {  	v14 =	vor.u32 s15, v14;
	v7 =	vmul.f32 v7, v3;
	[tilespmem:s16+$0xFFFFFFC0] =	vst v19;
	v19 =	vmul.f32 v6, v15  }
0x1ba: {  	v0 =	vadd.s32 $0x1, v0;
	[tilespmem:s0+$0xFFFFFFD0] =	vst v14;
	v14 =	vand.u32 $0xFFFF, v17;
	v17 =	vxor.u32 v13, v18  }
0x1bb: {  	v3 =	vmul.f32 v4, v3;
	[tilespmem:s16+$0xFFFFFFD0] =	vst v19;
	v4 =	vor.u32 s15, v14;
	v14 =	vmul.f32 v7, v15  }
0x1bc: {  	v1 =	vxor.u32 v1, v0;
	v7 =	vmul.f32 v7, v5;
	[tilespmem:s0+$0xFFFFFFE0] =	vst v4;
	v4 =	vand.u32 $0xFFFF, v17  }
0x1bd: {  	[tilespmem:s16+$0xFFFFFFE0] =	vst v14;
	v4 =	vor.u32 s15, v4;
	v14 =	vmul.f32 v3, v15;
	v15 =	vxor.u32 v2, v1  }
0x1be: {  	v3 =	vmul.f32 v3, v5;
	[tilespmem:s0+$0xFFFFFFF0] =	vst v4;
	v4 =	vand.u32 $0xFFFF, v15  }
0x1bf: {  	v1 =	vxor.u32 v13, v1;
	[tilespmem:s16+$0xFFFFFFF0] =	vst v14;
	v4 =	vor.u32 s15, v4;
	v14 =	vmul.f32 v16, v5  }
0x1c0: {  	v0 =	vxor.u32 v0, v12;
	v1 =	vand.u32 $0xFFFF, v1;
	[tilespmem:s0+$0x0] =	vst v4  }
0x1c1: {  	v2 =	vxor.u32 v2, v0;
	v1 =	vor.u32 s15, v1;
	v4 =	vmul.f32 v6, v5;
	[tilespmem:s16+$0x0] =	vst v14  }
0x1c2: {  	v0 =	vxor.u32 v13, v0;
	[tilespmem:s0+$0x10] =	vst v1;
	v1 =	vand.u32 $0xFFFF, v2  }
0x1c3: {  	v0 =	vand.u32 $0xFFFF, v0;
	v2 =	vmov s17;
	[tilespmem:s16+$0x10] =	vst v4;
	v1 =	vor.u32 s15, v1  }
0x1c4: {  	v0 =	vor.u32 s15, v0;
	[tilespmem:s0+$0x20] =	vst v1  }
0x1c5: {  	[tilespmem:s16+$0x20] =	vst v7  }
0x1c6: {  	[tilespmem:s0+$0x30] =	vst v0  }
0x1c7: {  	[tilespmem:s16+$0x30] =	vst v3  }
0x1c8: {  	v0 =	vld.idx.msk [tilespmem:v2+s20+$0x0], $0xffff;
	_ =	sdelay $0x2  }
.Ltmp4:
0x1c9: {  	(pc) =	sbr.rel @p0 .LBB2_10-.Ltmp4, $3  }
0x1ca: {  	_ =	sdelay $0x1  }
0x1cb: {  	v12 =	vmul.f32 v0, v9  }
0x1cc: {  	s17 =	sadd.s32 $0x1, s17;
	v13 =	vmul.f32 v0, v10;
	v14 =	vmul.f32 v0, v11  }
0x1cd: {  	v0 =	vtrunc.f32 v12  }
0x1ce: {  	v1 =	vtrunc.f32 v13;
	v2 =	vtrunc.f32 v14  }
0x1cf: {  	v1 =	vcvt.f32.s32 v1;
	v2 =	vcvt.f32.s32 v2  }
0x1d0: {  	v0 =	vcvt.f32.s32 v0  }
0x1d1: {  	v3 =	vcvt.s32.f32 v1;
	v4 =	vcvt.s32.f32 v2  }
0x1d2: {  	v5 =	vcvt.s32.f32 v0  }
0x1d3: {  	v3 =	vsub.f32 v13, v3;
	v4 =	vsub.f32 v14, v4  }
0x1d4: {  	v1 =	vmul.u32 $0x9E3779B1, v1;
	v2 =	vmul.u32 $0x30025795, v2;
	v5 =	vsub.f32 v12, v5  }
0x1d5: {  	v6 =	vsub.f32 $1.000000000e+00, v3;
	v7 =	vsub.f32 $1.000000000e+00, v4  }
0x1d6: {  	v9 =	vadd.s32 $0x9E3779B1, v1;
	v10 =	vadd.s32 $0x30025795, v2;
	v11 =	vxor.u32 v0, v1  }
0x1d7: {  	v12 =	vsub.f32 $1.000000000e+00, v5;
	v48 =	vxor.u32 v2, v11;
	v47 =	vmul.f32 v7, v6  }
0x1d8: {  	s15 =	sadd.s32 $0x10000, s15;
	v11 =	vxor.u32 v10, v11;
	v15 =	vxor.u32 v0, v9;
	v14 =	vand.u32 $0xFFFF, v48  }
0x1d9: {  	s0 =	sadd.s32 $0x80, s0;
	v14 =	vor.u32 s15, v14;
	v6 =	vmul.f32 v6, v4;
	v16 =	vmul.f32 v47, v12  }
0x1da: {  	s16 =	sadd.s32 $0x80, s16;
	v11 =	vand.u32 $0xFFFF, v11;
	v49 =	vxor.u32 v2, v15;
	[tilespmem:s0+$0xFFFFFFC0] =	vst v14  }
0x1db: {  	v11 =	vor.u32 s15, v11;
	v7 =	vmul.f32 v7, v3;
	v50 =	vmul.f32 v6, v12;
	[tilespmem:s16+$0xFFFFFFC0] =	vst v16  }
0x1dc: {  	v0 =	vadd.s32 $0x1, v0;
	v51 =	vxor.u32 v10, v15;
	[tilespmem:s0+$0xFFFFFFD0] =	vst v11;
	v11 =	vand.u32 $0xFFFF, v49  }
0x1dd: {  	v3 =	vmul.f32 v4, v3;
	[tilespmem:s16+$0xFFFFFFD0] =	vst v50;
	v52 =	vor.u32 s15, v11;
	v11 =	vmul.f32 v7, v12  }
0x1de: {  	v1 =	vxor.u32 v1, v0;
	v53 =	vand.u32 $0xFFFF, v51;
	[tilespmem:s0+$0xFFFFFFE0] =	vst v52  }
0x1df: {  	v54 =	vxor.u32 v2, v1;
	v4 =	vor.u32 s15, v53;
	[tilespmem:s16+$0xFFFFFFE0] =	vst v11;
	v11 =	vmul.f32 v3, v12  }
0x1e0: {  	v55 =	vand.u32 $0xFFFF, v54;
	[tilespmem:s0+$0xFFFFFFF0] =	vst v4  }
0x1e1: {  	v1 =	vxor.u32 v10, v1;
	v4 =	vor.u32 s15, v55;
	[tilespmem:s16+$0xFFFFFFF0] =	vst v11;
	v11 =	vmul.f32 v47, v5  }
0x1e2: {  	v0 =	vxor.u32 v0, v9;
	v1 =	vand.u32 $0xFFFF, v1;
	[tilespmem:s0+$0x0] =	vst v4  }
0x1e3: {  	v2 =	vxor.u32 v2, v0;
	v1 =	vor.u32 s15, v1;
	v56 =	vmul.f32 v6, v5;
	[tilespmem:s16+$0x0] =	vst v11  }
0x1e4: {  	v57 =	vand.u32 $0xFFFF, v2;
	[tilespmem:s0+$0x10] =	vst v1  }
0x1e5: {  	v0 =	vxor.u32 v10, v0;
	v58 =	vmul.f32 v7, v5;
	v1 =	vor.u32 s15, v57;
	[tilespmem:s16+$0x10] =	vst v56  }
0x1e6: {  	v0 =	vand.u32 $0xFFFF, v0;
	[tilespmem:s0+$0x20] =	vst v1  }
0x1e7: {  	v0 =	vor.u32 s15, v0;
	v59 =	vmul.f32 v3, v5;
	[tilespmem:s16+$0x20] =	vst v58  }
0x1e8: {  	[tilespmem:s0+$0x30] =	vst v0  }
0x1e9: {  	[tilespmem:s16+$0x30] =	vst v59  }
0x1ea: {  	[tilespmem:s23], [sflag:$0x1] =	stream.indirect.gather [hbm4b:s5+s21], $0x8, s22, s21, $0xb8;
	[tilespmem:$0x10810] =	vst v63  }
.LBB2_12:
0x1eb: {  	_ =	swait.ge [sflag:s26], $0x4000  }
0x1ec: {  	[sflag:s26] =	ssyncset.done $0x0  }
0x1ed: {  	[sflag:s26] =	ssyncadd.s32 $0xFFFFC000  }
0x1ee: {  	v9 =	vld [tilespmem:s1+$0x3000]  }
0x1ef: {  	v10 =	vld [tilespmem:s1+$0x4000]  }
0x1f0: {  	s0 =	simm.s32 $0x70;
	s15 =	simm.s32 $0x0;
	s16 =	simm.s32 $0x7850;
	v11 =	vld [tilespmem:s1+$0x5000]  }
.LBB2_13:
0x1f1: {  	s17 =	sadd.s32 $0xFFFFFF90, s0  }
0x1f2: {  	s18 =	sadd.s32 $0xFFFFFFA0, s0;
	v0 =	vmov s17  }
0x1f3: {  	v13 =	vmov s18;
	v0 =	vshll.u32 v0, $0x3  }
0x1f4: {  	v13 =	vshll.u32 v13, $0x3;
	v0 =	vor.u32 v61, v0  }
0x1f5: {  	v47 =	vor.u32 v61, v13  }
0x1f6: {  	v1 =	vor.u32 $0x1, v0  }
0x1f7: {  	v12 =	vld [tilespmem:s16+$0xFFFFFFC0];
	v2 =	vor.u32 $0x2, v0  }
0x1f8: {  	v13 =	vld [tilespmem:s16+$0xFFFFFFD0];
	v3 =	vor.u32 $0x3, v0  }
0x1f9: {  	v4 =	vor.u32 $0x4, v0;
	v5 =	vld.idx.msk [tilespmem:v0+s25+$0x0], $0xffff  }
0x1fa: {  	v6 =	vor.u32 $0x5, v0;
	v35 =	vld.idx.msk [tilespmem:v47+s25+$0x0], $0xffff  }
0x1fb: {  	v7 =	vor.u32 $0x6, v0;
	v1 =	vld.idx.msk [tilespmem:v1+s25+$0x0], $0xffff  }
0x1fc: {  	v14 =	vor.u32 $0x4, v47;
	v2 =	vld.idx.msk [tilespmem:v2+s25+$0x0], $0xffff  }
0x1fd: {  	s18 =	sadd.s32 $0xFFFFFFB0, s0;
	v18 =	vor.u32 $0x5, v47;
	v3 =	vld.idx.msk [tilespmem:v3+s25+$0x0], $0xffff  }
0x1fe: {  	v20 =	vmov s18;
	v19 =	vor.u32 $0x6, v47;
	v23 =	vld.idx.msk [tilespmem:v4+s25+$0x0], $0xffff  }
0x1ff: {  	v20 =	vshll.u32 v20, $0x3;
	v15 =	vld.idx.msk [tilespmem:v6+s25+$0x0], $0xffff  }
0x200: {  	v21 =	vor.u32 v61, v20;
	v16 =	vld.idx.msk [tilespmem:v7+s25+$0x0], $0xffff  }
0x201: {  	v24 =	vor.u32 $0x1, v21;
	v22 =	vld.idx.msk [tilespmem:v14+s25+$0x0], $0xffff  }
0x202: {  	s18 =	sadd.s32 $0xFFFFFFC0, s0;
	v25 =	vor.u32 $0x2, v21;
	v18 =	vld.idx.msk [tilespmem:v18+s25+$0x0], $0xffff  }
0x203: {  	v50 =	vmov s18;
	s18 =	sadd.s32 $0xFFFFFFD0, s0;
	v49 =	vor.u32 $0x3, v21;
	v20 =	vld.idx.msk [tilespmem:v19+s25+$0x0], $0xffff  }
0x204: {  	v53 =	vmov s18;
	v26 =	vor.u32 $0x4, v21;
	v14 =	vld [tilespmem:s16+$0xFFFFFFE0]  }
0x205: {  	v27 =	vor.u32 $0x5, v21;
	v54 =	vshll.u32 v53, $0x3;
	v41 =	vld.idx.msk [tilespmem:v21+s25+$0x0], $0xffff  }
0x206: {  	v28 =	vor.u32 $0x6, v21;
	v36 =	vor.u32 v61, v54;
	v42 =	vld.idx.msk [tilespmem:v24+s25+$0x0], $0xffff  }
0x207: {  	v37 =	vor.u32 $0x1, v36;
	v44 =	vld.idx.msk [tilespmem:v25+s25+$0x0], $0xffff  }
0x208: {  	v38 =	vor.u32 $0x2, v36;
	v24 =	vld.idx.msk [tilespmem:v49+s25+$0x0], $0xffff  }
0x209: {  	v39 =	vor.u32 $0x4, v36;
	v25 =	vld.idx.msk [tilespmem:v26+s25+$0x0], $0xffff  }
0x20a: {  	v40 =	vor.u32 $0x5, v36;
	v26 =	vld.idx.msk [tilespmem:v27+s25+$0x0], $0xffff  }
0x20b: {  	v43 =	vor.u32 $0x6, v36;
	v27 =	vld.idx.msk [tilespmem:v28+s25+$0x0], $0xffff  }
0x20c: {  	v0 =	vor.u32 $0x7, v0;
	v49 =	vld.idx.msk [tilespmem:v37+s25+$0x0], $0xffff  }
0x20d: {  	v48 =	vor.u32 $0x3, v47;
	v51 =	vshll.u32 v50, $0x3;
	v50 =	vld.idx.msk [tilespmem:v38+s25+$0x0], $0xffff  }
0x20e: {  	v37 =	vld.idx.msk [tilespmem:v39+s25+$0x0], $0xffff  }
0x20f: {  	v38 =	vld.idx.msk [tilespmem:v40+s25+$0x0], $0xffff  }
0x210: {  	v6 =	vor.u32 $0x1, v47;
	v39 =	vld.idx.msk [tilespmem:v43+s25+$0x0], $0xffff  }
0x211: {  	v4 =	vor.u32 $0x7, v47;
	v17 =	vld.idx.msk [tilespmem:v0+s25+$0x0], $0xffff  }
0x212: {  	v7 =	vor.u32 $0x2, v47;
	v0 =	vld.idx.msk [tilespmem:v48+s25+$0x0], $0xffff  }
0x213: {  	v21 =	vor.u32 $0x7, v21;
	v48 =	vld.idx.msk [tilespmem:v36+s25+$0x0], $0xffff  }
0x214: {  	v53 =	vmul.f32 v35, v13;
	v35 =	vld [tilespmem:s16+$0x10]  }
0x215: {  	v55 =	vor.u32 $0x3, v36;
	v6 =	vld.idx.msk [tilespmem:v6+s25+$0x0], $0xffff  }
0x216: {  	v19 =	vld.idx.msk [tilespmem:v4+s25+$0x0], $0xffff;
	v4 =	vor.u32 v61, v51  }
0x217: {  	v7 =	vld.idx.msk [tilespmem:v7+s25+$0x0], $0xffff;
	v51 =	vor.u32 $0x7, v36  }
0x218: {  	v28 =	vld.idx.msk [tilespmem:v21+s25+$0x0], $0xffff;
	v30 =	vor.u32 $0x2, v4  }
0x219: {  	v21 =	vld [tilespmem:s16+$0xFFFFFFF0];
	v31 =	vor.u32 $0x3, v4  }
0x21a: {  	v36 =	vld.idx.msk [tilespmem:v55+s25+$0x0], $0xffff;
	v33 =	vor.u32 $0x4, v4  }
0x21b: {  	v34 =	vor.u32 $0x5, v4;
	v45 =	vld.idx.msk [tilespmem:v4+s25+$0x0], $0xffff  }
0x21c: {  	s18 =	sadd.s32 $0xFFFFFFE0, s0;
	v29 =	vor.u32 $0x1, v4;
	v52 =	vor.u32 $0x6, v4;
	v4 =	vor.u32 $0x7, v4;
	v40 =	vld.idx.msk [tilespmem:v51+s25+$0x0], $0xffff  }
0x21d: {  	v56 =	vmov s18;
	v47 =	vld.idx.msk [tilespmem:v30+s25+$0x0], $0xffff  }
0x21e: {  	s18 =	sadd.s32 $0xFFFFFFF0, s0;
	v57 =	vshll.u32 v56, $0x3;
	v5 =	vmul.f32 v5, v12;
	v1 =	vmul.f32 v1, v12;
	v32 =	vld.idx.msk [tilespmem:v31+s25+$0x0], $0xffff  }
0x21f: {  	v58 =	vmov s18;
	v2 =	vmul.f32 v2, v12;
	v3 =	vmul.f32 v3, v12;
	v30 =	vld.idx.msk [tilespmem:v33+s25+$0x0], $0xffff  }
0x220: {  	v56 =	vmul.f32 v41, v14;
	v5 =	vadd.f32 $0.0e+00, v5;
	v42 =	vmul.f32 v42, v14;
	v31 =	vld.idx.msk [tilespmem:v34+s25+$0x0], $0xffff  }
0x221: {  	v1 =	vadd.f32 $0.0e+00, v1;
	v6 =	vmul.f32 v6, v13;
	v34 =	vld.idx.msk [tilespmem:v4+s25+$0x0], $0xffff;
	v4 =	vor.u32 v61, v57  }
0x222: {  	v59 =	vmul.f32 v44, v14;
	v2 =	vadd.f32 $0.0e+00, v2;
	v33 =	vld.idx.msk [tilespmem:v52+s25+$0x0], $0xffff;
	v52 =	vor.u32 $0x1, v4  }
0x223: {  	v3 =	vadd.f32 $0.0e+00, v3;
	v46 =	vld.idx.msk [tilespmem:v29+s25+$0x0], $0xffff;
	v1 =	vadd.f32 v6, v1;
	v43 =	vor.u32 $0x2, v4  }
0x224: {  	v5 =	vadd.f32 v53, v5;
	v29 =	vld [tilespmem:s16+$0x0];
	v6 =	vmul.f32 v7, v13;
	v51 =	vor.u32 $0x3, v4  }
0x225: {  	v0 =	vmul.f32 v0, v13;
	v1 =	vadd.f32 v42, v1;
	v42 =	vld [tilespmem:s16+$0x20];
	v54 =	vor.u32 $0x4, v4  }
0x226: {  	v2 =	vadd.f32 v6, v2;
	v6 =	vshll.u32 v58, $0x3;
	v55 =	vor.u32 $0x5, v4;
	v53 =	vld.idx.msk [tilespmem:v4+s25+$0x0], $0xffff  }
0x227: {  	v5 =	vadd.f32 v56, v5;
	v6 =	vor.u32 v61, v6;
	v45 =	vmul.f32 v45, v21;
	v7 =	vld.idx.msk [tilespmem:v52+s25+$0x0], $0xffff  }
0x228: {  	v58 =	vmov s0;
	v2 =	vadd.f32 v59, v2;
	v56 =	vor.u32 $0x5, v6;
	v57 =	vld.idx.msk [tilespmem:v43+s25+$0x0], $0xffff  }
0x229: {  	v47 =	vmul.f32 v47, v21;
	v5 =	vadd.f32 v45, v5;
	v45 =	vor.u32 $0x3, v6;
	v41 =	vld.idx.msk [tilespmem:v51+s25+$0x0], $0xffff  }
0x22a: {  	v58 =	vshll.u32 v58, $0x3;
	v46 =	vmul.f32 v46, v21;
	v52 =	vor.u32 $0x6, v4;
	v43 =	vld.idx.msk [tilespmem:v54+s25+$0x0], $0xffff  }
0x22b: {  	v50 =	vmul.f32 v50, v29;
	v2 =	vadd.f32 v47, v2;
	v44 =	vld.idx.msk [tilespmem:v55+s25+$0x0], $0xffff;
	v51 =	vor.u32 $0x4, v6  }
0x22c: {  	v48 =	vmul.f32 v48, v29;
	v59 =	vmul.f32 v49, v29;
	v54 =	vor.u32 $0x1, v6;
	v55 =	vld.idx.msk [tilespmem:v6+s25+$0x0], $0xffff  }
0x22d: {  	v1 =	vadd.f32 v46, v1;
	v47 =	vor.u32 v61, v58;
	v2 =	vadd.f32 v50, v2;
	v50 =	vld.idx.msk [tilespmem:v56+s25+$0x0], $0xffff  }
0x22e: {  	v23 =	vmul.f32 v23, v12;
	v0 =	vadd.f32 v0, v3;
	v45 =	vld.idx.msk [tilespmem:v45+s25+$0x0], $0xffff  }
0x22f: {  	v5 =	vadd.f32 v48, v5;
	v1 =	vadd.f32 v59, v1;
	v3 =	vld.idx.msk [tilespmem:v52+s25+$0x0], $0xffff;
	v52 =	vor.u32 $0x2, v6  }
0x230: {  	v59 =	vor.u32 $0x6, v47;
	v58 =	vmul.f32 v53, v35;
	v48 =	vld.idx.msk [tilespmem:v51+s25+$0x0], $0xffff;
	v51 =	vor.u32 $0x1, v47  }
0x231: {  	v53 =	vor.u32 $0x2, v47;
	v46 =	vld.idx.msk [tilespmem:v54+s25+$0x0], $0xffff;
	v7 =	vmul.f32 v7, v35;
	v55 =	vmul.f32 v55, v42  }
0x232: {  	v4 =	vor.u32 $0x7, v4;
	v56 =	vld.idx.msk [tilespmem:v47+s25+$0x0], $0xffff;
	v41 =	vmul.f32 v41, v35;
	v43 =	vmul.f32 v43, v35  }
0x233: {  	v54 =	vld [tilespmem:s16+$0x30];
	v44 =	vmul.f32 v44, v35;
	v5 =	vadd.f32 v58, v5;
	v58 =	vmov s15  }
0x234: {  	v1 =	vadd.f32 v7, v1;
	v7 =	vmul.f32 v57, v35;
	v57 =	vor.u32 $0x3, v47;
	v49 =	vld.idx.msk [tilespmem:v52+s25+$0x0], $0xffff  }
0x235: {  	v58 =	vshrl.u32 v58, $0x3;
	v5 =	vadd.f32 v55, v5;
	v52 =	vor.u32 $0x6, v6;
	v51 =	vld.idx.msk [tilespmem:v51+s25+$0x0], $0xffff  }
0x236: {  	v2 =	vadd.f32 v7, v2;
	v7 =	vld.idx.msk [tilespmem:v53+s25+$0x0], $0xffff;
	v6 =	vor.u32 $0x7, v6;
	v46 =	vmul.f32 v46, v42  }
0x237: {  	v4 =	vld.idx.msk [tilespmem:v4+s25+$0x0], $0xffff;
	v55 =	vor.u32 $0x5, v47;
	v58 =	vshll.u32 v58, $0x3;
	v53 =	vor.u32 $0x4, v47  }
0x238: {  	v58 =	vbroadcast v58, $0x0;
	v1 =	vadd.f32 v46, v1;
	v46 =	vmul.f32 v56, v54  }
0x239: {  	v45 =	vmul.f32 v45, v42;
	v47 =	vor.u32 $0x7, v47;
	v56 =	vld.idx.msk [tilespmem:v57+s25+$0x0], $0xffff;
	v49 =	vmul.f32 v49, v42  }
0x23a: {  	v57 =	vor.u32 v60, v58;
	v5 =	vadd.f32 v46, v5;
	v52 =	vld.idx.msk [tilespmem:v52+s25+$0x0], $0xffff;
	v46 =	vmul.f32 v51, v54  }
0x23b: {  	v3 =	vmul.f32 v3, v35;
	v7 =	vmul.f32 v7, v54;
	v6 =	vld.idx.msk [tilespmem:v6+s25+$0x0], $0xffff;
	v2 =	vadd.f32 v49, v2  }
0x23c: {  	v4 =	vmul.f32 v4, v35;
	v51 =	vld.idx.msk [tilespmem:v55+s25+$0x0], $0xffff;
	v1 =	vadd.f32 v46, v1;
	v46 =	vmul.f32 v18, v13  }
0x23d: {  	v49 =	vld.idx.msk [tilespmem:v53+s25+$0x0], $0xffff;
	v18 =	vmul.f32 v27, v14;
	v2 =	vadd.f32 v7, v2;
	v7 =	vmul.f32 v15, v12  }
0x23e: {  	v15 =	vmul.f32 v16, v12;
	v16 =	vld.idx.msk [tilespmem:v59+s25+$0x0], $0xffff;
	v12 =	vmul.f32 v17, v12;
	v17 =	vadd.f32 $0.0e+00, v23  }
0x23f: {  	v23 =	vld.idx.msk [tilespmem:v47+s25+$0x0], $0xffff;
	[tilespmem:v57+s28+$0x0] =	vst.idx.msk $0xffff, v5;
	v47 =	vmul.f32 v20, v13;
	v57 =	vmul.f32 v25, v14  }
0x240: {  	v53 =	vadd.s32 v62, v58;
	v20 =	vmul.f32 v32, v21;
	v25 =	vmul.f32 v31, v21  }
0x241: {  	v55 =	vadd.s32 v63, v58;
	v32 =	vmul.f32 v33, v21;
	v33 =	vmul.f32 v34, v21  }
0x242: {  	v34 =	vmul.f32 v36, v29;
	v36 =	vmul.f32 v37, v29  }
0x243: {  	v37 =	vmul.f32 v38, v29;
	v59 =	vadd.f32 $0.0e+00, v7;
	v7 =	vmul.f32 v22, v13  }
0x244: {  	v38 =	vmul.f32 v39, v29;
	v2 =	vmul.f32 v2, v9;
	v22 =	vadd.f32 $0.0e+00, v15  }
0x245: {  	v12 =	vadd.f32 $0.0e+00, v12;
	[tilespmem:v53+s28+$0x0] =	vst.idx.msk $0xffff, v1;
	v53 =	vadd.f32 v7, v17;
	v7 =	vmul.f32 v19, v13  }
0x246: {  	[tilespmem:v55+s28+$0x0] =	vst.idx.msk $0xffff, v2;
	v5 =	vadd.f32 v46, v59;
	v55 =	vmul.f32 v24, v14  }
0x247: {  	v1 =	vadd.f32 v47, v22;
	v59 =	vmul.f32 v26, v14;
	v7 =	vadd.f32 v7, v12  }
0x248: {  	v14 =	vmul.f32 v28, v14;
	v0 =	vadd.f32 v55, v0;
	v2 =	vadd.f32 v57, v53  }
0x249: {  	v22 =	vmul.f32 v30, v21;
	v5 =	vadd.f32 v59, v5;
	v1 =	vadd.f32 v18, v1  }
0x24a: {  	v39 =	vmul.f32 v40, v29;
	v7 =	vadd.f32 v14, v7;
	v0 =	vadd.f32 v20, v0  }
0x24b: {  	v51 =	vmul.f32 v51, v54;
	v2 =	vadd.f32 v22, v2;
	v5 =	vadd.f32 v25, v5  }
0x24c: {  	v46 =	vmul.f32 v48, v42;
	v1 =	vadd.f32 v32, v1;
	v7 =	vadd.f32 v33, v7  }
0x24d: {  	v40 =	vld [tilespmem:$0x1FFC0];
	v47 =	vmul.f32 v50, v42;
	v0 =	vadd.f32 v34, v0;
	v2 =	vadd.f32 v36, v2  }
0x24e: {  	v19 =	vld [tilespmem:$0x1FFB0];
	v50 =	vmul.f32 v6, v42;
	v5 =	vadd.f32 v37, v5;
	v1 =	vadd.f32 v38, v1  }
0x24f: {  	v24 =	vld [tilespmem:$0x1FFD0];
	v6 =	vmul.f32 v56, v54;
	v7 =	vadd.f32 v39, v7;
	v0 =	vadd.f32 v41, v0  }
0x250: {  	v26 =	vld [tilespmem:$0x1FFE0];
	v53 =	vmul.f32 v16, v54;
	v2 =	vadd.f32 v43, v2;
	v5 =	vadd.f32 v44, v5  }
0x251: {  	v1 =	vadd.f32 v3, v1;
	v4 =	vadd.f32 v4, v7;
	v7 =	vmul.f32 v52, v42  }
0x252: {  	v55 =	vmul.f32 v23, v54;
	v0 =	vadd.f32 v45, v0;
	v2 =	vadd.f32 v46, v2  }
0x253: {  	v52 =	vadd.s32 v19, v58;
	v1 =	vadd.f32 v7, v1;
	v7 =	vmul.f32 v49, v54  }
0x254: {  	v48 =	vadd.f32 v47, v5;
	v0 =	vadd.f32 v6, v0;
	v6 =	vadd.s32 v40, v58  }
0x255: {  	v56 =	vadd.s32 v26, v58;
	v2 =	vadd.f32 v7, v2;
	v7 =	vadd.s32 v24, v58  }
0x256: {  	v4 =	vadd.f32 v50, v4;
	v3 =	vadd.f32 v51, v48;
	v0 =	vmul.f32 v0, v9  }
0x257: {  	p0 =	sne.s32 s0, $0x7F0;
	v57 =	vadd.s32 v8, v58;
	v1 =	vadd.f32 v53, v1;
	v2 =	vmul.f32 v2, v10  }
.Ltmp5:
0x258: {  	v4 =	vadd.f32 v55, v4;
	v58 =	vmul.f32 v3, v10;
	[tilespmem:v52+s28+$0x0] =	vst.idx.msk $0xffff, v0;
	(pc) =	sbr.rel @p0 .LBB2_13-.Ltmp5, $4  }
0x259: {  	v1 =	vmul.f32 v1, v11;
	[tilespmem:v6+s28+$0x0] =	vst.idx.msk $0xffff, v2  }
0x25a: {  	v59 =	vmul.f32 v4, v11;
	[tilespmem:v7+s28+$0x0] =	vst.idx.msk $0xffff, v58  }
0x25b: {  	[tilespmem:v56+s28+$0x0] =	vst.idx.msk $0xffff, v1  }
0x25c: {  	s0 =	sadd.s32 $0x80, s0;
	s16 =	sadd.s32 $0x80, s16;
	s15 =	sadd.s32 $0x8, s15;
	[tilespmem:v57+s28+$0x0] =	vst.idx.msk $0xffff, v59  }
0x25d: {  	s0 =	sadd.s32 s3, s1;
	s31 =	sadd.s32 $0x1, s31  }
0x25e: {  	s0 =	sshll.u32 s0, $0x4;
	p0 =	sne.s32 s31, $0x80  }
.Ltmp6:
0x25f: {  	s0 =	sadd.s32 s6, s0;
	(pc) =	sbr.rel @p0 .LBB2_4-.Ltmp6, $4  }
0x260: {  	[hbm4b:s0+s2] =	stream.linear.scatter [tilespmem:s28], [sflag:$0x2], $0x800, $0x38;
	[tilespmem:$0x10810] =	vst v63  }
0x261: {  	_ =	swait.ge [sflag:s14], $0x800  }
0x262: {  	[sflag:s14] =	ssyncset.done $0x0  }
0x263: {  	[sflag:s14] =	ssyncadd.s32 $0xFFFFF800  }
0x264: {  	s29 =	sadd.s32 $0x1, s29  }
0x265: {  	p0 =	sne.s32 s29, s13  }
.Ltmp7:
0x266: {  	_ = 	snop;
	(pc) =	sbr.rel @p0 .LBB2_1-.Ltmp7, $1  }
0x267: {  	_ =	sdelay $0x3  }
0x268: {  	_ =	sfence.sel $0x180000  }
0x269: {  	[bflag:$0x0] =	sbarrier.arrive $0xFFFF  }
0x26a: {  	_ =	strace $0x90000047  }
0x26b: {  	s0 =	stileid.u32;
	[bflag:$0x2] =	sbarrier.arrive $0xFFFF  }
0x26c: {  	p0 =	sne.s32 s0, $0x0;
	s0 =	rddreg [dreg:$0x2]  }
0x26d: {  	s0 =	sadd.s32 @!p0 $0x100000, s0  }
0x26e: {  	[sflag:s0] =	ssyncadd.tile.s32 @!p0 $0x1;
	_ =	shalt  }
.Lfunc_end2:
_tile_overlayer_lowered:
.L_overlay_start_2:
0x26f: {  	(tag) =	ssettag $0x2  }
0x270: {  	s0 =	rddreg [dreg:$0x0];
	s2 =	stileid.u32  }
0x271: {  	s1 =	rddreg [dreg:$0x1];
	p0 =	sne.s32 s2, $0x0  }
0x272: {  	s3 =	rddreg [dreg:$0x2];
	[bflag:$0x3] =	sbarrier.arrive $0xFFFF;
	s2 =	simm.s32 @!p0 $0x1C02  }
0x273: {  	[timem:s3], [sflag:s2] =	dma.local @!p0 [hbm:s0], s1  }
0x274: {  	s0 =	simm.s32 @!p0 $0x2  }
0x275: {  	_ =	swait.ge @!p0 [sflag:s0], s1  }
0x276: {  	s1 =	ssub.s32 @!p0 $0x0, s1;
	[sflag:s0] =	ssyncset.done @!p0 $0x0  }
0x277: {  	[sflag:s0] =	ssyncadd.s32 @!p0 s1  }
0x278: {  	[bflag:$0x3] =	sbarrier.arrive $0xFFFF  }
0x279: {  	_ =	shalt  }

</sc_bundles>
